<compile_context>
chip_gen: v7x
topology: tpu7x:2x2x1
jax: 0.10.2.dev20260603
libtpu: 0.0.44.dev20260713+nightly
codegen_flags: <defaults>
</compile_context>

<pallas_src>
import jax
import jax.numpy as jnp
from jax import lax
from jax.experimental import pallas as pl
from jax.experimental.pallas import tpu as pltpu
from jax.experimental.pallas import tpu_sc as plsc

SIZE = 1383
P = SIZE * SIZE
N_SIG = 1024 * 1024
NT = 11
ROWW = NT * 256
WPHYS = SIZE * ROWW

SSTR = SIZE + 1
H1_ROWS = 696
H2_ROWS = SIZE - H1_ROWS
H1_SP = H1_ROWS * SSTR
H2_SP = H2_ROWS * SSTR
DUMP1 = H1_SP
DUMP2 = H2_SP
DSPREAD = 2048
SP_ALLOC = H1_SP + DSPREAD

RB = 8
A_LEN = RB * SIZE
C_LEN = RB * SSTR
B_LEN = RB * ROWW
N1BLK = H1_ROWS // RB
N2BLK = H2_ROWS // RB
TAIL_R = H2_ROWS - N2BLK * RB

NZF = SP_ALLOC // B_LEN
ZTAIL = SP_ALLOC - NZF * B_LEN

NW = 16
ELEMS_PER_W = N_SIG // NW
SUB = 16
SCHUNK = ELEMS_PER_W // SUB


def _body(phi2_hbm, val_hbm, idxa_hbm, idxb_hbm, out_hbm,
          a_ref, c_ref, b_ref, idx0, idx1, val0, val1,
          raster, lA, lB, sA, sB):
    wid = lax.axis_index("s")
    iota16 = lax.iota(jnp.int32, 16)
    zeros16 = jnp.zeros((16,), jnp.float32)
    idx_bufs, val_bufs = (idx0, idx1), (val0, val1)
    lsems, ssems = (lA, lB), (sA, sB)

    def zbody(i, c):
        b_ref[pl.ds(i * 16, 16)] = zeros16
        return c
    lax.fori_loop(0, B_LEN // 16, zbody, 0, unroll=8)

    def zero_raster():
        def zc(k, c):
            ch = wid + k * NW
            @pl.when(ch < NZF)
            def _():
                pltpu.sync_copy(b_ref, raster.at[pl.ds(ch * B_LEN, B_LEN)])
            return c
        lax.fori_loop(0, (NZF + NW - 1) // NW, zc, 0)
        @pl.when(wid == 11)
        def _():
            pltpu.sync_copy(b_ref.at[pl.ds(0, ZTAIL)],
                            raster.at[pl.ds(NZF * B_LEN, ZTAIL)])

    def scatter_pass(idx_hbm):
        base = wid * ELEMS_PER_W

        def ld_descs(s, buf):
            e0 = base + s * SCHUNK
            return (pltpu.make_async_copy(idx_hbm.at[pl.ds(e0, SCHUNK)],
                                          idx_bufs[buf], lsems[buf]),
                    pltpu.make_async_copy(val_hbm.at[pl.ds(e0, SCHUNK)],
                                          val_bufs[buf], lsems[buf]))

        def sc_desc(buf):
            return pltpu.make_async_copy(val_bufs[buf],
                                         raster.at[idx_bufs[buf]], ssems[buf])

        def sc_slot(s, t):
            @pl.when(jnp.logical_and(s >= 1, s + 1 < SUB))
            def _():
                sc_desc(1 - t).wait()
            @pl.when(s + 1 < SUB)
            def _():
                for de in ld_descs(s + 1, 1 - t):
                    de.start()
            @pl.when(s < SUB)
            def _():
                for de in ld_descs(s, t):
                    de.wait()
                sc_desc(t).start()

        for de in ld_descs(0, 0):
            de.start()
        def sc_pair(q, c):
            sc_slot(2 * q, 0)
            sc_slot(2 * q + 1, 1)
            return c
        lax.fori_loop(0, SUB // 2, sc_pair, 0)
        sc_desc((SUB - 2) % 2).wait()
        sc_desc((SUB - 1) % 2).wait()

    def copy_rows(nrows):
        def row(r, c2):
            ssrc = r * SSTR
            bdst = r * ROWW
            def tile(jt, c3):
                for k in range(8):
                    sv = plsc.load_gather(
                        c_ref, [ssrc + jt * 128 + k * 16 + iota16])
                    b_ref[pl.ds(bdst + jt * 256 + k * 16, 16)] = sv
                    pv = a_ref[jt, r, pl.ds(k * 16, 16)]
                    b_ref[pl.ds(bdst + jt * 256 + 128 + k * 16, 16)] = pv
                return c3
            lax.fori_loop(0, NT - 1, tile, 0)
            for k in range(6):
                sv = plsc.load_gather(c_ref, [ssrc + 1280 + k * 16 + iota16])
                b_ref[pl.ds(bdst + 2560 + k * 16, 16)] = sv
                pv = a_ref[10, r, pl.ds(k * 16, 16)]
                b_ref[pl.ds(bdst + 2688 + k * 16, 16)] = pv
            m7 = iota16 < 7
            sv = plsc.load_gather(c_ref, [ssrc + 1376 + iota16])
            plsc.store_scatter(b_ref, [bdst + 2656 + iota16], sv, mask=m7)
            pv = a_ref[10, r, pl.ds(96, 16)]
            plsc.store_scatter(b_ref, [bdst + 2784 + iota16], pv, mask=m7)
            return c2
        lax.fori_loop(0, nrows, row, 0)

    def merge_pass(nblk, row_base):
        def mslot(k, c):
            blk = wid + k * NW
            @pl.when(blk < nblk)
            def _():
                g0 = row_base + blk * RB
                pltpu.sync_copy(phi2_hbm.at[row_base // RB + blk], a_ref)
                pltpu.sync_copy(
                    raster.at[pl.ds(blk * RB * SSTR, C_LEN)],
                    c_ref.at[pl.ds(0, C_LEN)])
                copy_rows(RB)
                pltpu.sync_copy(
                    b_ref, out_hbm.at[pl.ds(g0 * ROWW, B_LEN)])
            return c
        lax.fori_loop(0, (nblk + NW - 1) // NW, mslot, 0)

    zero_raster()
    plsc.subcore_barrier()
    scatter_pass(idxa_hbm)
    plsc.subcore_barrier()
    merge_pass(N1BLK, 0)
    plsc.subcore_barrier()

    lax.fori_loop(0, B_LEN // 16, zbody, 0, unroll=8)
    zero_raster()
    plsc.subcore_barrier()
    scatter_pass(idxb_hbm)
    plsc.subcore_barrier()
    merge_pass(N2BLK, H1_ROWS)

    @pl.when(wid == NW - 1)
    def _():
        pltpu.sync_copy(phi2_hbm.at[172], a_ref)
        pltpu.sync_copy(raster.at[pl.ds(N2BLK * RB * SSTR, TAIL_R * SSTR)],
                        c_ref.at[pl.ds(0, TAIL_R * SSTR)])
        copy_rows(TAIL_R)
        pltpu.sync_copy(b_ref.at[pl.ds(0, TAIL_R * ROWW)],
                        out_hbm.at[pl.ds(1376 * ROWW, TAIL_R * ROWW)])


def kernel(x, phi2, koordinates):
    phi2t = jnp.pad(phi2, ((0, 1), (0, 25))).reshape(173, 8, 11, 128)
    phi2t = phi2t.transpose(0, 2, 1, 3)
    xf = x.reshape(-1)
    p = koordinates[:N_SIG, 0].astype(jnp.int32)
    row = p // SIZE
    col = p - row * SIZE
    spread = jnp.bitwise_and(p, DSPREAD - 1)
    idxa = jnp.where(row < H1_ROWS, row * SSTR + col, DUMP1 + spread)
    idxb = jnp.where(row >= H1_ROWS, (row - H1_ROWS) * SSTR + col,
                     DUMP2 + spread)

    mesh = plsc.VectorSubcoreMesh(core_axis_name="c", subcore_axis_name="s",
                                  num_cores=1, num_subcores=NW)
    out = pl.kernel(
        _body,
        out_type=jax.ShapeDtypeStruct((WPHYS,), jnp.float32),
        mesh=mesh,
        compiler_params=pltpu.CompilerParams(needs_layout_passes=False),
        scratch_types=[
            pltpu.VMEM((11, 8, 128), jnp.float32),
            pltpu.VMEM((C_LEN + 16,), jnp.float32),
            pltpu.VMEM((B_LEN,), jnp.float32),
            pltpu.VMEM((SCHUNK,), jnp.int32),
            pltpu.VMEM((SCHUNK,), jnp.int32),
            pltpu.VMEM((SCHUNK,), jnp.float32),
            pltpu.VMEM((SCHUNK,), jnp.float32),
            pltpu.VMEM_SHARED((SP_ALLOC,), jnp.float32),
            pltpu.SemaphoreType.DMA,
            pltpu.SemaphoreType.DMA,
            pltpu.SemaphoreType.DMA,
            pltpu.SemaphoreType.DMA,
        ],
    )(phi2t, xf, idxa, idxb)
    a4 = out.reshape(SIZE, NT, 2, 128)
    full = a4.transpose(0, 1, 3, 2).reshape(SIZE, NT * 128, 2)
    return full[:, :SIZE, :].reshape(1, SIZE, SIZE, 2)

# --- scband reference (transcript-rebuilt; emitter-appended) ---
"""Pipeline reference for scband-spiral1-d-12601434046975 (READ-ONLY COPY).

The authoritative reference and input builder live on the scoring server;
editing this copy changes nothing except your own understanding.
"""

import jax, jax.numpy as jnp
import numpy as np

PI = 3.141592653589793


def _build(signal_length):
    # Mirrors Spiral1D.build: size of the square spiral grid
    size_f = np.sqrt(np.float32(signal_length) / (np.float32(PI) / 4.0 * 0.7))
    size_f = np.round(size_f / 2.0) * 2.0 + 1.0
    size = int(size_f)
    # __create_grid2d
    rnge = np.arange(size, dtype=np.float32) - np.float32(size_f) / 2.0 + np.float32(0.5)
    x1, x2 = np.meshgrid(rnge, rnge)  # default 'xy' indexing matches tf.meshgrid
    # __create_circular_grid
    r = np.sqrt(np.abs(x1 * x1 + x2 * x2)).astype(np.float32)
    with np.errstate(divide='ignore', invalid='ignore'):
        phi = np.arccos((x1 / r).astype(np.float32))
    phi = np.where(np.isnan(phi), np.float32(0.0), phi)
    phi = phi * np.sign(x2)
    is_pi = ((x2 == 0) & (x1 < 0)).astype(np.float32) * np.float32(PI)
    phi = phi + is_pi
    phi2 = (np.round(r) * 2.0 * np.float32(PI) + phi).astype(np.float32)
    koord = np.argsort(phi2.reshape(-1), kind='stable').astype(np.int64).reshape(-1, 1)
    return jnp.asarray(phi2), jnp.asarray(koord), size


def setup_inputs(seed: int = 0):
    key = jax.random.key(seed)
    B, H, W = 1, 1024, 1024  # 1,048,576-sample signal -> 1383x1383 spiral grid
    x = jax.random.normal(key, (B, H, W), dtype=jnp.float32)
    phi2, koordinates, _ = _build(H * W)
    return {"x": x, "phi2": phi2, "koordinates": koordinates}


def reference(x, phi2, koordinates):
    size = phi2.shape[0]
    signal = jnp.reshape(x, (-1,))
    n = signal.shape[0]
    idx = koordinates[:n, 0]
    # sparse scatter of the flat signal into the size*size spiral raster
    dense = jnp.zeros((size * size,), dtype=signal.dtype).at[idx].set(signal)
    spiral = jnp.reshape(dense, (size, size))
    out = jnp.stack([spiral, phi2], axis=-1)
    return jnp.expand_dims(out, axis=0)

if __name__ == "__main__":
    import jax
    _d = setup_inputs()
    print(jax.jit(kernel)(*tuple(_d.values())))

</pallas_src>

<mosaic_0001>
#map = affine_map<(d0, d1) -> (0, 0, 0, 0)>
#map1 = affine_map<(d0, d1) -> (0)>
module attributes {stable_mosaic.version = 14 : i64} {
  func.func @_body(%arg0: i32, %arg1: i32, %arg2: memref<173x11x8x128xf32, #tpu.memory_space<hbm>>, %arg3: memref<1048576xf32, #tpu.memory_space<hbm>>, %arg4: memref<1048576xi32, #tpu.memory_space<hbm>>, %arg5: memref<1048576xi32, #tpu.memory_space<hbm>>, %arg6: memref<3894528xf32, #tpu.memory_space<hbm>>, %arg7: memref<11x8x128xf32, #tpu.memory_space<vmem>>, %arg8: memref<11088xf32, #tpu.memory_space<vmem>>, %arg9: memref<22528xf32, #tpu.memory_space<vmem>>, %arg10: memref<4096xi32, #tpu.memory_space<vmem>>, %arg11: memref<4096xi32, #tpu.memory_space<vmem>>, %arg12: memref<4096xf32, #tpu.memory_space<vmem>>, %arg13: memref<4096xf32, #tpu.memory_space<vmem>>, %arg14: memref<965312xf32, #tpu.memory_space<vmem_shared>>, %arg15: memref<!tpu.dma_semaphore, #tpu.memory_space<semaphore_mem>>, %arg16: memref<!tpu.dma_semaphore, #tpu.memory_space<semaphore_mem>>, %arg17: memref<!tpu.dma_semaphore, #tpu.memory_space<semaphore_mem>>, %arg18: memref<!tpu.dma_semaphore, #tpu.memory_space<semaphore_mem>>) attributes {dimension_semantics = [#tpu.dimension_semantics<core_parallel>, #tpu.dimension_semantics<subcore_parallel>], iteration_bounds = array<i64: 1, 16>, scalar_prefetch = 0 : i64, scratch_operands = 12 : i64, tpu.core_type = #tpu.core_type<sc_vector_subcore>, window_params = [{transform_indices = #map}, {transform_indices = #map1}, {transform_indices = #map1}, {transform_indices = #map1}, {transform_indices = #map1}]} {
    %iota3A = tpu.iota {dimensions = array<i32: 0>} : vector<16xi32>
    %broadcast_in_dim3A = arith.constant 0.000000e+00 : f32
    %broadcast_in_dim3A_0 = vector.broadcast %broadcast_in_dim3A : f32 to vector<16xf32>
    %scan3A = arith.constant 0 : i32
    %scan3A_1 = arith.constant 0 : i32
    %scan3A_2 = arith.constant 1408 : i32
    %scan3A_3 = arith.addi %scan3A_1, %scan3A_2 : i32
    %scan3A_4 = arith.constant 8 : i32
    scf.for %scan3A_84 = %scan3A_1 to %scan3A_3 step %scan3A_4  : i32 {
      %mul3A_85 = arith.constant 16 : i32
      %mul3A_86 = arith.muli %scan3A_84, %mul3A_85 : i32
      %swap3A = arith.index_cast %mul3A_86 : i32 to index
      %swap3A_87 = tpu.vector_load %arg9[%swap3A] {strides = array<i32>} : memref<22528xf32, #tpu.memory_space<vmem>>, vector<16xf32>,
      tpu.vector_store %arg9[%swap3A], %broadcast_in_dim3A_0 {strides = array<i32>} : memref<22528xf32, #tpu.memory_space<vmem>>, vector<16xf32>,
      %scan3A_88 = arith.constant 1 : i32
      %scan3A_89 = arith.addi %scan3A_84, %scan3A_88 : i32
      %mul3A_90 = arith.constant 16 : i32
      %mul3A_91 = arith.muli %scan3A_89, %mul3A_90 : i32
      %swap3A_92 = arith.index_cast %mul3A_91 : i32 to index
      %swap3A_93 = tpu.vector_load %arg9[%swap3A_92] {strides = array<i32>} : memref<22528xf32, #tpu.memory_space<vmem>>, vector<16xf32>,
      tpu.vector_store %arg9[%swap3A_92], %broadcast_in_dim3A_0 {strides = array<i32>} : memref<22528xf32, #tpu.memory_space<vmem>>, vector<16xf32>,
      %scan3A_94 = arith.constant 2 : i32
      %scan3A_95 = arith.addi %scan3A_84, %scan3A_94 : i32
      %mul3A_96 = arith.constant 16 : i32
      %mul3A_97 = arith.muli %scan3A_95, %mul3A_96 : i32
      %swap3A_98 = arith.index_cast %mul3A_97 : i32 to index
      %swap3A_99 = tpu.vector_load %arg9[%swap3A_98] {strides = array<i32>} : memref<22528xf32, #tpu.memory_space<vmem>>, vector<16xf32>,
      tpu.vector_store %arg9[%swap3A_98], %broadcast_in_dim3A_0 {strides = array<i32>} : memref<22528xf32, #tpu.memory_space<vmem>>, vector<16xf32>,
      %scan3A_100 = arith.constant 3 : i32
      %scan3A_101 = arith.addi %scan3A_84, %scan3A_100 : i32
      %mul3A_102 = arith.constant 16 : i32
      %mul3A_103 = arith.muli %scan3A_101, %mul3A_102 : i32
      %swap3A_104 = arith.index_cast %mul3A_103 : i32 to index
      %swap3A_105 = tpu.vector_load %arg9[%swap3A_104] {strides = array<i32>} : memref<22528xf32, #tpu.memory_space<vmem>>, vector<16xf32>,
      tpu.vector_store %arg9[%swap3A_104], %broadcast_in_dim3A_0 {strides = array<i32>} : memref<22528xf32, #tpu.memory_space<vmem>>, vector<16xf32>,
      %scan3A_106 = arith.constant 4 : i32
      %scan3A_107 = arith.addi %scan3A_84, %scan3A_106 : i32
      %mul3A_108 = arith.constant 16 : i32
      %mul3A_109 = arith.muli %scan3A_107, %mul3A_108 : i32
      %swap3A_110 = arith.index_cast %mul3A_109 : i32 to index
      %swap3A_111 = tpu.vector_load %arg9[%swap3A_110] {strides = array<i32>} : memref<22528xf32, #tpu.memory_space<vmem>>, vector<16xf32>,
      tpu.vector_store %arg9[%swap3A_110], %broadcast_in_dim3A_0 {strides = array<i32>} : memref<22528xf32, #tpu.memory_space<vmem>>, vector<16xf32>,
      %scan3A_112 = arith.constant 5 : i32
      %scan3A_113 = arith.addi %scan3A_84, %scan3A_112 : i32
      %mul3A_114 = arith.constant 16 : i32
      %mul3A_115 = arith.muli %scan3A_113, %mul3A_114 : i32
      %swap3A_116 = arith.index_cast %mul3A_115 : i32 to index
      %swap3A_117 = tpu.vector_load %arg9[%swap3A_116] {strides = array<i32>} : memref<22528xf32, #tpu.memory_space<vmem>>, vector<16xf32>,
      tpu.vector_store %arg9[%swap3A_116], %broadcast_in_dim3A_0 {strides = array<i32>} : memref<22528xf32, #tpu.memory_space<vmem>>, vector<16xf32>,
      %scan3A_118 = arith.constant 6 : i32
      %scan3A_119 = arith.addi %scan3A_84, %scan3A_118 : i32
      %mul3A_120 = arith.constant 16 : i32
      %mul3A_121 = arith.muli %scan3A_119, %mul3A_120 : i32
      %swap3A_122 = arith.index_cast %mul3A_121 : i32 to index
      %swap3A_123 = tpu.vector_load %arg9[%swap3A_122] {strides = array<i32>} : memref<22528xf32, #tpu.memory_space<vmem>>, vector<16xf32>,
      tpu.vector_store %arg9[%swap3A_122], %broadcast_in_dim3A_0 {strides = array<i32>} : memref<22528xf32, #tpu.memory_space<vmem>>, vector<16xf32>,
      %scan3A_124 = arith.constant 7 : i32
      %scan3A_125 = arith.addi %scan3A_84, %scan3A_124 : i32
      %mul3A_126 = arith.constant 16 : i32
      %mul3A_127 = arith.muli %scan3A_125, %mul3A_126 : i32
      %swap3A_128 = arith.index_cast %mul3A_127 : i32 to index
      %swap3A_129 = tpu.vector_load %arg9[%swap3A_128] {strides = array<i32>} : memref<22528xf32, #tpu.memory_space<vmem>>, vector<16xf32>,
      tpu.vector_store %arg9[%swap3A_128], %broadcast_in_dim3A_0 {strides = array<i32>} : memref<22528xf32, #tpu.memory_space<vmem>>, vector<16xf32>,
    }
    %scan3A_5 = arith.constant 1408 : i32
    %scan3A_6 = arith.constant 0 : i32
    %scan3A_7 = arith.constant 0 : i32
    %scan3A_8 = arith.constant 3 : i32
    %scan3A_9 = arith.addi %scan3A_7, %scan3A_8 : i32
    %scan3A_10 = arith.constant 1 : i32
    scf.for %scan3A_84 = %scan3A_7 to %scan3A_9 step %scan3A_10  : i32 {
      %mul3A_85 = arith.constant 16 : i32
      %mul3A_86 = arith.muli %scan3A_84, %mul3A_85 : i32
      %add3A_87 = arith.addi %arg1, %mul3A_86 : i32
      %lt3A = arith.constant 42 : i32
      %lt3A_88 = arith.cmpi slt, %add3A_87, %lt3A : i32
      %convert_element_type3A_89 = arith.extui %lt3A_88 : i1 to i32
      %cond3A_90 = arith.constant 0 : i32
      %cond3A_91 = arith.cmpi ne, %convert_element_type3A_89, %cond3A_90 : i32
      scf.if %cond3A_91 {
        %mul3A_92 = arith.constant 22528 : i32
        %mul3A_93 = arith.muli %add3A_87, %mul3A_92 : i32
        "tpu.region"() ({
          %run_scoped3A = tpu.sem_alloc : memref<!tpu.dma_semaphore, #tpu.memory_space<semaphore_mem>>
          %dma_start3A_94 = tpu.memref_slice %arg14[%mul3A_93] : memref<965312xf32, #tpu.memory_space<vmem_shared>> -> memref<22528xf32, #tpu.memory_space<vmem_shared>>
          %dma_start3A_95 = tpu.memref_slice %arg14[%mul3A_93] : memref<965312xf32, #tpu.memory_space<vmem_shared>> -> memref<22528xf32, #tpu.memory_space<vmem_shared>>
          tpu.enqueue_dma source(%arg9 : memref<22528xf32, #tpu.memory_space<vmem>>) target(%dma_start3A_95 : memref<22528xf32, #tpu.memory_space<vmem_shared>>) target_semaphore(%run_scoped3A : memref<!tpu.dma_semaphore, #tpu.memory_space<semaphore_mem>>)
          %dma_wait3A_96 = tpu.memref_slice %arg14[%mul3A_93] : memref<965312xf32, #tpu.memory_space<vmem_shared>> -> memref<22528xf32, #tpu.memory_space<vmem_shared>>
          %dma_wait3A_97 = tpu.memref_slice %arg14[%mul3A_93] : memref<965312xf32, #tpu.memory_space<vmem_shared>> -> memref<22528xf32, #tpu.memory_space<vmem_shared>>
          tpu.wait_dma2 semaphore(%run_scoped3A : memref<!tpu.dma_semaphore, #tpu.memory_space<semaphore_mem>>) src(%arg9 : memref<22528xf32, #tpu.memory_space<vmem>>) dst(%dma_wait3A_97 : memref<22528xf32, #tpu.memory_space<vmem_shared>>)
          tpu.yield
        }) : () -> ()
      } else {
      }
    }
    %scan3A_11 = arith.constant 3 : i32
    %eq3A = arith.constant 11 : i32
    %eq3A_12 = arith.cmpi eq, %arg1, %eq3A : i32
    %convert_element_type3A = arith.extui %eq3A_12 : i1 to i32
    %cond3A = arith.constant 0 : i32
    %cond3A_13 = arith.cmpi ne, %convert_element_type3A, %cond3A : i32
    scf.if %cond3A_13 {
      "tpu.region"() ({
        %run_scoped3A = tpu.sem_alloc : memref<!tpu.dma_semaphore, #tpu.memory_space<semaphore_mem>>
        %dma_start3A_84 = arith.constant 0 : i32
        %dma_start3A_85 = tpu.memref_slice %arg9[%dma_start3A_84] : memref<22528xf32, #tpu.memory_space<vmem>> -> memref<19136xf32, #tpu.memory_space<vmem>>
        %dma_start3A_86 = arith.constant 946176 : i32
        %dma_start3A_87 = tpu.memref_slice %arg14[%dma_start3A_86] : memref<965312xf32, #tpu.memory_space<vmem_shared>> -> memref<19136xf32, #tpu.memory_space<vmem_shared>>
        %dma_start3A_88 = arith.constant 946176 : i32
        %dma_start3A_89 = tpu.memref_slice %arg14[%dma_start3A_88] : memref<965312xf32, #tpu.memory_space<vmem_shared>> -> memref<19136xf32, #tpu.memory_space<vmem_shared>>
        %dma_start3A_90 = arith.constant 0 : i32
        %dma_start3A_91 = tpu.memref_slice %arg9[%dma_start3A_90] : memref<22528xf32, #tpu.memory_space<vmem>> -> memref<19136xf32, #tpu.memory_space<vmem>>
        tpu.enqueue_dma source(%dma_start3A_91 : memref<19136xf32, #tpu.memory_space<vmem>>) target(%dma_start3A_89 : memref<19136xf32, #tpu.memory_space<vmem_shared>>) target_semaphore(%run_scoped3A : memref<!tpu.dma_semaphore, #tpu.memory_space<semaphore_mem>>)
        %dma_wait3A_92 = arith.constant 0 : i32
        %dma_wait3A_93 = tpu.memref_slice %arg9[%dma_wait3A_92] : memref<22528xf32, #tpu.memory_space<vmem>> -> memref<19136xf32, #tpu.memory_space<vmem>>
        %dma_wait3A_94 = arith.constant 946176 : i32
        %dma_wait3A_95 = tpu.memref_slice %arg14[%dma_wait3A_94] : memref<965312xf32, #tpu.memory_space<vmem_shared>> -> memref<19136xf32, #tpu.memory_space<vmem_shared>>
        %dma_wait3A_96 = arith.constant 946176 : i32
        %dma_wait3A_97 = tpu.memref_slice %arg14[%dma_wait3A_96] : memref<965312xf32, #tpu.memory_space<vmem_shared>> -> memref<19136xf32, #tpu.memory_space<vmem_shared>>
        %dma_wait3A_98 = arith.constant 0 : i32
        %dma_wait3A_99 = tpu.memref_slice %arg9[%dma_wait3A_98] : memref<22528xf32, #tpu.memory_space<vmem>> -> memref<19136xf32, #tpu.memory_space<vmem>>
        tpu.wait_dma2 semaphore(%run_scoped3A : memref<!tpu.dma_semaphore, #tpu.memory_space<semaphore_mem>>) src(%dma_wait3A_99 : memref<19136xf32, #tpu.memory_space<vmem>>) dst(%dma_wait3A_97 : memref<19136xf32, #tpu.memory_space<vmem_shared>>)
        tpu.yield
      }) : () -> ()
    } else {
    }
    %barrier3A = arith.constant 0 : index
    tpu.barrier barrier_id(%barrier3A)
    %mul3A = arith.constant 65536 : i32
    %mul3A_14 = arith.muli %arg1, %mul3A : i32
    %add3A = arith.constant 0 : i32
    %add3A_15 = arith.addi %mul3A_14, %add3A : i32
    %dma_start3A = tpu.memref_slice %arg4[%add3A_15] : memref<1048576xi32, #tpu.memory_space<hbm>> -> memref<4096xi32, #tpu.memory_space<hbm>>
    %dma_start3A_16 = tpu.memref_slice %arg4[%add3A_15] : memref<1048576xi32, #tpu.memory_space<hbm>> -> memref<4096xi32, #tpu.memory_space<hbm>>
    tpu.enqueue_dma source(%dma_start3A_16 : memref<4096xi32, #tpu.memory_space<hbm>>) target(%arg10 : memref<4096xi32, #tpu.memory_space<vmem>>) target_semaphore(%arg15 : memref<!tpu.dma_semaphore, #tpu.memory_space<semaphore_mem>>)
    %dma_start3A_17 = tpu.memref_slice %arg3[%add3A_15] : memref<1048576xf32, #tpu.memory_space<hbm>> -> memref<4096xf32, #tpu.memory_space<hbm>>
    %dma_start3A_18 = tpu.memref_slice %arg3[%add3A_15] : memref<1048576xf32, #tpu.memory_space<hbm>> -> memref<4096xf32, #tpu.memory_space<hbm>>
    tpu.enqueue_dma source(%dma_start3A_18 : memref<4096xf32, #tpu.memory_space<hbm>>) target(%arg12 : memref<4096xf32, #tpu.memory_space<vmem>>) target_semaphore(%arg15 : memref<!tpu.dma_semaphore, #tpu.memory_space<semaphore_mem>>)
    %scan3A_19 = arith.constant 0 : i32
    %scan3A_20 = arith.constant 0 : i32
    %scan3A_21 = arith.constant 8 : i32
    %scan3A_22 = arith.addi %scan3A_20, %scan3A_21 : i32
    %scan3A_23 = arith.constant 1 : i32
    scf.for %scan3A_84 = %scan3A_20 to %scan3A_22 step %scan3A_23  : i32 {
      %mul3A_85 = arith.constant 2 : i32
      %mul3A_86 = arith.muli %mul3A_85, %scan3A_84 : i32
      %ge3A = arith.constant 1 : i32
      %ge3A_87 = arith.cmpi sge, %mul3A_86, %ge3A : i32
      %add3A_88 = arith.constant 1 : i32
      %add3A_89 = arith.addi %mul3A_86, %add3A_88 : i32
      %lt3A = arith.constant 16 : i32
      %lt3A_90 = arith.cmpi slt, %add3A_89, %lt3A : i32
      %and3A = arith.andi %ge3A_87, %lt3A_90 : i1
      %convert_element_type3A_91 = arith.extui %and3A : i1 to i32
      %cond3A_92 = arith.constant 0 : i32
      %cond3A_93 = arith.cmpi ne, %convert_element_type3A_91, %cond3A_92 : i32
      scf.if %cond3A_93 {
        %dma_wait3A_132 = arith.constant 0 : i32
        %dma_wait3A_133 = tpu.memref_slice %arg14[%dma_wait3A_132] : memref<965312xf32, #tpu.memory_space<vmem_shared>> -> memref<965312xf32, #tpu.memory_space<vmem_shared>>
        tpu.wait_indirect_dma semaphore(%arg18 : memref<!tpu.dma_semaphore, #tpu.memory_space<semaphore_mem>>) src(%arg13 : memref<4096xf32, #tpu.memory_space<vmem>>) dst(%dma_wait3A_133 : memref<965312xf32, #tpu.memory_space<vmem_shared>>)
      } else {
      }
      %add3A_94 = arith.constant 1 : i32
      %add3A_95 = arith.addi %mul3A_86, %add3A_94 : i32
      %lt3A_96 = arith.constant 16 : i32
      %lt3A_97 = arith.cmpi slt, %add3A_95, %lt3A_96 : i32
      %convert_element_type3A_98 = arith.extui %lt3A_97 : i1 to i32
      %cond3A_99 = arith.constant 0 : i32
      %cond3A_100 = arith.cmpi ne, %convert_element_type3A_98, %cond3A_99 : i32
      scf.if %cond3A_100 {
        %add3A_132 = arith.constant 1 : i32
        %add3A_133 = arith.addi %mul3A_86, %add3A_132 : i32
        %mul3A_134 = arith.constant 4096 : i32
        %mul3A_135 = arith.muli %add3A_133, %mul3A_134 : i32
        %add3A_136 = arith.addi %mul3A_14, %mul3A_135 : i32
        %dma_start3A_137 = tpu.memref_slice %arg4[%add3A_136] : memref<1048576xi32, #tpu.memory_space<hbm>> -> memref<4096xi32, #tpu.memory_space<hbm>>
        %dma_start3A_138 = tpu.memref_slice %arg4[%add3A_136] : memref<1048576xi32, #tpu.memory_space<hbm>> -> memref<4096xi32, #tpu.memory_space<hbm>>
        tpu.enqueue_dma source(%dma_start3A_138 : memref<4096xi32, #tpu.memory_space<hbm>>) target(%arg11 : memref<4096xi32, #tpu.memory_space<vmem>>) target_semaphore(%arg16 : memref<!tpu.dma_semaphore, #tpu.memory_space<semaphore_mem>>)
        %dma_start3A_139 = tpu.memref_slice %arg3[%add3A_136] : memref<1048576xf32, #tpu.memory_space<hbm>> -> memref<4096xf32, #tpu.memory_space<hbm>>
        %dma_start3A_140 = tpu.memref_slice %arg3[%add3A_136] : memref<1048576xf32, #tpu.memory_space<hbm>> -> memref<4096xf32, #tpu.memory_space<hbm>>
        tpu.enqueue_dma source(%dma_start3A_140 : memref<4096xf32, #tpu.memory_space<hbm>>) target(%arg13 : memref<4096xf32, #tpu.memory_space<vmem>>) target_semaphore(%arg16 : memref<!tpu.dma_semaphore, #tpu.memory_space<semaphore_mem>>)
      } else {
      }
      %lt3A_101 = arith.constant 16 : i32
      %lt3A_102 = arith.cmpi slt, %mul3A_86, %lt3A_101 : i32
      %convert_element_type3A_103 = arith.extui %lt3A_102 : i1 to i32
      %cond3A_104 = arith.constant 0 : i32
      %cond3A_105 = arith.cmpi ne, %convert_element_type3A_103, %cond3A_104 : i32
      scf.if %cond3A_105 {
        %mul3A_132 = arith.constant 4096 : i32
        %mul3A_133 = arith.muli %mul3A_86, %mul3A_132 : i32
        %add3A_134 = arith.addi %mul3A_14, %mul3A_133 : i32
        %dma_wait3A_135 = tpu.memref_slice %arg4[%add3A_134] : memref<1048576xi32, #tpu.memory_space<hbm>> -> memref<4096xi32, #tpu.memory_space<hbm>>
        %dma_wait3A_136 = tpu.memref_slice %arg4[%add3A_134] : memref<1048576xi32, #tpu.memory_space<hbm>> -> memref<4096xi32, #tpu.memory_space<hbm>>
        tpu.wait_dma2 semaphore(%arg15 : memref<!tpu.dma_semaphore, #tpu.memory_space<semaphore_mem>>) src(%dma_wait3A_136 : memref<4096xi32, #tpu.memory_space<hbm>>) dst(%arg10 : memref<4096xi32, #tpu.memory_space<vmem>>)
        %dma_wait3A_137 = tpu.memref_slice %arg3[%add3A_134] : memref<1048576xf32, #tpu.memory_space<hbm>> -> memref<4096xf32, #tpu.memory_space<hbm>>
        %dma_wait3A_138 = tpu.memref_slice %arg3[%add3A_134] : memref<1048576xf32, #tpu.memory_space<hbm>> -> memref<4096xf32, #tpu.memory_space<hbm>>
        tpu.wait_dma2 semaphore(%arg15 : memref<!tpu.dma_semaphore, #tpu.memory_space<semaphore_mem>>) src(%dma_wait3A_138 : memref<4096xf32, #tpu.memory_space<hbm>>) dst(%arg12 : memref<4096xf32, #tpu.memory_space<vmem>>)
        %dma_start3A_139 = arith.constant 0 : i32
        %dma_start3A_140 = tpu.memref_slice %arg14[%dma_start3A_139] : memref<965312xf32, #tpu.memory_space<vmem_shared>> -> memref<965312xf32, #tpu.memory_space<vmem_shared>>
        tpu.enqueue_indirect_dma source(%arg12 : memref<4096xf32, #tpu.memory_space<vmem>>) target(%dma_start3A_140 : memref<965312xf32, #tpu.memory_space<vmem_shared>>) offsets(%arg10 : memref<4096xi32, #tpu.memory_space<vmem>>) semaphore(%arg17 : memref<!tpu.dma_semaphore, #tpu.memory_space<semaphore_mem>>)
      } else {
      }
      %mul3A_106 = arith.constant 2 : i32
      %mul3A_107 = arith.muli %mul3A_106, %scan3A_84 : i32
      %add3A_108 = arith.constant 1 : i32
      %add3A_109 = arith.addi %mul3A_107, %add3A_108 : i32
      %ge3A_110 = arith.constant 1 : i32
      %ge3A_111 = arith.cmpi sge, %add3A_109, %ge3A_110 : i32
      %add3A_112 = arith.constant 1 : i32
      %add3A_113 = arith.addi %add3A_109, %add3A_112 : i32
      %lt3A_114 = arith.constant 16 : i32
      %lt3A_115 = arith.cmpi slt, %add3A_113, %lt3A_114 : i32
      %and3A_116 = arith.andi %ge3A_111, %lt3A_115 : i1
      %convert_element_type3A_117 = arith.extui %and3A_116 : i1 to i32
      %cond3A_118 = arith.constant 0 : i32
      %cond3A_119 = arith.cmpi ne, %convert_element_type3A_117, %cond3A_118 : i32
      scf.if %cond3A_119 {
        %dma_wait3A_132 = arith.constant 0 : i32
        %dma_wait3A_133 = tpu.memref_slice %arg14[%dma_wait3A_132] : memref<965312xf32, #tpu.memory_space<vmem_shared>> -> memref<965312xf32, #tpu.memory_space<vmem_shared>>
        tpu.wait_indirect_dma semaphore(%arg17 : memref<!tpu.dma_semaphore, #tpu.memory_space<semaphore_mem>>) src(%arg12 : memref<4096xf32, #tpu.memory_space<vmem>>) dst(%dma_wait3A_133 : memref<965312xf32, #tpu.memory_space<vmem_shared>>)
      } else {
      }
      %add3A_120 = arith.constant 1 : i32
      %add3A_121 = arith.addi %add3A_109, %add3A_120 : i32
      %lt3A_122 = arith.constant 16 : i32
      %lt3A_123 = arith.cmpi slt, %add3A_121, %lt3A_122 : i32
      %convert_element_type3A_124 = arith.extui %lt3A_123 : i1 to i32
      %cond3A_125 = arith.constant 0 : i32
      %cond3A_126 = arith.cmpi ne, %convert_element_type3A_124, %cond3A_125 : i32
      scf.if %cond3A_126 {
        %add3A_132 = arith.constant 1 : i32
        %add3A_133 = arith.addi %add3A_109, %add3A_132 : i32
        %mul3A_134 = arith.constant 4096 : i32
        %mul3A_135 = arith.muli %add3A_133, %mul3A_134 : i32
        %add3A_136 = arith.addi %mul3A_14, %mul3A_135 : i32
        %dma_start3A_137 = tpu.memref_slice %arg4[%add3A_136] : memref<1048576xi32, #tpu.memory_space<hbm>> -> memref<4096xi32, #tpu.memory_space<hbm>>
        %dma_start3A_138 = tpu.memref_slice %arg4[%add3A_136] : memref<1048576xi32, #tpu.memory_space<hbm>> -> memref<4096xi32, #tpu.memory_space<hbm>>
        tpu.enqueue_dma source(%dma_start3A_138 : memref<4096xi32, #tpu.memory_space<hbm>>) target(%arg10 : memref<4096xi32, #tpu.memory_space<vmem>>) target_semaphore(%arg15 : memref<!tpu.dma_semaphore, #tpu.memory_space<semaphore_mem>>)
        %dma_start3A_139 = tpu.memref_slice %arg3[%add3A_136] : memref<1048576xf32, #tpu.memory_space<hbm>> -> memref<4096xf32, #tpu.memory_space<hbm>>
        %dma_start3A_140 = tpu.memref_slice %arg3[%add3A_136] : memref<1048576xf32, #tpu.memory_space<hbm>> -> memref<4096xf32, #tpu.memory_space<hbm>>
        tpu.enqueue_dma source(%dma_start3A_140 : memref<4096xf32, #tpu.memory_space<hbm>>) target(%arg12 : memref<4096xf32, #tpu.memory_space<vmem>>) target_semaphore(%arg15 : memref<!tpu.dma_semaphore, #tpu.memory_space<semaphore_mem>>)
      } else {
      }
      %lt3A_127 = arith.constant 16 : i32
      %lt3A_128 = arith.cmpi slt, %add3A_109, %lt3A_127 : i32
      %convert_element_type3A_129 = arith.extui %lt3A_128 : i1 to i32
      %cond3A_130 = arith.constant 0 : i32
      %cond3A_131 = arith.cmpi ne, %convert_element_type3A_129, %cond3A_130 : i32
      scf.if %cond3A_131 {
        %mul3A_132 = arith.constant 4096 : i32
        %mul3A_133 = arith.muli %add3A_109, %mul3A_132 : i32
        %add3A_134 = arith.addi %mul3A_14, %mul3A_133 : i32
        %dma_wait3A_135 = tpu.memref_slice %arg4[%add3A_134] : memref<1048576xi32, #tpu.memory_space<hbm>> -> memref<4096xi32, #tpu.memory_space<hbm>>
        %dma_wait3A_136 = tpu.memref_slice %arg4[%add3A_134] : memref<1048576xi32, #tpu.memory_space<hbm>> -> memref<4096xi32, #tpu.memory_space<hbm>>
        tpu.wait_dma2 semaphore(%arg16 : memref<!tpu.dma_semaphore, #tpu.memory_space<semaphore_mem>>) src(%dma_wait3A_136 : memref<4096xi32, #tpu.memory_space<hbm>>) dst(%arg11 : memref<4096xi32, #tpu.memory_space<vmem>>)
        %dma_wait3A_137 = tpu.memref_slice %arg3[%add3A_134] : memref<1048576xf32, #tpu.memory_space<hbm>> -> memref<4096xf32, #tpu.memory_space<hbm>>
        %dma_wait3A_138 = tpu.memref_slice %arg3[%add3A_134] : memref<1048576xf32, #tpu.memory_space<hbm>> -> memref<4096xf32, #tpu.memory_space<hbm>>
        tpu.wait_dma2 semaphore(%arg16 : memref<!tpu.dma_semaphore, #tpu.memory_space<semaphore_mem>>) src(%dma_wait3A_138 : memref<4096xf32, #tpu.memory_space<hbm>>) dst(%arg13 : memref<4096xf32, #tpu.memory_space<vmem>>)
        %dma_start3A_139 = arith.constant 0 : i32
        %dma_start3A_140 = tpu.memref_slice %arg14[%dma_start3A_139] : memref<965312xf32, #tpu.memory_space<vmem_shared>> -> memref<965312xf32, #tpu.memory_space<vmem_shared>>
        tpu.enqueue_indirect_dma source(%arg13 : memref<4096xf32, #tpu.memory_space<vmem>>) target(%dma_start3A_140 : memref<965312xf32, #tpu.memory_space<vmem_shared>>) offsets(%arg11 : memref<4096xi32, #tpu.memory_space<vmem>>) semaphore(%arg18 : memref<!tpu.dma_semaphore, #tpu.memory_space<semaphore_mem>>)
      } else {
      }
    }
    %scan3A_24 = arith.constant 8 : i32
    %dma_wait3A = arith.constant 0 : i32
    %dma_wait3A_25 = tpu.memref_slice %arg14[%dma_wait3A] : memref<965312xf32, #tpu.memory_space<vmem_shared>> -> memref<965312xf32, #tpu.memory_space<vmem_shared>>
    tpu.wait_indirect_dma semaphore(%arg17 : memref<!tpu.dma_semaphore, #tpu.memory_space<semaphore_mem>>) src(%arg12 : memref<4096xf32, #tpu.memory_space<vmem>>) dst(%dma_wait3A_25 : memref<965312xf32, #tpu.memory_space<vmem_shared>>)
    %dma_wait3A_26 = arith.constant 0 : i32
    %dma_wait3A_27 = tpu.memref_slice %arg14[%dma_wait3A_26] : memref<965312xf32, #tpu.memory_space<vmem_shared>> -> memref<965312xf32, #tpu.memory_space<vmem_shared>>
    tpu.wait_indirect_dma semaphore(%arg18 : memref<!tpu.dma_semaphore, #tpu.memory_space<semaphore_mem>>) src(%arg13 : memref<4096xf32, #tpu.memory_space<vmem>>) dst(%dma_wait3A_27 : memref<965312xf32, #tpu.memory_space<vmem_shared>>)
    %barrier3A_28 = arith.constant 0 : index
    tpu.barrier barrier_id(%barrier3A_28)
    %scan3A_29 = arith.constant 0 : i32
    %scan3A_30 = arith.constant 0 : i32
    %scan3A_31 = arith.constant 6 : i32
    %scan3A_32 = arith.addi %scan3A_30, %scan3A_31 : i32
    %scan3A_33 = arith.constant 1 : i32
    scf.for %scan3A_84 = %scan3A_30 to %scan3A_32 step %scan3A_33  : i32 {
      %mul3A_85 = arith.constant 16 : i32
      %mul3A_86 = arith.muli %scan3A_84, %mul3A_85 : i32
      %add3A_87 = arith.addi %arg1, %mul3A_86 : i32
      %lt3A = arith.constant 87 : i32
      %lt3A_88 = arith.cmpi slt, %add3A_87, %lt3A : i32
      %convert_element_type3A_89 = arith.extui %lt3A_88 : i1 to i32
      %cond3A_90 = arith.constant 0 : i32
      %cond3A_91 = arith.cmpi ne, %convert_element_type3A_89, %cond3A_90 : i32
      scf.if %cond3A_91 {
        %mul3A_92 = arith.constant 8 : i32
        %mul3A_93 = arith.muli %add3A_87, %mul3A_92 : i32
        %add3A_94 = arith.constant 0 : i32
        %add3A_95 = arith.addi %add3A_94, %mul3A_93 : i32
        %add3A_96 = arith.constant 0 : i32
        %add3A_97 = arith.addi %add3A_96, %add3A_87 : i32
        "tpu.region"() ({
          %run_scoped3A = tpu.sem_alloc : memref<!tpu.dma_semaphore, #tpu.memory_space<semaphore_mem>>
          %dma_start3A_110 = arith.constant 0 : i32
          %dma_start3A_111 = arith.constant 0 : i32
          %dma_start3A_112 = arith.constant 0 : i32
          %dma_start3A_113 = tpu.memref_slice %arg2[%add3A_97, %dma_start3A_110, %dma_start3A_111, %dma_start3A_112] : memref<173x11x8x128xf32, #tpu.memory_space<hbm>> -> memref<1x11x8x128xf32, #tpu.memory_space<hbm>>
          %dma_start3A_114 = tpu.memref_squeeze %dma_start3A_113 : memref<1x11x8x128xf32, #tpu.memory_space<hbm>> -> memref<11x8x128xf32, #tpu.memory_space<hbm>>
          %dma_start3A_115 = arith.constant 0 : i32
          %dma_start3A_116 = arith.constant 0 : i32
          %dma_start3A_117 = arith.constant 0 : i32
          %dma_start3A_118 = tpu.memref_slice %arg2[%add3A_97, %dma_start3A_115, %dma_start3A_116, %dma_start3A_117] : memref<173x11x8x128xf32, #tpu.memory_space<hbm>> -> memref<1x11x8x128xf32, #tpu.memory_space<hbm>>
          %dma_start3A_119 = tpu.memref_squeeze %dma_start3A_118 : memref<1x11x8x128xf32, #tpu.memory_space<hbm>> -> memref<11x8x128xf32, #tpu.memory_space<hbm>>
          tpu.enqueue_dma source(%dma_start3A_119 : memref<11x8x128xf32, #tpu.memory_space<hbm>>) target(%arg7 : memref<11x8x128xf32, #tpu.memory_space<vmem>>) target_semaphore(%run_scoped3A : memref<!tpu.dma_semaphore, #tpu.memory_space<semaphore_mem>>)
          %dma_wait3A_120 = arith.constant 0 : i32
          %dma_wait3A_121 = arith.constant 0 : i32
          %dma_wait3A_122 = arith.constant 0 : i32
          %dma_wait3A_123 = tpu.memref_slice %arg2[%add3A_97, %dma_wait3A_120, %dma_wait3A_121, %dma_wait3A_122] : memref<173x11x8x128xf32, #tpu.memory_space<hbm>> -> memref<1x11x8x128xf32, #tpu.memory_space<hbm>>
          %dma_wait3A_124 = tpu.memref_squeeze %dma_wait3A_123 : memref<1x11x8x128xf32, #tpu.memory_space<hbm>> -> memref<11x8x128xf32, #tpu.memory_space<hbm>>
          %dma_wait3A_125 = arith.constant 0 : i32
          %dma_wait3A_126 = arith.constant 0 : i32
          %dma_wait3A_127 = arith.constant 0 : i32
          %dma_wait3A_128 = tpu.memref_slice %arg2[%add3A_97, %dma_wait3A_125, %dma_wait3A_126, %dma_wait3A_127] : memref<173x11x8x128xf32, #tpu.memory_space<hbm>> -> memref<1x11x8x128xf32, #tpu.memory_space<hbm>>
          %dma_wait3A_129 = tpu.memref_squeeze %dma_wait3A_128 : memref<1x11x8x128xf32, #tpu.memory_space<hbm>> -> memref<11x8x128xf32, #tpu.memory_space<hbm>>
          tpu.wait_dma2 semaphore(%run_scoped3A : memref<!tpu.dma_semaphore, #tpu.memory_space<semaphore_mem>>) src(%dma_wait3A_129 : memref<11x8x128xf32, #tpu.memory_space<hbm>>) dst(%arg7 : memref<11x8x128xf32, #tpu.memory_space<vmem>>)
          tpu.yield
        }) : () -> ()
        %mul3A_98 = arith.constant 8 : i32
        %mul3A_99 = arith.muli %add3A_87, %mul3A_98 : i32
        %mul3A_100 = arith.constant 1384 : i32
        %mul3A_101 = arith.muli %mul3A_99, %mul3A_100 : i32
        "tpu.region"() ({
          %run_scoped3A = tpu.sem_alloc : memref<!tpu.dma_semaphore, #tpu.memory_space<semaphore_mem>>
          %dma_start3A_110 = arith.constant 0 : i32
          %dma_start3A_111 = tpu.memref_slice %arg8[%dma_start3A_110] : memref<11088xf32, #tpu.memory_space<vmem>> -> memref<11072xf32, #tpu.memory_space<vmem>>
          %dma_start3A_112 = tpu.memref_slice %arg14[%mul3A_101] : memref<965312xf32, #tpu.memory_space<vmem_shared>> -> memref<11072xf32, #tpu.memory_space<vmem_shared>>
          %dma_start3A_113 = arith.constant 0 : i32
          %dma_start3A_114 = tpu.memref_slice %arg8[%dma_start3A_113] : memref<11088xf32, #tpu.memory_space<vmem>> -> memref<11072xf32, #tpu.memory_space<vmem>>
          %dma_start3A_115 = tpu.memref_slice %arg14[%mul3A_101] : memref<965312xf32, #tpu.memory_space<vmem_shared>> -> memref<11072xf32, #tpu.memory_space<vmem_shared>>
          tpu.enqueue_dma source(%dma_start3A_115 : memref<11072xf32, #tpu.memory_space<vmem_shared>>) target(%dma_start3A_114 : memref<11072xf32, #tpu.memory_space<vmem>>) target_semaphore(%run_scoped3A : memref<!tpu.dma_semaphore, #tpu.memory_space<semaphore_mem>>)
          %dma_wait3A_116 = arith.constant 0 : i32
          %dma_wait3A_117 = tpu.memref_slice %arg8[%dma_wait3A_116] : memref<11088xf32, #tpu.memory_space<vmem>> -> memref<11072xf32, #tpu.memory_space<vmem>>
          %dma_wait3A_118 = tpu.memref_slice %arg14[%mul3A_101] : memref<965312xf32, #tpu.memory_space<vmem_shared>> -> memref<11072xf32, #tpu.memory_space<vmem_shared>>
          %dma_wait3A_119 = arith.constant 0 : i32
          %dma_wait3A_120 = tpu.memref_slice %arg8[%dma_wait3A_119] : memref<11088xf32, #tpu.memory_space<vmem>> -> memref<11072xf32, #tpu.memory_space<vmem>>
          %dma_wait3A_121 = tpu.memref_slice %arg14[%mul3A_101] : memref<965312xf32, #tpu.memory_space<vmem_shared>> -> memref<11072xf32, #tpu.memory_space<vmem_shared>>
          tpu.wait_dma2 semaphore(%run_scoped3A : memref<!tpu.dma_semaphore, #tpu.memory_space<semaphore_mem>>) src(%dma_wait3A_121 : memref<11072xf32, #tpu.memory_space<vmem_shared>>) dst(%dma_wait3A_120 : memref<11072xf32, #tpu.memory_space<vmem>>)
          tpu.yield
        }) : () -> ()
        %scan3A_102 = arith.constant 0 : i32
        %scan3A_103 = arith.constant 0 : i32
        %scan3A_104 = arith.constant 8 : i32
        %scan3A_105 = arith.addi %scan3A_103, %scan3A_104 : i32
        %scan3A_106 = arith.constant 1 : i32
        scf.for %scan3A_110 = %scan3A_103 to %scan3A_105 step %scan3A_106  : i32 {
          %mul3A_111 = arith.constant 1384 : i32
          %mul3A_112 = arith.muli %scan3A_110, %mul3A_111 : i32
          %mul3A_113 = arith.constant 2816 : i32
          %mul3A_114 = arith.muli %scan3A_110, %mul3A_113 : i32
          %scan3A_115 = arith.constant 0 : i32
          %scan3A_116 = arith.constant 0 : i32
          %scan3A_117 = arith.constant 10 : i32
          %scan3A_118 = arith.addi %scan3A_116, %scan3A_117 : i32
          %scan3A_119 = arith.constant 1 : i32
          scf.for %scan3A_283 = %scan3A_116 to %scan3A_118 step %scan3A_119  : i32 {
            %mul3A_284 = arith.constant 128 : i32
            %mul3A_285 = arith.muli %scan3A_283, %mul3A_284 : i32
            %add3A_286 = arith.addi %mul3A_112, %mul3A_285 : i32
            %add3A_287 = arith.constant 0 : i32
            %add3A_288 = arith.addi %add3A_286, %add3A_287 : i32
            %add3A_289 = vector.broadcast %add3A_288 : i32 to vector<16xi32>
            %add3A_290 = arith.addi %add3A_289, %iota3A : vector<16xi32>
            %gather3A_291 = tpu.vector_load_idx %arg8[%add3A_290] : memref<11088xf32, #tpu.memory_space<vmem>>[vector<16xi32>], vector<16xf32>,
            %mul3A_292 = arith.constant 256 : i32
            %mul3A_293 = arith.muli %scan3A_283, %mul3A_292 : i32
            %add3A_294 = arith.addi %mul3A_114, %mul3A_293 : i32
            %add3A_295 = arith.constant 0 : i32
            %add3A_296 = arith.addi %add3A_294, %add3A_295 : i32
            %swap3A_297 = arith.index_cast %add3A_296 : i32 to index
            %swap3A_298 = tpu.vector_load %arg9[%swap3A_297] {strides = array<i32>} : memref<22528xf32, #tpu.memory_space<vmem>>, vector<16xf32>,
            tpu.vector_store %arg9[%swap3A_297], %gather3A_291 {strides = array<i32>} : memref<22528xf32, #tpu.memory_space<vmem>>, vector<16xf32>,
            %get3A_299 = arith.index_cast %scan3A_283 : i32 to index
            %get3A_300 = arith.index_cast %scan3A_110 : i32 to index
            %get3A_301 = arith.constant 0 : index
            %get3A_302 = tpu.vector_load %arg7[%get3A_299, %get3A_300, %get3A_301] {strides = array<i32>} : memref<11x8x128xf32, #tpu.memory_space<vmem>>, vector<16xf32>,
            %mul3A_303 = arith.constant 256 : i32
            %mul3A_304 = arith.muli %scan3A_283, %mul3A_303 : i32
            %add3A_305 = arith.addi %mul3A_114, %mul3A_304 : i32
            %add3A_306 = arith.constant 128 : i32
            %add3A_307 = arith.addi %add3A_305, %add3A_306 : i32
            %add3A_308 = arith.constant 0 : i32
            %add3A_309 = arith.addi %add3A_307, %add3A_308 : i32
            %swap3A_310 = arith.index_cast %add3A_309 : i32 to index
            %swap3A_311 = tpu.vector_load %arg9[%swap3A_310] {strides = array<i32>} : memref<22528xf32, #tpu.memory_space<vmem>>, vector<16xf32>,
            tpu.vector_store %arg9[%swap3A_310], %get3A_302 {strides = array<i32>} : memref<22528xf32, #tpu.memory_space<vmem>>, vector<16xf32>,
            %mul3A_312 = arith.constant 128 : i32
            %mul3A_313 = arith.muli %scan3A_283, %mul3A_312 : i32
            %add3A_314 = arith.addi %mul3A_112, %mul3A_313 : i32
            %add3A_315 = arith.constant 16 : i32
            %add3A_316 = arith.addi %add3A_314, %add3A_315 : i32
            %add3A_317 = vector.broadcast %add3A_316 : i32 to vector<16xi32>
            %add3A_318 = arith.addi %add3A_317, %iota3A : vector<16xi32>
            %gather3A_319 = tpu.vector_load_idx %arg8[%add3A_318] : memref<11088xf32, #tpu.memory_space<vmem>>[vector<16xi32>], vector<16xf32>,
            %mul3A_320 = arith.constant 256 : i32
            %mul3A_321 = arith.muli %scan3A_283, %mul3A_320 : i32
            %add3A_322 = arith.addi %mul3A_114, %mul3A_321 : i32
            %add3A_323 = arith.constant 16 : i32
            %add3A_324 = arith.addi %add3A_322, %add3A_323 : i32
            %swap3A_325 = arith.index_cast %add3A_324 : i32 to index
            %swap3A_326 = tpu.vector_load %arg9[%swap3A_325] {strides = array<i32>} : memref<22528xf32, #tpu.memory_space<vmem>>, vector<16xf32>,
            tpu.vector_store %arg9[%swap3A_325], %gather3A_319 {strides = array<i32>} : memref<22528xf32, #tpu.memory_space<vmem>>, vector<16xf32>,
            %get3A_327 = arith.index_cast %scan3A_283 : i32 to index
            %get3A_328 = arith.index_cast %scan3A_110 : i32 to index
            %get3A_329 = arith.constant 16 : index
            %get3A_330 = tpu.vector_load %arg7[%get3A_327, %get3A_328, %get3A_329] {strides = array<i32>} : memref<11x8x128xf32, #tpu.memory_space<vmem>>, vector<16xf32>,
            %mul3A_331 = arith.constant 256 : i32
            %mul3A_332 = arith.muli %scan3A_283, %mul3A_331 : i32
            %add3A_333 = arith.addi %mul3A_114, %mul3A_332 : i32
            %add3A_334 = arith.constant 128 : i32
            %add3A_335 = arith.addi %add3A_333, %add3A_334 : i32
            %add3A_336 = arith.constant 16 : i32
            %add3A_337 = arith.addi %add3A_335, %add3A_336 : i32
            %swap3A_338 = arith.index_cast %add3A_337 : i32 to index
            %swap3A_339 = tpu.vector_load %arg9[%swap3A_338] {strides = array<i32>} : memref<22528xf32, #tpu.memory_space<vmem>>, vector<16xf32>,
            tpu.vector_store %arg9[%swap3A_338], %get3A_330 {strides = array<i32>} : memref<22528xf32, #tpu.memory_space<vmem>>, vector<16xf32>,
            %mul3A_340 = arith.constant 128 : i32
            %mul3A_341 = arith.muli %scan3A_283, %mul3A_340 : i32
            %add3A_342 = arith.addi %mul3A_112, %mul3A_341 : i32
            %add3A_343 = arith.constant 32 : i32
            %add3A_344 = arith.addi %add3A_342, %add3A_343 : i32
            %add3A_345 = vector.broadcast %add3A_344 : i32 to vector<16xi32>
            %add3A_346 = arith.addi %add3A_345, %iota3A : vector<16xi32>
            %gather3A_347 = tpu.vector_load_idx %arg8[%add3A_346] : memref<11088xf32, #tpu.memory_space<vmem>>[vector<16xi32>], vector<16xf32>,
            %mul3A_348 = arith.constant 256 : i32
            %mul3A_349 = arith.muli %scan3A_283, %mul3A_348 : i32
            %add3A_350 = arith.addi %mul3A_114, %mul3A_349 : i32
            %add3A_351 = arith.constant 32 : i32
            %add3A_352 = arith.addi %add3A_350, %add3A_351 : i32
            %swap3A_353 = arith.index_cast %add3A_352 : i32 to index
            %swap3A_354 = tpu.vector_load %arg9[%swap3A_353] {strides = array<i32>} : memref<22528xf32, #tpu.memory_space<vmem>>, vector<16xf32>,
            tpu.vector_store %arg9[%swap3A_353], %gather3A_347 {strides = array<i32>} : memref<22528xf32, #tpu.memory_space<vmem>>, vector<16xf32>,
            %get3A_355 = arith.index_cast %scan3A_283 : i32 to index
            %get3A_356 = arith.index_cast %scan3A_110 : i32 to index
            %get3A_357 = arith.constant 32 : index
            %get3A_358 = tpu.vector_load %arg7[%get3A_355, %get3A_356, %get3A_357] {strides = array<i32>} : memref<11x8x128xf32, #tpu.memory_space<vmem>>, vector<16xf32>,
            %mul3A_359 = arith.constant 256 : i32
            %mul3A_360 = arith.muli %scan3A_283, %mul3A_359 : i32
            %add3A_361 = arith.addi %mul3A_114, %mul3A_360 : i32
            %add3A_362 = arith.constant 128 : i32
            %add3A_363 = arith.addi %add3A_361, %add3A_362 : i32
            %add3A_364 = arith.constant 32 : i32
            %add3A_365 = arith.addi %add3A_363, %add3A_364 : i32
            %swap3A_366 = arith.index_cast %add3A_365 : i32 to index
            %swap3A_367 = tpu.vector_load %arg9[%swap3A_366] {strides = array<i32>} : memref<22528xf32, #tpu.memory_space<vmem>>, vector<16xf32>,
            tpu.vector_store %arg9[%swap3A_366], %get3A_358 {strides = array<i32>} : memref<22528xf32, #tpu.memory_space<vmem>>, vector<16xf32>,
            %mul3A_368 = arith.constant 128 : i32
            %mul3A_369 = arith.muli %scan3A_283, %mul3A_368 : i32
            %add3A_370 = arith.addi %mul3A_112, %mul3A_369 : i32
            %add3A_371 = arith.constant 48 : i32
            %add3A_372 = arith.addi %add3A_370, %add3A_371 : i32
            %add3A_373 = vector.broadcast %add3A_372 : i32 to vector<16xi32>
            %add3A_374 = arith.addi %add3A_373, %iota3A : vector<16xi32>
            %gather3A_375 = tpu.vector_load_idx %arg8[%add3A_374] : memref<11088xf32, #tpu.memory_space<vmem>>[vector<16xi32>], vector<16xf32>,
            %mul3A_376 = arith.constant 256 : i32
            %mul3A_377 = arith.muli %scan3A_283, %mul3A_376 : i32
            %add3A_378 = arith.addi %mul3A_114, %mul3A_377 : i32
            %add3A_379 = arith.constant 48 : i32
            %add3A_380 = arith.addi %add3A_378, %add3A_379 : i32
            %swap3A_381 = arith.index_cast %add3A_380 : i32 to index
            %swap3A_382 = tpu.vector_load %arg9[%swap3A_381] {strides = array<i32>} : memref<22528xf32, #tpu.memory_space<vmem>>, vector<16xf32>,
            tpu.vector_store %arg9[%swap3A_381], %gather3A_375 {strides = array<i32>} : memref<22528xf32, #tpu.memory_space<vmem>>, vector<16xf32>,
            %get3A_383 = arith.index_cast %scan3A_283 : i32 to index
            %get3A_384 = arith.index_cast %scan3A_110 : i32 to index
            %get3A_385 = arith.constant 48 : index
            %get3A_386 = tpu.vector_load %arg7[%get3A_383, %get3A_384, %get3A_385] {strides = array<i32>} : memref<11x8x128xf32, #tpu.memory_space<vmem>>, vector<16xf32>,
            %mul3A_387 = arith.constant 256 : i32
            %mul3A_388 = arith.muli %scan3A_283, %mul3A_387 : i32
            %add3A_389 = arith.addi %mul3A_114, %mul3A_388 : i32
            %add3A_390 = arith.constant 128 : i32
            %add3A_391 = arith.addi %add3A_389, %add3A_390 : i32
            %add3A_392 = arith.constant 48 : i32
            %add3A_393 = arith.addi %add3A_391, %add3A_392 : i32
            %swap3A_394 = arith.index_cast %add3A_393 : i32 to index
            %swap3A_395 = tpu.vector_load %arg9[%swap3A_394] {strides = array<i32>} : memref<22528xf32, #tpu.memory_space<vmem>>, vector<16xf32>,
            tpu.vector_store %arg9[%swap3A_394], %get3A_386 {strides = array<i32>} : memref<22528xf32, #tpu.memory_space<vmem>>, vector<16xf32>,
            %mul3A_396 = arith.constant 128 : i32
            %mul3A_397 = arith.muli %scan3A_283, %mul3A_396 : i32
            %add3A_398 = arith.addi %mul3A_112, %mul3A_397 : i32
            %add3A_399 = arith.constant 64 : i32
            %add3A_400 = arith.addi %add3A_398, %add3A_399 : i32
            %add3A_401 = vector.broadcast %add3A_400 : i32 to vector<16xi32>
            %add3A_402 = arith.addi %add3A_401, %iota3A : vector<16xi32>
            %gather3A_403 = tpu.vector_load_idx %arg8[%add3A_402] : memref<11088xf32, #tpu.memory_space<vmem>>[vector<16xi32>], vector<16xf32>,
            %mul3A_404 = arith.constant 256 : i32
            %mul3A_405 = arith.muli %scan3A_283, %mul3A_404 : i32
            %add3A_406 = arith.addi %mul3A_114, %mul3A_405 : i32
            %add3A_407 = arith.constant 64 : i32
            %add3A_408 = arith.addi %add3A_406, %add3A_407 : i32
            %swap3A_409 = arith.index_cast %add3A_408 : i32 to index
            %swap3A_410 = tpu.vector_load %arg9[%swap3A_409] {strides = array<i32>} : memref<22528xf32, #tpu.memory_space<vmem>>, vector<16xf32>,
            tpu.vector_store %arg9[%swap3A_409], %gather3A_403 {strides = array<i32>} : memref<22528xf32, #tpu.memory_space<vmem>>, vector<16xf32>,
            %get3A_411 = arith.index_cast %scan3A_283 : i32 to index
            %get3A_412 = arith.index_cast %scan3A_110 : i32 to index
            %get3A_413 = arith.constant 64 : index
            %get3A_414 = tpu.vector_load %arg7[%get3A_411, %get3A_412, %get3A_413] {strides = array<i32>} : memref<11x8x128xf32, #tpu.memory_space<vmem>>, vector<16xf32>,
            %mul3A_415 = arith.constant 256 : i32
            %mul3A_416 = arith.muli %scan3A_283, %mul3A_415 : i32
            %add3A_417 = arith.addi %mul3A_114, %mul3A_416 : i32
            %add3A_418 = arith.constant 128 : i32
            %add3A_419 = arith.addi %add3A_417, %add3A_418 : i32
            %add3A_420 = arith.constant 64 : i32
            %add3A_421 = arith.addi %add3A_419, %add3A_420 : i32
            %swap3A_422 = arith.index_cast %add3A_421 : i32 to index
            %swap3A_423 = tpu.vector_load %arg9[%swap3A_422] {strides = array<i32>} : memref<22528xf32, #tpu.memory_space<vmem>>, vector<16xf32>,
            tpu.vector_store %arg9[%swap3A_422], %get3A_414 {strides = array<i32>} : memref<22528xf32, #tpu.memory_space<vmem>>, vector<16xf32>,
            %mul3A_424 = arith.constant 128 : i32
            %mul3A_425 = arith.muli %scan3A_283, %mul3A_424 : i32
            %add3A_426 = arith.addi %mul3A_112, %mul3A_425 : i32
            %add3A_427 = arith.constant 80 : i32
            %add3A_428 = arith.addi %add3A_426, %add3A_427 : i32
            %add3A_429 = vector.broadcast %add3A_428 : i32 to vector<16xi32>
            %add3A_430 = arith.addi %add3A_429, %iota3A : vector<16xi32>
            %gather3A_431 = tpu.vector_load_idx %arg8[%add3A_430] : memref<11088xf32, #tpu.memory_space<vmem>>[vector<16xi32>], vector<16xf32>,
            %mul3A_432 = arith.constant 256 : i32
            %mul3A_433 = arith.muli %scan3A_283, %mul3A_432 : i32
            %add3A_434 = arith.addi %mul3A_114, %mul3A_433 : i32
            %add3A_435 = arith.constant 80 : i32
            %add3A_436 = arith.addi %add3A_434, %add3A_435 : i32
            %swap3A_437 = arith.index_cast %add3A_436 : i32 to index
            %swap3A_438 = tpu.vector_load %arg9[%swap3A_437] {strides = array<i32>} : memref<22528xf32, #tpu.memory_space<vmem>>, vector<16xf32>,
            tpu.vector_store %arg9[%swap3A_437], %gather3A_431 {strides = array<i32>} : memref<22528xf32, #tpu.memory_space<vmem>>, vector<16xf32>,
            %get3A_439 = arith.index_cast %scan3A_283 : i32 to index
            %get3A_440 = arith.index_cast %scan3A_110 : i32 to index
            %get3A_441 = arith.constant 80 : index
            %get3A_442 = tpu.vector_load %arg7[%get3A_439, %get3A_440, %get3A_441] {strides = array<i32>} : memref<11x8x128xf32, #tpu.memory_space<vmem>>, vector<16xf32>,
            %mul3A_443 = arith.constant 256 : i32
            %mul3A_444 = arith.muli %scan3A_283, %mul3A_443 : i32
            %add3A_445 = arith.addi %mul3A_114, %mul3A_444 : i32
            %add3A_446 = arith.constant 128 : i32
            %add3A_447 = arith.addi %add3A_445, %add3A_446 : i32
            %add3A_448 = arith.constant 80 : i32
            %add3A_449 = arith.addi %add3A_447, %add3A_448 : i32
            %swap3A_450 = arith.index_cast %add3A_449 : i32 to index
            %swap3A_451 = tpu.vector_load %arg9[%swap3A_450] {strides = array<i32>} : memref<22528xf32, #tpu.memory_space<vmem>>, vector<16xf32>,
            tpu.vector_store %arg9[%swap3A_450], %get3A_442 {strides = array<i32>} : memref<22528xf32, #tpu.memory_space<vmem>>, vector<16xf32>,
            %mul3A_452 = arith.constant 128 : i32
            %mul3A_453 = arith.muli %scan3A_283, %mul3A_452 : i32
            %add3A_454 = arith.addi %mul3A_112, %mul3A_453 : i32
            %add3A_455 = arith.constant 96 : i32
            %add3A_456 = arith.addi %add3A_454, %add3A_455 : i32
            %add3A_457 = vector.broadcast %add3A_456 : i32 to vector<16xi32>
            %add3A_458 = arith.addi %add3A_457, %iota3A : vector<16xi32>
            %gather3A_459 = tpu.vector_load_idx %arg8[%add3A_458] : memref<11088xf32, #tpu.memory_space<vmem>>[vector<16xi32>], vector<16xf32>,
            %mul3A_460 = arith.constant 256 : i32
            %mul3A_461 = arith.muli %scan3A_283, %mul3A_460 : i32
            %add3A_462 = arith.addi %mul3A_114, %mul3A_461 : i32
            %add3A_463 = arith.constant 96 : i32
            %add3A_464 = arith.addi %add3A_462, %add3A_463 : i32
            %swap3A_465 = arith.index_cast %add3A_464 : i32 to index
            %swap3A_466 = tpu.vector_load %arg9[%swap3A_465] {strides = array<i32>} : memref<22528xf32, #tpu.memory_space<vmem>>, vector<16xf32>,
            tpu.vector_store %arg9[%swap3A_465], %gather3A_459 {strides = array<i32>} : memref<22528xf32, #tpu.memory_space<vmem>>, vector<16xf32>,
            %get3A_467 = arith.index_cast %scan3A_283 : i32 to index
            %get3A_468 = arith.index_cast %scan3A_110 : i32 to index
            %get3A_469 = arith.constant 96 : index
            %get3A_470 = tpu.vector_load %arg7[%get3A_467, %get3A_468, %get3A_469] {strides = array<i32>} : memref<11x8x128xf32, #tpu.memory_space<vmem>>, vector<16xf32>,
            %mul3A_471 = arith.constant 256 : i32
            %mul3A_472 = arith.muli %scan3A_283, %mul3A_471 : i32
            %add3A_473 = arith.addi %mul3A_114, %mul3A_472 : i32
            %add3A_474 = arith.constant 128 : i32
            %add3A_475 = arith.addi %add3A_473, %add3A_474 : i32
            %add3A_476 = arith.constant 96 : i32
            %add3A_477 = arith.addi %add3A_475, %add3A_476 : i32
            %swap3A_478 = arith.index_cast %add3A_477 : i32 to index
            %swap3A_479 = tpu.vector_load %arg9[%swap3A_478] {strides = array<i32>} : memref<22528xf32, #tpu.memory_space<vmem>>, vector<16xf32>,
            tpu.vector_store %arg9[%swap3A_478], %get3A_470 {strides = array<i32>} : memref<22528xf32, #tpu.memory_space<vmem>>, vector<16xf32>,
            %mul3A_480 = arith.constant 128 : i32
            %mul3A_481 = arith.muli %scan3A_283, %mul3A_480 : i32
            %add3A_482 = arith.addi %mul3A_112, %mul3A_481 : i32
            %add3A_483 = arith.constant 112 : i32
            %add3A_484 = arith.addi %add3A_482, %add3A_483 : i32
            %add3A_485 = vector.broadcast %add3A_484 : i32 to vector<16xi32>
            %add3A_486 = arith.addi %add3A_485, %iota3A : vector<16xi32>
            %gather3A_487 = tpu.vector_load_idx %arg8[%add3A_486] : memref<11088xf32, #tpu.memory_space<vmem>>[vector<16xi32>], vector<16xf32>,
            %mul3A_488 = arith.constant 256 : i32
            %mul3A_489 = arith.muli %scan3A_283, %mul3A_488 : i32
            %add3A_490 = arith.addi %mul3A_114, %mul3A_489 : i32
            %add3A_491 = arith.constant 112 : i32
            %add3A_492 = arith.addi %add3A_490, %add3A_491 : i32
            %swap3A_493 = arith.index_cast %add3A_492 : i32 to index
            %swap3A_494 = tpu.vector_load %arg9[%swap3A_493] {strides = array<i32>} : memref<22528xf32, #tpu.memory_space<vmem>>, vector<16xf32>,
            tpu.vector_store %arg9[%swap3A_493], %gather3A_487 {strides = array<i32>} : memref<22528xf32, #tpu.memory_space<vmem>>, vector<16xf32>,
            %get3A_495 = arith.index_cast %scan3A_283 : i32 to index
            %get3A_496 = arith.index_cast %scan3A_110 : i32 to index
            %get3A_497 = arith.constant 112 : index
            %get3A_498 = tpu.vector_load %arg7[%get3A_495, %get3A_496, %get3A_497] {strides = array<i32>} : memref<11x8x128xf32, #tpu.memory_space<vmem>>, vector<16xf32>,
            %mul3A_499 = arith.constant 256 : i32
            %mul3A_500 = arith.muli %scan3A_283, %mul3A_499 : i32
            %add3A_501 = arith.addi %mul3A_114, %mul3A_500 : i32
            %add3A_502 = arith.constant 128 : i32
            %add3A_503 = arith.addi %add3A_501, %add3A_502 : i32
            %add3A_504 = arith.constant 112 : i32
            %add3A_505 = arith.addi %add3A_503, %add3A_504 : i32
            %swap3A_506 = arith.index_cast %add3A_505 : i32 to index
            %swap3A_507 = tpu.vector_load %arg9[%swap3A_506] {strides = array<i32>} : memref<22528xf32, #tpu.memory_space<vmem>>, vector<16xf32>,
            tpu.vector_store %arg9[%swap3A_506], %get3A_498 {strides = array<i32>} : memref<22528xf32, #tpu.memory_space<vmem>>, vector<16xf32>,
          }
          %scan3A_120 = arith.constant 10 : i32
          %add3A_121 = arith.constant 1280 : i32
          %add3A_122 = arith.addi %mul3A_112, %add3A_121 : i32
          %add3A_123 = arith.constant 0 : i32
          %add3A_124 = arith.addi %add3A_122, %add3A_123 : i32
          %add3A_125 = vector.broadcast %add3A_124 : i32 to vector<16xi32>
          %add3A_126 = arith.addi %add3A_125, %iota3A : vector<16xi32>
          %gather3A = tpu.vector_load_idx %arg8[%add3A_126] : memref<11088xf32, #tpu.memory_space<vmem>>[vector<16xi32>], vector<16xf32>,
          %add3A_127 = arith.constant 2560 : i32
          %add3A_128 = arith.addi %mul3A_114, %add3A_127 : i32
          %add3A_129 = arith.constant 0 : i32
          %add3A_130 = arith.addi %add3A_128, %add3A_129 : i32
          %swap3A = arith.index_cast %add3A_130 : i32 to index
          %swap3A_131 = tpu.vector_load %arg9[%swap3A] {strides = array<i32>} : memref<22528xf32, #tpu.memory_space<vmem>>, vector<16xf32>,
          tpu.vector_store %arg9[%swap3A], %gather3A {strides = array<i32>} : memref<22528xf32, #tpu.memory_space<vmem>>, vector<16xf32>,
          %get3A = arith.constant 10 : i32
          %get3A_132 = arith.index_cast %get3A : i32 to index
          %get3A_133 = arith.index_cast %scan3A_110 : i32 to index
          %get3A_134 = arith.constant 0 : index
          %get3A_135 = tpu.vector_load %arg7[%get3A_132, %get3A_133, %get3A_134] {strides = array<i32>} : memref<11x8x128xf32, #tpu.memory_space<vmem>>, vector<16xf32>,
          %add3A_136 = arith.constant 2688 : i32
          %add3A_137 = arith.addi %mul3A_114, %add3A_136 : i32
          %add3A_138 = arith.constant 0 : i32
          %add3A_139 = arith.addi %add3A_137, %add3A_138 : i32
          %swap3A_140 = arith.index_cast %add3A_139 : i32 to index
          %swap3A_141 = tpu.vector_load %arg9[%swap3A_140] {strides = array<i32>} : memref<22528xf32, #tpu.memory_space<vmem>>, vector<16xf32>,
          tpu.vector_store %arg9[%swap3A_140], %get3A_135 {strides = array<i32>} : memref<22528xf32, #tpu.memory_space<vmem>>, vector<16xf32>,
          %add3A_142 = arith.constant 1280 : i32
          %add3A_143 = arith.addi %mul3A_112, %add3A_142 : i32
          %add3A_144 = arith.constant 16 : i32
          %add3A_145 = arith.addi %add3A_143, %add3A_144 : i32
          %add3A_146 = vector.broadcast %add3A_145 : i32 to vector<16xi32>
          %add3A_147 = arith.addi %add3A_146, %iota3A : vector<16xi32>
          %gather3A_148 = tpu.vector_load_idx %arg8[%add3A_147] : memref<11088xf32, #tpu.memory_space<vmem>>[vector<16xi32>], vector<16xf32>,
          %add3A_149 = arith.constant 2560 : i32
          %add3A_150 = arith.addi %mul3A_114, %add3A_149 : i32
          %add3A_151 = arith.constant 16 : i32
          %add3A_152 = arith.addi %add3A_150, %add3A_151 : i32
          %swap3A_153 = arith.index_cast %add3A_152 : i32 to index
          %swap3A_154 = tpu.vector_load %arg9[%swap3A_153] {strides = array<i32>} : memref<22528xf32, #tpu.memory_space<vmem>>, vector<16xf32>,
          tpu.vector_store %arg9[%swap3A_153], %gather3A_148 {strides = array<i32>} : memref<22528xf32, #tpu.memory_space<vmem>>, vector<16xf32>,
          %get3A_155 = arith.constant 10 : i32
          %get3A_156 = arith.index_cast %get3A_155 : i32 to index
          %get3A_157 = arith.index_cast %scan3A_110 : i32 to index
          %get3A_158 = arith.constant 16 : index
          %get3A_159 = tpu.vector_load %arg7[%get3A_156, %get3A_157, %get3A_158] {strides = array<i32>} : memref<11x8x128xf32, #tpu.memory_space<vmem>>, vector<16xf32>,
          %add3A_160 = arith.constant 2688 : i32
          %add3A_161 = arith.addi %mul3A_114, %add3A_160 : i32
          %add3A_162 = arith.constant 16 : i32
          %add3A_163 = arith.addi %add3A_161, %add3A_162 : i32
          %swap3A_164 = arith.index_cast %add3A_163 : i32 to index
          %swap3A_165 = tpu.vector_load %arg9[%swap3A_164] {strides = array<i32>} : memref<22528xf32, #tpu.memory_space<vmem>>, vector<16xf32>,
          tpu.vector_store %arg9[%swap3A_164], %get3A_159 {strides = array<i32>} : memref<22528xf32, #tpu.memory_space<vmem>>, vector<16xf32>,
          %add3A_166 = arith.constant 1280 : i32
          %add3A_167 = arith.addi %mul3A_112, %add3A_166 : i32
          %add3A_168 = arith.constant 32 : i32
          %add3A_169 = arith.addi %add3A_167, %add3A_168 : i32
          %add3A_170 = vector.broadcast %add3A_169 : i32 to vector<16xi32>
          %add3A_171 = arith.addi %add3A_170, %iota3A : vector<16xi32>
          %gather3A_172 = tpu.vector_load_idx %arg8[%add3A_171] : memref<11088xf32, #tpu.memory_space<vmem>>[vector<16xi32>], vector<16xf32>,
          %add3A_173 = arith.constant 2560 : i32
          %add3A_174 = arith.addi %mul3A_114, %add3A_173 : i32
          %add3A_175 = arith.constant 32 : i32
          %add3A_176 = arith.addi %add3A_174, %add3A_175 : i32
          %swap3A_177 = arith.index_cast %add3A_176 : i32 to index
          %swap3A_178 = tpu.vector_load %arg9[%swap3A_177] {strides = array<i32>} : memref<22528xf32, #tpu.memory_space<vmem>>, vector<16xf32>,
          tpu.vector_store %arg9[%swap3A_177], %gather3A_172 {strides = array<i32>} : memref<22528xf32, #tpu.memory_space<vmem>>, vector<16xf32>,
          %get3A_179 = arith.constant 10 : i32
          %get3A_180 = arith.index_cast %get3A_179 : i32 to index
          %get3A_181 = arith.index_cast %scan3A_110 : i32 to index
          %get3A_182 = arith.constant 32 : index
          %get3A_183 = tpu.vector_load %arg7[%get3A_180, %get3A_181, %get3A_182] {strides = array<i32>} : memref<11x8x128xf32, #tpu.memory_space<vmem>>, vector<16xf32>,
          %add3A_184 = arith.constant 2688 : i32
          %add3A_185 = arith.addi %mul3A_114, %add3A_184 : i32
          %add3A_186 = arith.constant 32 : i32
          %add3A_187 = arith.addi %add3A_185, %add3A_186 : i32
          %swap3A_188 = arith.index_cast %add3A_187 : i32 to index
          %swap3A_189 = tpu.vector_load %arg9[%swap3A_188] {strides = array<i32>} : memref<22528xf32, #tpu.memory_space<vmem>>, vector<16xf32>,
          tpu.vector_store %arg9[%swap3A_188], %get3A_183 {strides = array<i32>} : memref<22528xf32, #tpu.memory_space<vmem>>, vector<16xf32>,
          %add3A_190 = arith.constant 1280 : i32
          %add3A_191 = arith.addi %mul3A_112, %add3A_190 : i32
          %add3A_192 = arith.constant 48 : i32
          %add3A_193 = arith.addi %add3A_191, %add3A_192 : i32
          %add3A_194 = vector.broadcast %add3A_193 : i32 to vector<16xi32>
          %add3A_195 = arith.addi %add3A_194, %iota3A : vector<16xi32>
          %gather3A_196 = tpu.vector_load_idx %arg8[%add3A_195] : memref<11088xf32, #tpu.memory_space<vmem>>[vector<16xi32>], vector<16xf32>,
          %add3A_197 = arith.constant 2560 : i32
          %add3A_198 = arith.addi %mul3A_114, %add3A_197 : i32
          %add3A_199 = arith.constant 48 : i32
          %add3A_200 = arith.addi %add3A_198, %add3A_199 : i32
          %swap3A_201 = arith.index_cast %add3A_200 : i32 to index
          %swap3A_202 = tpu.vector_load %arg9[%swap3A_201] {strides = array<i32>} : memref<22528xf32, #tpu.memory_space<vmem>>, vector<16xf32>,
          tpu.vector_store %arg9[%swap3A_201], %gather3A_196 {strides = array<i32>} : memref<22528xf32, #tpu.memory_space<vmem>>, vector<16xf32>,
          %get3A_203 = arith.constant 10 : i32
          %get3A_204 = arith.index_cast %get3A_203 : i32 to index
          %get3A_205 = arith.index_cast %scan3A_110 : i32 to index
          %get3A_206 = arith.constant 48 : index
          %get3A_207 = tpu.vector_load %arg7[%get3A_204, %get3A_205, %get3A_206] {strides = array<i32>} : memref<11x8x128xf32, #tpu.memory_space<vmem>>, vector<16xf32>,
          %add3A_208 = arith.constant 2688 : i32
          %add3A_209 = arith.addi %mul3A_114, %add3A_208 : i32
          %add3A_210 = arith.constant 48 : i32
          %add3A_211 = arith.addi %add3A_209, %add3A_210 : i32
          %swap3A_212 = arith.index_cast %add3A_211 : i32 to index
          %swap3A_213 = tpu.vector_load %arg9[%swap3A_212] {strides = array<i32>} : memref<22528xf32, #tpu.memory_space<vmem>>, vector<16xf32>,
          tpu.vector_store %arg9[%swap3A_212], %get3A_207 {strides = array<i32>} : memref<22528xf32, #tpu.memory_space<vmem>>, vector<16xf32>,
          %add3A_214 = arith.constant 1280 : i32
          %add3A_215 = arith.addi %mul3A_112, %add3A_214 : i32
          %add3A_216 = arith.constant 64 : i32
          %add3A_217 = arith.addi %add3A_215, %add3A_216 : i32
          %add3A_218 = vector.broadcast %add3A_217 : i32 to vector<16xi32>
          %add3A_219 = arith.addi %add3A_218, %iota3A : vector<16xi32>
          %gather3A_220 = tpu.vector_load_idx %arg8[%add3A_219] : memref<11088xf32, #tpu.memory_space<vmem>>[vector<16xi32>], vector<16xf32>,
          %add3A_221 = arith.constant 2560 : i32
          %add3A_222 = arith.addi %mul3A_114, %add3A_221 : i32
          %add3A_223 = arith.constant 64 : i32
          %add3A_224 = arith.addi %add3A_222, %add3A_223 : i32
          %swap3A_225 = arith.index_cast %add3A_224 : i32 to index
          %swap3A_226 = tpu.vector_load %arg9[%swap3A_225] {strides = array<i32>} : memref<22528xf32, #tpu.memory_space<vmem>>, vector<16xf32>,
          tpu.vector_store %arg9[%swap3A_225], %gather3A_220 {strides = array<i32>} : memref<22528xf32, #tpu.memory_space<vmem>>, vector<16xf32>,
          %get3A_227 = arith.constant 10 : i32
          %get3A_228 = arith.index_cast %get3A_227 : i32 to index
          %get3A_229 = arith.index_cast %scan3A_110 : i32 to index
          %get3A_230 = arith.constant 64 : index
          %get3A_231 = tpu.vector_load %arg7[%get3A_228, %get3A_229, %get3A_230] {strides = array<i32>} : memref<11x8x128xf32, #tpu.memory_space<vmem>>, vector<16xf32>,
          %add3A_232 = arith.constant 2688 : i32
          %add3A_233 = arith.addi %mul3A_114, %add3A_232 : i32
          %add3A_234 = arith.constant 64 : i32
          %add3A_235 = arith.addi %add3A_233, %add3A_234 : i32
          %swap3A_236 = arith.index_cast %add3A_235 : i32 to index
          %swap3A_237 = tpu.vector_load %arg9[%swap3A_236] {strides = array<i32>} : memref<22528xf32, #tpu.memory_space<vmem>>, vector<16xf32>,
          tpu.vector_store %arg9[%swap3A_236], %get3A_231 {strides = array<i32>} : memref<22528xf32, #tpu.memory_space<vmem>>, vector<16xf32>,
          %add3A_238 = arith.constant 1280 : i32
          %add3A_239 = arith.addi %mul3A_112, %add3A_238 : i32
          %add3A_240 = arith.constant 80 : i32
          %add3A_241 = arith.addi %add3A_239, %add3A_240 : i32
          %add3A_242 = vector.broadcast %add3A_241 : i32 to vector<16xi32>
          %add3A_243 = arith.addi %add3A_242, %iota3A : vector<16xi32>
          %gather3A_244 = tpu.vector_load_idx %arg8[%add3A_243] : memref<11088xf32, #tpu.memory_space<vmem>>[vector<16xi32>], vector<16xf32>,
          %add3A_245 = arith.constant 2560 : i32
          %add3A_246 = arith.addi %mul3A_114, %add3A_245 : i32
          %add3A_247 = arith.constant 80 : i32
          %add3A_248 = arith.addi %add3A_246, %add3A_247 : i32
          %swap3A_249 = arith.index_cast %add3A_248 : i32 to index
          %swap3A_250 = tpu.vector_load %arg9[%swap3A_249] {strides = array<i32>} : memref<22528xf32, #tpu.memory_space<vmem>>, vector<16xf32>,
          tpu.vector_store %arg9[%swap3A_249], %gather3A_244 {strides = array<i32>} : memref<22528xf32, #tpu.memory_space<vmem>>, vector<16xf32>,
          %get3A_251 = arith.constant 10 : i32
          %get3A_252 = arith.index_cast %get3A_251 : i32 to index
          %get3A_253 = arith.index_cast %scan3A_110 : i32 to index
          %get3A_254 = arith.constant 80 : index
          %get3A_255 = tpu.vector_load %arg7[%get3A_252, %get3A_253, %get3A_254] {strides = array<i32>} : memref<11x8x128xf32, #tpu.memory_space<vmem>>, vector<16xf32>,
          %add3A_256 = arith.constant 2688 : i32
          %add3A_257 = arith.addi %mul3A_114, %add3A_256 : i32
          %add3A_258 = arith.constant 80 : i32
          %add3A_259 = arith.addi %add3A_257, %add3A_258 : i32
          %swap3A_260 = arith.index_cast %add3A_259 : i32 to index
          %swap3A_261 = tpu.vector_load %arg9[%swap3A_260] {strides = array<i32>} : memref<22528xf32, #tpu.memory_space<vmem>>, vector<16xf32>,
          tpu.vector_store %arg9[%swap3A_260], %get3A_255 {strides = array<i32>} : memref<22528xf32, #tpu.memory_space<vmem>>, vector<16xf32>,
          %lt3A_262 = arith.constant 7 : i32
          %lt3A_263 = vector.broadcast %lt3A_262 : i32 to vector<16xi32>
          %lt3A_264 = arith.cmpi slt, %iota3A, %lt3A_263 : vector<16xi32>
          %add3A_265 = arith.constant 1376 : i32
          %add3A_266 = arith.addi %mul3A_112, %add3A_265 : i32
          %add3A_267 = vector.broadcast %add3A_266 : i32 to vector<16xi32>
          %add3A_268 = arith.addi %add3A_267, %iota3A : vector<16xi32>
          %gather3A_269 = tpu.vector_load_idx %arg8[%add3A_268] : memref<11088xf32, #tpu.memory_space<vmem>>[vector<16xi32>], vector<16xf32>,
          %add3A_270 = arith.constant 2656 : i32
          %add3A_271 = arith.addi %mul3A_114, %add3A_270 : i32
          %add3A_272 = vector.broadcast %add3A_271 : i32 to vector<16xi32>
          %add3A_273 = arith.addi %add3A_272, %iota3A : vector<16xi32>
          tpu.vector_store_idx %arg9[%add3A_273], %gather3A_269 masked %lt3A_264 : memref<22528xf32, #tpu.memory_space<vmem>>[vector<16xi32>], vector<16xf32>, vector<16xi1>
          %get3A_274 = arith.constant 10 : i32
          %get3A_275 = arith.index_cast %get3A_274 : i32 to index
          %get3A_276 = arith.index_cast %scan3A_110 : i32 to index
          %get3A_277 = arith.constant 96 : index
          %get3A_278 = tpu.vector_load %arg7[%get3A_275, %get3A_276, %get3A_277] {strides = array<i32>} : memref<11x8x128xf32, #tpu.memory_space<vmem>>, vector<16xf32>,
          %add3A_279 = arith.constant 2784 : i32
          %add3A_280 = arith.addi %mul3A_114, %add3A_279 : i32
          %add3A_281 = vector.broadcast %add3A_280 : i32 to vector<16xi32>
          %add3A_282 = arith.addi %add3A_281, %iota3A : vector<16xi32>
          tpu.vector_store_idx %arg9[%add3A_282], %get3A_278 masked %lt3A_264 : memref<22528xf32, #tpu.memory_space<vmem>>[vector<16xi32>], vector<16xf32>, vector<16xi1>
        }
        %scan3A_107 = arith.constant 8 : i32
        %mul3A_108 = arith.constant 2816 : i32
        %mul3A_109 = arith.muli %add3A_95, %mul3A_108 : i32
        "tpu.region"() ({
          %run_scoped3A = tpu.sem_alloc : memref<!tpu.dma_semaphore, #tpu.memory_space<semaphore_mem>>
          %dma_start3A_110 = tpu.memref_slice %arg6[%mul3A_109] : memref<3894528xf32, #tpu.memory_space<hbm>> -> memref<22528xf32, #tpu.memory_space<hbm>>
          %dma_start3A_111 = tpu.memref_slice %arg6[%mul3A_109] : memref<3894528xf32, #tpu.memory_space<hbm>> -> memref<22528xf32, #tpu.memory_space<hbm>>
          tpu.enqueue_dma source(%arg9 : memref<22528xf32, #tpu.memory_space<vmem>>) target(%dma_start3A_111 : memref<22528xf32, #tpu.memory_space<hbm>>) target_semaphore(%run_scoped3A : memref<!tpu.dma_semaphore, #tpu.memory_space<semaphore_mem>>)
          %dma_wait3A_112 = tpu.memref_slice %arg6[%mul3A_109] : memref<3894528xf32, #tpu.memory_space<hbm>> -> memref<22528xf32, #tpu.memory_space<hbm>>
          %dma_wait3A_113 = tpu.memref_slice %arg6[%mul3A_109] : memref<3894528xf32, #tpu.memory_space<hbm>> -> memref<22528xf32, #tpu.memory_space<hbm>>
          tpu.wait_dma2 semaphore(%run_scoped3A : memref<!tpu.dma_semaphore, #tpu.memory_space<semaphore_mem>>) src(%arg9 : memref<22528xf32, #tpu.memory_space<vmem>>) dst(%dma_wait3A_113 : memref<22528xf32, #tpu.memory_space<hbm>>)
          tpu.yield
        }) : () -> ()
      } else {
      }
    }
    %scan3A_34 = arith.constant 6 : i32
    %barrier3A_35 = arith.constant 0 : index
    tpu.barrier barrier_id(%barrier3A_35)
    %scan3A_36 = arith.constant 0 : i32
    %scan3A_37 = arith.constant 0 : i32
    %scan3A_38 = arith.constant 1408 : i32
    %scan3A_39 = arith.addi %scan3A_37, %scan3A_38 : i32
    %scan3A_40 = arith.constant 8 : i32
    scf.for %scan3A_84 = %scan3A_37 to %scan3A_39 step %scan3A_40  : i32 {
      %mul3A_85 = arith.constant 16 : i32
      %mul3A_86 = arith.muli %scan3A_84, %mul3A_85 : i32
      %swap3A = arith.index_cast %mul3A_86 : i32 to index
      %swap3A_87 = tpu.vector_load %arg9[%swap3A] {strides = array<i32>} : memref<22528xf32, #tpu.memory_space<vmem>>, vector<16xf32>,
      tpu.vector_store %arg9[%swap3A], %broadcast_in_dim3A_0 {strides = array<i32>} : memref<22528xf32, #tpu.memory_space<vmem>>, vector<16xf32>,
      %scan3A_88 = arith.constant 1 : i32
      %scan3A_89 = arith.addi %scan3A_84, %scan3A_88 : i32
      %mul3A_90 = arith.constant 16 : i32
      %mul3A_91 = arith.muli %scan3A_89, %mul3A_90 : i32
      %swap3A_92 = arith.index_cast %mul3A_91 : i32 to index
      %swap3A_93 = tpu.vector_load %arg9[%swap3A_92] {strides = array<i32>} : memref<22528xf32, #tpu.memory_space<vmem>>, vector<16xf32>,
      tpu.vector_store %arg9[%swap3A_92], %broadcast_in_dim3A_0 {strides = array<i32>} : memref<22528xf32, #tpu.memory_space<vmem>>, vector<16xf32>,
      %scan3A_94 = arith.constant 2 : i32
      %scan3A_95 = arith.addi %scan3A_84, %scan3A_94 : i32
      %mul3A_96 = arith.constant 16 : i32
      %mul3A_97 = arith.muli %scan3A_95, %mul3A_96 : i32
      %swap3A_98 = arith.index_cast %mul3A_97 : i32 to index
      %swap3A_99 = tpu.vector_load %arg9[%swap3A_98] {strides = array<i32>} : memref<22528xf32, #tpu.memory_space<vmem>>, vector<16xf32>,
      tpu.vector_store %arg9[%swap3A_98], %broadcast_in_dim3A_0 {strides = array<i32>} : memref<22528xf32, #tpu.memory_space<vmem>>, vector<16xf32>,
      %scan3A_100 = arith.constant 3 : i32
      %scan3A_101 = arith.addi %scan3A_84, %scan3A_100 : i32
      %mul3A_102 = arith.constant 16 : i32
      %mul3A_103 = arith.muli %scan3A_101, %mul3A_102 : i32
      %swap3A_104 = arith.index_cast %mul3A_103 : i32 to index
      %swap3A_105 = tpu.vector_load %arg9[%swap3A_104] {strides = array<i32>} : memref<22528xf32, #tpu.memory_space<vmem>>, vector<16xf32>,
      tpu.vector_store %arg9[%swap3A_104], %broadcast_in_dim3A_0 {strides = array<i32>} : memref<22528xf32, #tpu.memory_space<vmem>>, vector<16xf32>,
      %scan3A_106 = arith.constant 4 : i32
      %scan3A_107 = arith.addi %scan3A_84, %scan3A_106 : i32
      %mul3A_108 = arith.constant 16 : i32
      %mul3A_109 = arith.muli %scan3A_107, %mul3A_108 : i32
      %swap3A_110 = arith.index_cast %mul3A_109 : i32 to index
      %swap3A_111 = tpu.vector_load %arg9[%swap3A_110] {strides = array<i32>} : memref<22528xf32, #tpu.memory_space<vmem>>, vector<16xf32>,
      tpu.vector_store %arg9[%swap3A_110], %broadcast_in_dim3A_0 {strides = array<i32>} : memref<22528xf32, #tpu.memory_space<vmem>>, vector<16xf32>,
      %scan3A_112 = arith.constant 5 : i32
      %scan3A_113 = arith.addi %scan3A_84, %scan3A_112 : i32
      %mul3A_114 = arith.constant 16 : i32
      %mul3A_115 = arith.muli %scan3A_113, %mul3A_114 : i32
      %swap3A_116 = arith.index_cast %mul3A_115 : i32 to index
      %swap3A_117 = tpu.vector_load %arg9[%swap3A_116] {strides = array<i32>} : memref<22528xf32, #tpu.memory_space<vmem>>, vector<16xf32>,
      tpu.vector_store %arg9[%swap3A_116], %broadcast_in_dim3A_0 {strides = array<i32>} : memref<22528xf32, #tpu.memory_space<vmem>>, vector<16xf32>,
      %scan3A_118 = arith.constant 6 : i32
      %scan3A_119 = arith.addi %scan3A_84, %scan3A_118 : i32
      %mul3A_120 = arith.constant 16 : i32
      %mul3A_121 = arith.muli %scan3A_119, %mul3A_120 : i32
      %swap3A_122 = arith.index_cast %mul3A_121 : i32 to index
      %swap3A_123 = tpu.vector_load %arg9[%swap3A_122] {strides = array<i32>} : memref<22528xf32, #tpu.memory_space<vmem>>, vector<16xf32>,
      tpu.vector_store %arg9[%swap3A_122], %broadcast_in_dim3A_0 {strides = array<i32>} : memref<22528xf32, #tpu.memory_space<vmem>>, vector<16xf32>,
      %scan3A_124 = arith.constant 7 : i32
      %scan3A_125 = arith.addi %scan3A_84, %scan3A_124 : i32
      %mul3A_126 = arith.constant 16 : i32
      %mul3A_127 = arith.muli %scan3A_125, %mul3A_126 : i32
      %swap3A_128 = arith.index_cast %mul3A_127 : i32 to index
      %swap3A_129 = tpu.vector_load %arg9[%swap3A_128] {strides = array<i32>} : memref<22528xf32, #tpu.memory_space<vmem>>, vector<16xf32>,
      tpu.vector_store %arg9[%swap3A_128], %broadcast_in_dim3A_0 {strides = array<i32>} : memref<22528xf32, #tpu.memory_space<vmem>>, vector<16xf32>,
    }
    %scan3A_41 = arith.constant 1408 : i32
    %scan3A_42 = arith.constant 0 : i32
    %scan3A_43 = arith.constant 0 : i32
    %scan3A_44 = arith.constant 3 : i32
    %scan3A_45 = arith.addi %scan3A_43, %scan3A_44 : i32
    %scan3A_46 = arith.constant 1 : i32
    scf.for %scan3A_84 = %scan3A_43 to %scan3A_45 step %scan3A_46  : i32 {
      %mul3A_85 = arith.constant 16 : i32
      %mul3A_86 = arith.muli %scan3A_84, %mul3A_85 : i32
      %add3A_87 = arith.addi %arg1, %mul3A_86 : i32
      %lt3A = arith.constant 42 : i32
      %lt3A_88 = arith.cmpi slt, %add3A_87, %lt3A : i32
      %convert_element_type3A_89 = arith.extui %lt3A_88 : i1 to i32
      %cond3A_90 = arith.constant 0 : i32
      %cond3A_91 = arith.cmpi ne, %convert_element_type3A_89, %cond3A_90 : i32
      scf.if %cond3A_91 {
        %mul3A_92 = arith.constant 22528 : i32
        %mul3A_93 = arith.muli %add3A_87, %mul3A_92 : i32
        "tpu.region"() ({
          %run_scoped3A = tpu.sem_alloc : memref<!tpu.dma_semaphore, #tpu.memory_space<semaphore_mem>>
          %dma_start3A_94 = tpu.memref_slice %arg14[%mul3A_93] : memref<965312xf32, #tpu.memory_space<vmem_shared>> -> memref<22528xf32, #tpu.memory_space<vmem_shared>>
          %dma_start3A_95 = tpu.memref_slice %arg14[%mul3A_93] : memref<965312xf32, #tpu.memory_space<vmem_shared>> -> memref<22528xf32, #tpu.memory_space<vmem_shared>>
          tpu.enqueue_dma source(%arg9 : memref<22528xf32, #tpu.memory_space<vmem>>) target(%dma_start3A_95 : memref<22528xf32, #tpu.memory_space<vmem_shared>>) target_semaphore(%run_scoped3A : memref<!tpu.dma_semaphore, #tpu.memory_space<semaphore_mem>>)
          %dma_wait3A_96 = tpu.memref_slice %arg14[%mul3A_93] : memref<965312xf32, #tpu.memory_space<vmem_shared>> -> memref<22528xf32, #tpu.memory_space<vmem_shared>>
          %dma_wait3A_97 = tpu.memref_slice %arg14[%mul3A_93] : memref<965312xf32, #tpu.memory_space<vmem_shared>> -> memref<22528xf32, #tpu.memory_space<vmem_shared>>
          tpu.wait_dma2 semaphore(%run_scoped3A : memref<!tpu.dma_semaphore, #tpu.memory_space<semaphore_mem>>) src(%arg9 : memref<22528xf32, #tpu.memory_space<vmem>>) dst(%dma_wait3A_97 : memref<22528xf32, #tpu.memory_space<vmem_shared>>)
          tpu.yield
        }) : () -> ()
      } else {
      }
    }
    %scan3A_47 = arith.constant 3 : i32
    %eq3A_48 = arith.constant 11 : i32
    %eq3A_49 = arith.cmpi eq, %arg1, %eq3A_48 : i32
    %convert_element_type3A_50 = arith.extui %eq3A_49 : i1 to i32
    %cond3A_51 = arith.constant 0 : i32
    %cond3A_52 = arith.cmpi ne, %convert_element_type3A_50, %cond3A_51 : i32
    scf.if %cond3A_52 {
      "tpu.region"() ({
        %run_scoped3A = tpu.sem_alloc : memref<!tpu.dma_semaphore, #tpu.memory_space<semaphore_mem>>
        %dma_start3A_84 = arith.constant 0 : i32
        %dma_start3A_85 = tpu.memref_slice %arg9[%dma_start3A_84] : memref<22528xf32, #tpu.memory_space<vmem>> -> memref<19136xf32, #tpu.memory_space<vmem>>
        %dma_start3A_86 = arith.constant 946176 : i32
        %dma_start3A_87 = tpu.memref_slice %arg14[%dma_start3A_86] : memref<965312xf32, #tpu.memory_space<vmem_shared>> -> memref<19136xf32, #tpu.memory_space<vmem_shared>>
        %dma_start3A_88 = arith.constant 946176 : i32
        %dma_start3A_89 = tpu.memref_slice %arg14[%dma_start3A_88] : memref<965312xf32, #tpu.memory_space<vmem_shared>> -> memref<19136xf32, #tpu.memory_space<vmem_shared>>
        %dma_start3A_90 = arith.constant 0 : i32
        %dma_start3A_91 = tpu.memref_slice %arg9[%dma_start3A_90] : memref<22528xf32, #tpu.memory_space<vmem>> -> memref<19136xf32, #tpu.memory_space<vmem>>
        tpu.enqueue_dma source(%dma_start3A_91 : memref<19136xf32, #tpu.memory_space<vmem>>) target(%dma_start3A_89 : memref<19136xf32, #tpu.memory_space<vmem_shared>>) target_semaphore(%run_scoped3A : memref<!tpu.dma_semaphore, #tpu.memory_space<semaphore_mem>>)
        %dma_wait3A_92 = arith.constant 0 : i32
        %dma_wait3A_93 = tpu.memref_slice %arg9[%dma_wait3A_92] : memref<22528xf32, #tpu.memory_space<vmem>> -> memref<19136xf32, #tpu.memory_space<vmem>>
        %dma_wait3A_94 = arith.constant 946176 : i32
        %dma_wait3A_95 = tpu.memref_slice %arg14[%dma_wait3A_94] : memref<965312xf32, #tpu.memory_space<vmem_shared>> -> memref<19136xf32, #tpu.memory_space<vmem_shared>>
        %dma_wait3A_96 = arith.constant 946176 : i32
        %dma_wait3A_97 = tpu.memref_slice %arg14[%dma_wait3A_96] : memref<965312xf32, #tpu.memory_space<vmem_shared>> -> memref<19136xf32, #tpu.memory_space<vmem_shared>>
        %dma_wait3A_98 = arith.constant 0 : i32
        %dma_wait3A_99 = tpu.memref_slice %arg9[%dma_wait3A_98] : memref<22528xf32, #tpu.memory_space<vmem>> -> memref<19136xf32, #tpu.memory_space<vmem>>
        tpu.wait_dma2 semaphore(%run_scoped3A : memref<!tpu.dma_semaphore, #tpu.memory_space<semaphore_mem>>) src(%dma_wait3A_99 : memref<19136xf32, #tpu.memory_space<vmem>>) dst(%dma_wait3A_97 : memref<19136xf32, #tpu.memory_space<vmem_shared>>)
        tpu.yield
      }) : () -> ()
    } else {
    }
    %barrier3A_53 = arith.constant 0 : index
    tpu.barrier barrier_id(%barrier3A_53)
    %mul3A_54 = arith.constant 65536 : i32
    %mul3A_55 = arith.muli %arg1, %mul3A_54 : i32
    %add3A_56 = arith.constant 0 : i32
    %add3A_57 = arith.addi %mul3A_55, %add3A_56 : i32
    %dma_start3A_58 = tpu.memref_slice %arg5[%add3A_57] : memref<1048576xi32, #tpu.memory_space<hbm>> -> memref<4096xi32, #tpu.memory_space<hbm>>
    %dma_start3A_59 = tpu.memref_slice %arg5[%add3A_57] : memref<1048576xi32, #tpu.memory_space<hbm>> -> memref<4096xi32, #tpu.memory_space<hbm>>
    tpu.enqueue_dma source(%dma_start3A_59 : memref<4096xi32, #tpu.memory_space<hbm>>) target(%arg10 : memref<4096xi32, #tpu.memory_space<vmem>>) target_semaphore(%arg15 : memref<!tpu.dma_semaphore, #tpu.memory_space<semaphore_mem>>)
    %dma_start3A_60 = tpu.memref_slice %arg3[%add3A_57] : memref<1048576xf32, #tpu.memory_space<hbm>> -> memref<4096xf32, #tpu.memory_space<hbm>>
    %dma_start3A_61 = tpu.memref_slice %arg3[%add3A_57] : memref<1048576xf32, #tpu.memory_space<hbm>> -> memref<4096xf32, #tpu.memory_space<hbm>>
    tpu.enqueue_dma source(%dma_start3A_61 : memref<4096xf32, #tpu.memory_space<hbm>>) target(%arg12 : memref<4096xf32, #tpu.memory_space<vmem>>) target_semaphore(%arg15 : memref<!tpu.dma_semaphore, #tpu.memory_space<semaphore_mem>>)
    %scan3A_62 = arith.constant 0 : i32
    %scan3A_63 = arith.constant 0 : i32
    %scan3A_64 = arith.constant 8 : i32
    %scan3A_65 = arith.addi %scan3A_63, %scan3A_64 : i32
    %scan3A_66 = arith.constant 1 : i32
    scf.for %scan3A_84 = %scan3A_63 to %scan3A_65 step %scan3A_66  : i32 {
      %mul3A_85 = arith.constant 2 : i32
      %mul3A_86 = arith.muli %mul3A_85, %scan3A_84 : i32
      %ge3A = arith.constant 1 : i32
      %ge3A_87 = arith.cmpi sge, %mul3A_86, %ge3A : i32
      %add3A_88 = arith.constant 1 : i32
      %add3A_89 = arith.addi %mul3A_86, %add3A_88 : i32
      %lt3A = arith.constant 16 : i32
      %lt3A_90 = arith.cmpi slt, %add3A_89, %lt3A : i32
      %and3A = arith.andi %ge3A_87, %lt3A_90 : i1
      %convert_element_type3A_91 = arith.extui %and3A : i1 to i32
      %cond3A_92 = arith.constant 0 : i32
      %cond3A_93 = arith.cmpi ne, %convert_element_type3A_91, %cond3A_92 : i32
      scf.if %cond3A_93 {
        %dma_wait3A_132 = arith.constant 0 : i32
        %dma_wait3A_133 = tpu.memref_slice %arg14[%dma_wait3A_132] : memref<965312xf32, #tpu.memory_space<vmem_shared>> -> memref<965312xf32, #tpu.memory_space<vmem_shared>>
        tpu.wait_indirect_dma semaphore(%arg18 : memref<!tpu.dma_semaphore, #tpu.memory_space<semaphore_mem>>) src(%arg13 : memref<4096xf32, #tpu.memory_space<vmem>>) dst(%dma_wait3A_133 : memref<965312xf32, #tpu.memory_space<vmem_shared>>)
      } else {
      }
      %add3A_94 = arith.constant 1 : i32
      %add3A_95 = arith.addi %mul3A_86, %add3A_94 : i32
      %lt3A_96 = arith.constant 16 : i32
      %lt3A_97 = arith.cmpi slt, %add3A_95, %lt3A_96 : i32
      %convert_element_type3A_98 = arith.extui %lt3A_97 : i1 to i32
      %cond3A_99 = arith.constant 0 : i32
      %cond3A_100 = arith.cmpi ne, %convert_element_type3A_98, %cond3A_99 : i32
      scf.if %cond3A_100 {
        %add3A_132 = arith.constant 1 : i32
        %add3A_133 = arith.addi %mul3A_86, %add3A_132 : i32
        %mul3A_134 = arith.constant 4096 : i32
        %mul3A_135 = arith.muli %add3A_133, %mul3A_134 : i32
        %add3A_136 = arith.addi %mul3A_55, %mul3A_135 : i32
        %dma_start3A_137 = tpu.memref_slice %arg5[%add3A_136] : memref<1048576xi32, #tpu.memory_space<hbm>> -> memref<4096xi32, #tpu.memory_space<hbm>>
        %dma_start3A_138 = tpu.memref_slice %arg5[%add3A_136] : memref<1048576xi32, #tpu.memory_space<hbm>> -> memref<4096xi32, #tpu.memory_space<hbm>>
        tpu.enqueue_dma source(%dma_start3A_138 : memref<4096xi32, #tpu.memory_space<hbm>>) target(%arg11 : memref<4096xi32, #tpu.memory_space<vmem>>) target_semaphore(%arg16 : memref<!tpu.dma_semaphore, #tpu.memory_space<semaphore_mem>>)
        %dma_start3A_139 = tpu.memref_slice %arg3[%add3A_136] : memref<1048576xf32, #tpu.memory_space<hbm>> -> memref<4096xf32, #tpu.memory_space<hbm>>
        %dma_start3A_140 = tpu.memref_slice %arg3[%add3A_136] : memref<1048576xf32, #tpu.memory_space<hbm>> -> memref<4096xf32, #tpu.memory_space<hbm>>
        tpu.enqueue_dma source(%dma_start3A_140 : memref<4096xf32, #tpu.memory_space<hbm>>) target(%arg13 : memref<4096xf32, #tpu.memory_space<vmem>>) target_semaphore(%arg16 : memref<!tpu.dma_semaphore, #tpu.memory_space<semaphore_mem>>)
      } else {
      }
      %lt3A_101 = arith.constant 16 : i32
      %lt3A_102 = arith.cmpi slt, %mul3A_86, %lt3A_101 : i32
      %convert_element_type3A_103 = arith.extui %lt3A_102 : i1 to i32
      %cond3A_104 = arith.constant 0 : i32
      %cond3A_105 = arith.cmpi ne, %convert_element_type3A_103, %cond3A_104 : i32
      scf.if %cond3A_105 {
        %mul3A_132 = arith.constant 4096 : i32
        %mul3A_133 = arith.muli %mul3A_86, %mul3A_132 : i32
        %add3A_134 = arith.addi %mul3A_55, %mul3A_133 : i32
        %dma_wait3A_135 = tpu.memref_slice %arg5[%add3A_134] : memref<1048576xi32, #tpu.memory_space<hbm>> -> memref<4096xi32, #tpu.memory_space<hbm>>
        %dma_wait3A_136 = tpu.memref_slice %arg5[%add3A_134] : memref<1048576xi32, #tpu.memory_space<hbm>> -> memref<4096xi32, #tpu.memory_space<hbm>>
        tpu.wait_dma2 semaphore(%arg15 : memref<!tpu.dma_semaphore, #tpu.memory_space<semaphore_mem>>) src(%dma_wait3A_136 : memref<4096xi32, #tpu.memory_space<hbm>>) dst(%arg10 : memref<4096xi32, #tpu.memory_space<vmem>>)
        %dma_wait3A_137 = tpu.memref_slice %arg3[%add3A_134] : memref<1048576xf32, #tpu.memory_space<hbm>> -> memref<4096xf32, #tpu.memory_space<hbm>>
        %dma_wait3A_138 = tpu.memref_slice %arg3[%add3A_134] : memref<1048576xf32, #tpu.memory_space<hbm>> -> memref<4096xf32, #tpu.memory_space<hbm>>
        tpu.wait_dma2 semaphore(%arg15 : memref<!tpu.dma_semaphore, #tpu.memory_space<semaphore_mem>>) src(%dma_wait3A_138 : memref<4096xf32, #tpu.memory_space<hbm>>) dst(%arg12 : memref<4096xf32, #tpu.memory_space<vmem>>)
        %dma_start3A_139 = arith.constant 0 : i32
        %dma_start3A_140 = tpu.memref_slice %arg14[%dma_start3A_139] : memref<965312xf32, #tpu.memory_space<vmem_shared>> -> memref<965312xf32, #tpu.memory_space<vmem_shared>>
        tpu.enqueue_indirect_dma source(%arg12 : memref<4096xf32, #tpu.memory_space<vmem>>) target(%dma_start3A_140 : memref<965312xf32, #tpu.memory_space<vmem_shared>>) offsets(%arg10 : memref<4096xi32, #tpu.memory_space<vmem>>) semaphore(%arg17 : memref<!tpu.dma_semaphore, #tpu.memory_space<semaphore_mem>>)
      } else {
      }
      %mul3A_106 = arith.constant 2 : i32
      %mul3A_107 = arith.muli %mul3A_106, %scan3A_84 : i32
      %add3A_108 = arith.constant 1 : i32
      %add3A_109 = arith.addi %mul3A_107, %add3A_108 : i32
      %ge3A_110 = arith.constant 1 : i32
      %ge3A_111 = arith.cmpi sge, %add3A_109, %ge3A_110 : i32
      %add3A_112 = arith.constant 1 : i32
      %add3A_113 = arith.addi %add3A_109, %add3A_112 : i32
      %lt3A_114 = arith.constant 16 : i32
      %lt3A_115 = arith.cmpi slt, %add3A_113, %lt3A_114 : i32
      %and3A_116 = arith.andi %ge3A_111, %lt3A_115 : i1
      %convert_element_type3A_117 = arith.extui %and3A_116 : i1 to i32
      %cond3A_118 = arith.constant 0 : i32
      %cond3A_119 = arith.cmpi ne, %convert_element_type3A_117, %cond3A_118 : i32
      scf.if %cond3A_119 {
        %dma_wait3A_132 = arith.constant 0 : i32
        %dma_wait3A_133 = tpu.memref_slice %arg14[%dma_wait3A_132] : memref<965312xf32, #tpu.memory_space<vmem_shared>> -> memref<965312xf32, #tpu.memory_space<vmem_shared>>
        tpu.wait_indirect_dma semaphore(%arg17 : memref<!tpu.dma_semaphore, #tpu.memory_space<semaphore_mem>>) src(%arg12 : memref<4096xf32, #tpu.memory_space<vmem>>) dst(%dma_wait3A_133 : memref<965312xf32, #tpu.memory_space<vmem_shared>>)
      } else {
      }
      %add3A_120 = arith.constant 1 : i32
      %add3A_121 = arith.addi %add3A_109, %add3A_120 : i32
      %lt3A_122 = arith.constant 16 : i32
      %lt3A_123 = arith.cmpi slt, %add3A_121, %lt3A_122 : i32
      %convert_element_type3A_124 = arith.extui %lt3A_123 : i1 to i32
      %cond3A_125 = arith.constant 0 : i32
      %cond3A_126 = arith.cmpi ne, %convert_element_type3A_124, %cond3A_125 : i32
      scf.if %cond3A_126 {
        %add3A_132 = arith.constant 1 : i32
        %add3A_133 = arith.addi %add3A_109, %add3A_132 : i32
        %mul3A_134 = arith.constant 4096 : i32
        %mul3A_135 = arith.muli %add3A_133, %mul3A_134 : i32
        %add3A_136 = arith.addi %mul3A_55, %mul3A_135 : i32
        %dma_start3A_137 = tpu.memref_slice %arg5[%add3A_136] : memref<1048576xi32, #tpu.memory_space<hbm>> -> memref<4096xi32, #tpu.memory_space<hbm>>
        %dma_start3A_138 = tpu.memref_slice %arg5[%add3A_136] : memref<1048576xi32, #tpu.memory_space<hbm>> -> memref<4096xi32, #tpu.memory_space<hbm>>
        tpu.enqueue_dma source(%dma_start3A_138 : memref<4096xi32, #tpu.memory_space<hbm>>) target(%arg10 : memref<4096xi32, #tpu.memory_space<vmem>>) target_semaphore(%arg15 : memref<!tpu.dma_semaphore, #tpu.memory_space<semaphore_mem>>)
        %dma_start3A_139 = tpu.memref_slice %arg3[%add3A_136] : memref<1048576xf32, #tpu.memory_space<hbm>> -> memref<4096xf32, #tpu.memory_space<hbm>>
        %dma_start3A_140 = tpu.memref_slice %arg3[%add3A_136] : memref<1048576xf32, #tpu.memory_space<hbm>> -> memref<4096xf32, #tpu.memory_space<hbm>>
        tpu.enqueue_dma source(%dma_start3A_140 : memref<4096xf32, #tpu.memory_space<hbm>>) target(%arg12 : memref<4096xf32, #tpu.memory_space<vmem>>) target_semaphore(%arg15 : memref<!tpu.dma_semaphore, #tpu.memory_space<semaphore_mem>>)
      } else {
      }
      %lt3A_127 = arith.constant 16 : i32
      %lt3A_128 = arith.cmpi slt, %add3A_109, %lt3A_127 : i32
      %convert_element_type3A_129 = arith.extui %lt3A_128 : i1 to i32
      %cond3A_130 = arith.constant 0 : i32
      %cond3A_131 = arith.cmpi ne, %convert_element_type3A_129, %cond3A_130 : i32
      scf.if %cond3A_131 {
        %mul3A_132 = arith.constant 4096 : i32
        %mul3A_133 = arith.muli %add3A_109, %mul3A_132 : i32
        %add3A_134 = arith.addi %mul3A_55, %mul3A_133 : i32
        %dma_wait3A_135 = tpu.memref_slice %arg5[%add3A_134] : memref<1048576xi32, #tpu.memory_space<hbm>> -> memref<4096xi32, #tpu.memory_space<hbm>>
        %dma_wait3A_136 = tpu.memref_slice %arg5[%add3A_134] : memref<1048576xi32, #tpu.memory_space<hbm>> -> memref<4096xi32, #tpu.memory_space<hbm>>
        tpu.wait_dma2 semaphore(%arg16 : memref<!tpu.dma_semaphore, #tpu.memory_space<semaphore_mem>>) src(%dma_wait3A_136 : memref<4096xi32, #tpu.memory_space<hbm>>) dst(%arg11 : memref<4096xi32, #tpu.memory_space<vmem>>)
        %dma_wait3A_137 = tpu.memref_slice %arg3[%add3A_134] : memref<1048576xf32, #tpu.memory_space<hbm>> -> memref<4096xf32, #tpu.memory_space<hbm>>
        %dma_wait3A_138 = tpu.memref_slice %arg3[%add3A_134] : memref<1048576xf32, #tpu.memory_space<hbm>> -> memref<4096xf32, #tpu.memory_space<hbm>>
        tpu.wait_dma2 semaphore(%arg16 : memref<!tpu.dma_semaphore, #tpu.memory_space<semaphore_mem>>) src(%dma_wait3A_138 : memref<4096xf32, #tpu.memory_space<hbm>>) dst(%arg13 : memref<4096xf32, #tpu.memory_space<vmem>>)
        %dma_start3A_139 = arith.constant 0 : i32
        %dma_start3A_140 = tpu.memref_slice %arg14[%dma_start3A_139] : memref<965312xf32, #tpu.memory_space<vmem_shared>> -> memref<965312xf32, #tpu.memory_space<vmem_shared>>
        tpu.enqueue_indirect_dma source(%arg13 : memref<4096xf32, #tpu.memory_space<vmem>>) target(%dma_start3A_140 : memref<965312xf32, #tpu.memory_space<vmem_shared>>) offsets(%arg11 : memref<4096xi32, #tpu.memory_space<vmem>>) semaphore(%arg18 : memref<!tpu.dma_semaphore, #tpu.memory_space<semaphore_mem>>)
      } else {
      }
    }
    %scan3A_67 = arith.constant 8 : i32
    %dma_wait3A_68 = arith.constant 0 : i32
    %dma_wait3A_69 = tpu.memref_slice %arg14[%dma_wait3A_68] : memref<965312xf32, #tpu.memory_space<vmem_shared>> -> memref<965312xf32, #tpu.memory_space<vmem_shared>>
    tpu.wait_indirect_dma semaphore(%arg17 : memref<!tpu.dma_semaphore, #tpu.memory_space<semaphore_mem>>) src(%arg12 : memref<4096xf32, #tpu.memory_space<vmem>>) dst(%dma_wait3A_69 : memref<965312xf32, #tpu.memory_space<vmem_shared>>)
    %dma_wait3A_70 = arith.constant 0 : i32
    %dma_wait3A_71 = tpu.memref_slice %arg14[%dma_wait3A_70] : memref<965312xf32, #tpu.memory_space<vmem_shared>> -> memref<965312xf32, #tpu.memory_space<vmem_shared>>
    tpu.wait_indirect_dma semaphore(%arg18 : memref<!tpu.dma_semaphore, #tpu.memory_space<semaphore_mem>>) src(%arg13 : memref<4096xf32, #tpu.memory_space<vmem>>) dst(%dma_wait3A_71 : memref<965312xf32, #tpu.memory_space<vmem_shared>>)
    %barrier3A_72 = arith.constant 0 : index
    tpu.barrier barrier_id(%barrier3A_72)
    %scan3A_73 = arith.constant 0 : i32
    %scan3A_74 = arith.constant 0 : i32
    %scan3A_75 = arith.constant 6 : i32
    %scan3A_76 = arith.addi %scan3A_74, %scan3A_75 : i32
    %scan3A_77 = arith.constant 1 : i32
    scf.for %scan3A_84 = %scan3A_74 to %scan3A_76 step %scan3A_77  : i32 {
      %mul3A_85 = arith.constant 16 : i32
      %mul3A_86 = arith.muli %scan3A_84, %mul3A_85 : i32
      %add3A_87 = arith.addi %arg1, %mul3A_86 : i32
      %lt3A = arith.constant 85 : i32
      %lt3A_88 = arith.cmpi slt, %add3A_87, %lt3A : i32
      %convert_element_type3A_89 = arith.extui %lt3A_88 : i1 to i32
      %cond3A_90 = arith.constant 0 : i32
      %cond3A_91 = arith.cmpi ne, %convert_element_type3A_89, %cond3A_90 : i32
      scf.if %cond3A_91 {
        %mul3A_92 = arith.constant 8 : i32
        %mul3A_93 = arith.muli %add3A_87, %mul3A_92 : i32
        %add3A_94 = arith.constant 696 : i32
        %add3A_95 = arith.addi %add3A_94, %mul3A_93 : i32
        %add3A_96 = arith.constant 87 : i32
        %add3A_97 = arith.addi %add3A_96, %add3A_87 : i32
        "tpu.region"() ({
          %run_scoped3A = tpu.sem_alloc : memref<!tpu.dma_semaphore, #tpu.memory_space<semaphore_mem>>
          %dma_start3A_110 = arith.constant 0 : i32
          %dma_start3A_111 = arith.constant 0 : i32
          %dma_start3A_112 = arith.constant 0 : i32
          %dma_start3A_113 = tpu.memref_slice %arg2[%add3A_97, %dma_start3A_110, %dma_start3A_111, %dma_start3A_112] : memref<173x11x8x128xf32, #tpu.memory_space<hbm>> -> memref<1x11x8x128xf32, #tpu.memory_space<hbm>>
          %dma_start3A_114 = tpu.memref_squeeze %dma_start3A_113 : memref<1x11x8x128xf32, #tpu.memory_space<hbm>> -> memref<11x8x128xf32, #tpu.memory_space<hbm>>
          %dma_start3A_115 = arith.constant 0 : i32
          %dma_start3A_116 = arith.constant 0 : i32
          %dma_start3A_117 = arith.constant 0 : i32
          %dma_start3A_118 = tpu.memref_slice %arg2[%add3A_97, %dma_start3A_115, %dma_start3A_116, %dma_start3A_117] : memref<173x11x8x128xf32, #tpu.memory_space<hbm>> -> memref<1x11x8x128xf32, #tpu.memory_space<hbm>>
          %dma_start3A_119 = tpu.memref_squeeze %dma_start3A_118 : memref<1x11x8x128xf32, #tpu.memory_space<hbm>> -> memref<11x8x128xf32, #tpu.memory_space<hbm>>
          tpu.enqueue_dma source(%dma_start3A_119 : memref<11x8x128xf32, #tpu.memory_space<hbm>>) target(%arg7 : memref<11x8x128xf32, #tpu.memory_space<vmem>>) target_semaphore(%run_scoped3A : memref<!tpu.dma_semaphore, #tpu.memory_space<semaphore_mem>>)
          %dma_wait3A_120 = arith.constant 0 : i32
          %dma_wait3A_121 = arith.constant 0 : i32
          %dma_wait3A_122 = arith.constant 0 : i32
          %dma_wait3A_123 = tpu.memref_slice %arg2[%add3A_97, %dma_wait3A_120, %dma_wait3A_121, %dma_wait3A_122] : memref<173x11x8x128xf32, #tpu.memory_space<hbm>> -> memref<1x11x8x128xf32, #tpu.memory_space<hbm>>
          %dma_wait3A_124 = tpu.memref_squeeze %dma_wait3A_123 : memref<1x11x8x128xf32, #tpu.memory_space<hbm>> -> memref<11x8x128xf32, #tpu.memory_space<hbm>>
          %dma_wait3A_125 = arith.constant 0 : i32
          %dma_wait3A_126 = arith.constant 0 : i32
          %dma_wait3A_127 = arith.constant 0 : i32
          %dma_wait3A_128 = tpu.memref_slice %arg2[%add3A_97, %dma_wait3A_125, %dma_wait3A_126, %dma_wait3A_127] : memref<173x11x8x128xf32, #tpu.memory_space<hbm>> -> memref<1x11x8x128xf32, #tpu.memory_space<hbm>>
          %dma_wait3A_129 = tpu.memref_squeeze %dma_wait3A_128 : memref<1x11x8x128xf32, #tpu.memory_space<hbm>> -> memref<11x8x128xf32, #tpu.memory_space<hbm>>
          tpu.wait_dma2 semaphore(%run_scoped3A : memref<!tpu.dma_semaphore, #tpu.memory_space<semaphore_mem>>) src(%dma_wait3A_129 : memref<11x8x128xf32, #tpu.memory_space<hbm>>) dst(%arg7 : memref<11x8x128xf32, #tpu.memory_space<vmem>>)
          tpu.yield
        }) : () -> ()
        %mul3A_98 = arith.constant 8 : i32
        %mul3A_99 = arith.muli %add3A_87, %mul3A_98 : i32
        %mul3A_100 = arith.constant 1384 : i32
        %mul3A_101 = arith.muli %mul3A_99, %mul3A_100 : i32
        "tpu.region"() ({
          %run_scoped3A = tpu.sem_alloc : memref<!tpu.dma_semaphore, #tpu.memory_space<semaphore_mem>>
          %dma_start3A_110 = arith.constant 0 : i32
          %dma_start3A_111 = tpu.memref_slice %arg8[%dma_start3A_110] : memref<11088xf32, #tpu.memory_space<vmem>> -> memref<11072xf32, #tpu.memory_space<vmem>>
          %dma_start3A_112 = tpu.memref_slice %arg14[%mul3A_101] : memref<965312xf32, #tpu.memory_space<vmem_shared>> -> memref<11072xf32, #tpu.memory_space<vmem_shared>>
          %dma_start3A_113 = arith.constant 0 : i32
          %dma_start3A_114 = tpu.memref_slice %arg8[%dma_start3A_113] : memref<11088xf32, #tpu.memory_space<vmem>> -> memref<11072xf32, #tpu.memory_space<vmem>>
          %dma_start3A_115 = tpu.memref_slice %arg14[%mul3A_101] : memref<965312xf32, #tpu.memory_space<vmem_shared>> -> memref<11072xf32, #tpu.memory_space<vmem_shared>>
          tpu.enqueue_dma source(%dma_start3A_115 : memref<11072xf32, #tpu.memory_space<vmem_shared>>) target(%dma_start3A_114 : memref<11072xf32, #tpu.memory_space<vmem>>) target_semaphore(%run_scoped3A : memref<!tpu.dma_semaphore, #tpu.memory_space<semaphore_mem>>)
          %dma_wait3A_116 = arith.constant 0 : i32
          %dma_wait3A_117 = tpu.memref_slice %arg8[%dma_wait3A_116] : memref<11088xf32, #tpu.memory_space<vmem>> -> memref<11072xf32, #tpu.memory_space<vmem>>
          %dma_wait3A_118 = tpu.memref_slice %arg14[%mul3A_101] : memref<965312xf32, #tpu.memory_space<vmem_shared>> -> memref<11072xf32, #tpu.memory_space<vmem_shared>>
          %dma_wait3A_119 = arith.constant 0 : i32
          %dma_wait3A_120 = tpu.memref_slice %arg8[%dma_wait3A_119] : memref<11088xf32, #tpu.memory_space<vmem>> -> memref<11072xf32, #tpu.memory_space<vmem>>
          %dma_wait3A_121 = tpu.memref_slice %arg14[%mul3A_101] : memref<965312xf32, #tpu.memory_space<vmem_shared>> -> memref<11072xf32, #tpu.memory_space<vmem_shared>>
          tpu.wait_dma2 semaphore(%run_scoped3A : memref<!tpu.dma_semaphore, #tpu.memory_space<semaphore_mem>>) src(%dma_wait3A_121 : memref<11072xf32, #tpu.memory_space<vmem_shared>>) dst(%dma_wait3A_120 : memref<11072xf32, #tpu.memory_space<vmem>>)
          tpu.yield
        }) : () -> ()
        %scan3A_102 = arith.constant 0 : i32
        %scan3A_103 = arith.constant 0 : i32
        %scan3A_104 = arith.constant 8 : i32
        %scan3A_105 = arith.addi %scan3A_103, %scan3A_104 : i32
        %scan3A_106 = arith.constant 1 : i32
        scf.for %scan3A_110 = %scan3A_103 to %scan3A_105 step %scan3A_106  : i32 {
          %mul3A_111 = arith.constant 1384 : i32
          %mul3A_112 = arith.muli %scan3A_110, %mul3A_111 : i32
          %mul3A_113 = arith.constant 2816 : i32
          %mul3A_114 = arith.muli %scan3A_110, %mul3A_113 : i32
          %scan3A_115 = arith.constant 0 : i32
          %scan3A_116 = arith.constant 0 : i32
          %scan3A_117 = arith.constant 10 : i32
          %scan3A_118 = arith.addi %scan3A_116, %scan3A_117 : i32
          %scan3A_119 = arith.constant 1 : i32
          scf.for %scan3A_283 = %scan3A_116 to %scan3A_118 step %scan3A_119  : i32 {
            %mul3A_284 = arith.constant 128 : i32
            %mul3A_285 = arith.muli %scan3A_283, %mul3A_284 : i32
            %add3A_286 = arith.addi %mul3A_112, %mul3A_285 : i32
            %add3A_287 = arith.constant 0 : i32
            %add3A_288 = arith.addi %add3A_286, %add3A_287 : i32
            %add3A_289 = vector.broadcast %add3A_288 : i32 to vector<16xi32>
            %add3A_290 = arith.addi %add3A_289, %iota3A : vector<16xi32>
            %gather3A_291 = tpu.vector_load_idx %arg8[%add3A_290] : memref<11088xf32, #tpu.memory_space<vmem>>[vector<16xi32>], vector<16xf32>,
            %mul3A_292 = arith.constant 256 : i32
            %mul3A_293 = arith.muli %scan3A_283, %mul3A_292 : i32
            %add3A_294 = arith.addi %mul3A_114, %mul3A_293 : i32
            %add3A_295 = arith.constant 0 : i32
            %add3A_296 = arith.addi %add3A_294, %add3A_295 : i32
            %swap3A_297 = arith.index_cast %add3A_296 : i32 to index
            %swap3A_298 = tpu.vector_load %arg9[%swap3A_297] {strides = array<i32>} : memref<22528xf32, #tpu.memory_space<vmem>>, vector<16xf32>,
            tpu.vector_store %arg9[%swap3A_297], %gather3A_291 {strides = array<i32>} : memref<22528xf32, #tpu.memory_space<vmem>>, vector<16xf32>,
            %get3A_299 = arith.index_cast %scan3A_283 : i32 to index
            %get3A_300 = arith.index_cast %scan3A_110 : i32 to index
            %get3A_301 = arith.constant 0 : index
            %get3A_302 = tpu.vector_load %arg7[%get3A_299, %get3A_300, %get3A_301] {strides = array<i32>} : memref<11x8x128xf32, #tpu.memory_space<vmem>>, vector<16xf32>,
            %mul3A_303 = arith.constant 256 : i32
            %mul3A_304 = arith.muli %scan3A_283, %mul3A_303 : i32
            %add3A_305 = arith.addi %mul3A_114, %mul3A_304 : i32
            %add3A_306 = arith.constant 128 : i32
            %add3A_307 = arith.addi %add3A_305, %add3A_306 : i32
            %add3A_308 = arith.constant 0 : i32
            %add3A_309 = arith.addi %add3A_307, %add3A_308 : i32
            %swap3A_310 = arith.index_cast %add3A_309 : i32 to index
            %swap3A_311 = tpu.vector_load %arg9[%swap3A_310] {strides = array<i32>} : memref<22528xf32, #tpu.memory_space<vmem>>, vector<16xf32>,
            tpu.vector_store %arg9[%swap3A_310], %get3A_302 {strides = array<i32>} : memref<22528xf32, #tpu.memory_space<vmem>>, vector<16xf32>,
            %mul3A_312 = arith.constant 128 : i32
            %mul3A_313 = arith.muli %scan3A_283, %mul3A_312 : i32
            %add3A_314 = arith.addi %mul3A_112, %mul3A_313 : i32
            %add3A_315 = arith.constant 16 : i32
            %add3A_316 = arith.addi %add3A_314, %add3A_315 : i32
            %add3A_317 = vector.broadcast %add3A_316 : i32 to vector<16xi32>
            %add3A_318 = arith.addi %add3A_317, %iota3A : vector<16xi32>
            %gather3A_319 = tpu.vector_load_idx %arg8[%add3A_318] : memref<11088xf32, #tpu.memory_space<vmem>>[vector<16xi32>], vector<16xf32>,
            %mul3A_320 = arith.constant 256 : i32
            %mul3A_321 = arith.muli %scan3A_283, %mul3A_320 : i32
            %add3A_322 = arith.addi %mul3A_114, %mul3A_321 : i32
            %add3A_323 = arith.constant 16 : i32
            %add3A_324 = arith.addi %add3A_322, %add3A_323 : i32
            %swap3A_325 = arith.index_cast %add3A_324 : i32 to index
            %swap3A_326 = tpu.vector_load %arg9[%swap3A_325] {strides = array<i32>} : memref<22528xf32, #tpu.memory_space<vmem>>, vector<16xf32>,
            tpu.vector_store %arg9[%swap3A_325], %gather3A_319 {strides = array<i32>} : memref<22528xf32, #tpu.memory_space<vmem>>, vector<16xf32>,
            %get3A_327 = arith.index_cast %scan3A_283 : i32 to index
            %get3A_328 = arith.index_cast %scan3A_110 : i32 to index
            %get3A_329 = arith.constant 16 : index
            %get3A_330 = tpu.vector_load %arg7[%get3A_327, %get3A_328, %get3A_329] {strides = array<i32>} : memref<11x8x128xf32, #tpu.memory_space<vmem>>, vector<16xf32>,
            %mul3A_331 = arith.constant 256 : i32
            %mul3A_332 = arith.muli %scan3A_283, %mul3A_331 : i32
            %add3A_333 = arith.addi %mul3A_114, %mul3A_332 : i32
            %add3A_334 = arith.constant 128 : i32
            %add3A_335 = arith.addi %add3A_333, %add3A_334 : i32
            %add3A_336 = arith.constant 16 : i32
            %add3A_337 = arith.addi %add3A_335, %add3A_336 : i32
            %swap3A_338 = arith.index_cast %add3A_337 : i32 to index
            %swap3A_339 = tpu.vector_load %arg9[%swap3A_338] {strides = array<i32>} : memref<22528xf32, #tpu.memory_space<vmem>>, vector<16xf32>,
            tpu.vector_store %arg9[%swap3A_338], %get3A_330 {strides = array<i32>} : memref<22528xf32, #tpu.memory_space<vmem>>, vector<16xf32>,
            %mul3A_340 = arith.constant 128 : i32
            %mul3A_341 = arith.muli %scan3A_283, %mul3A_340 : i32
            %add3A_342 = arith.addi %mul3A_112, %mul3A_341 : i32
            %add3A_343 = arith.constant 32 : i32
            %add3A_344 = arith.addi %add3A_342, %add3A_343 : i32
            %add3A_345 = vector.broadcast %add3A_344 : i32 to vector<16xi32>
            %add3A_346 = arith.addi %add3A_345, %iota3A : vector<16xi32>
            %gather3A_347 = tpu.vector_load_idx %arg8[%add3A_346] : memref<11088xf32, #tpu.memory_space<vmem>>[vector<16xi32>], vector<16xf32>,
            %mul3A_348 = arith.constant 256 : i32
            %mul3A_349 = arith.muli %scan3A_283, %mul3A_348 : i32
            %add3A_350 = arith.addi %mul3A_114, %mul3A_349 : i32
            %add3A_351 = arith.constant 32 : i32
            %add3A_352 = arith.addi %add3A_350, %add3A_351 : i32
            %swap3A_353 = arith.index_cast %add3A_352 : i32 to index
            %swap3A_354 = tpu.vector_load %arg9[%swap3A_353] {strides = array<i32>} : memref<22528xf32, #tpu.memory_space<vmem>>, vector<16xf32>,
            tpu.vector_store %arg9[%swap3A_353], %gather3A_347 {strides = array<i32>} : memref<22528xf32, #tpu.memory_space<vmem>>, vector<16xf32>,
            %get3A_355 = arith.index_cast %scan3A_283 : i32 to index
            %get3A_356 = arith.index_cast %scan3A_110 : i32 to index
            %get3A_357 = arith.constant 32 : index
            %get3A_358 = tpu.vector_load %arg7[%get3A_355, %get3A_356, %get3A_357] {strides = array<i32>} : memref<11x8x128xf32, #tpu.memory_space<vmem>>, vector<16xf32>,
            %mul3A_359 = arith.constant 256 : i32
            %mul3A_360 = arith.muli %scan3A_283, %mul3A_359 : i32
            %add3A_361 = arith.addi %mul3A_114, %mul3A_360 : i32
            %add3A_362 = arith.constant 128 : i32
            %add3A_363 = arith.addi %add3A_361, %add3A_362 : i32
            %add3A_364 = arith.constant 32 : i32
            %add3A_365 = arith.addi %add3A_363, %add3A_364 : i32
            %swap3A_366 = arith.index_cast %add3A_365 : i32 to index
            %swap3A_367 = tpu.vector_load %arg9[%swap3A_366] {strides = array<i32>} : memref<22528xf32, #tpu.memory_space<vmem>>, vector<16xf32>,
            tpu.vector_store %arg9[%swap3A_366], %get3A_358 {strides = array<i32>} : memref<22528xf32, #tpu.memory_space<vmem>>, vector<16xf32>,
            %mul3A_368 = arith.constant 128 : i32
            %mul3A_369 = arith.muli %scan3A_283, %mul3A_368 : i32
            %add3A_370 = arith.addi %mul3A_112, %mul3A_369 : i32
            %add3A_371 = arith.constant 48 : i32
            %add3A_372 = arith.addi %add3A_370, %add3A_371 : i32
            %add3A_373 = vector.broadcast %add3A_372 : i32 to vector<16xi32>
            %add3A_374 = arith.addi %add3A_373, %iota3A : vector<16xi32>
            %gather3A_375 = tpu.vector_load_idx %arg8[%add3A_374] : memref<11088xf32, #tpu.memory_space<vmem>>[vector<16xi32>], vector<16xf32>,
            %mul3A_376 = arith.constant 256 : i32
            %mul3A_377 = arith.muli %scan3A_283, %mul3A_376 : i32
            %add3A_378 = arith.addi %mul3A_114, %mul3A_377 : i32
            %add3A_379 = arith.constant 48 : i32
            %add3A_380 = arith.addi %add3A_378, %add3A_379 : i32
            %swap3A_381 = arith.index_cast %add3A_380 : i32 to index
            %swap3A_382 = tpu.vector_load %arg9[%swap3A_381] {strides = array<i32>} : memref<22528xf32, #tpu.memory_space<vmem>>, vector<16xf32>,
            tpu.vector_store %arg9[%swap3A_381], %gather3A_375 {strides = array<i32>} : memref<22528xf32, #tpu.memory_space<vmem>>, vector<16xf32>,
            %get3A_383 = arith.index_cast %scan3A_283 : i32 to index
            %get3A_384 = arith.index_cast %scan3A_110 : i32 to index
            %get3A_385 = arith.constant 48 : index
            %get3A_386 = tpu.vector_load %arg7[%get3A_383, %get3A_384, %get3A_385] {strides = array<i32>} : memref<11x8x128xf32, #tpu.memory_space<vmem>>, vector<16xf32>,
            %mul3A_387 = arith.constant 256 : i32
            %mul3A_388 = arith.muli %scan3A_283, %mul3A_387 : i32
            %add3A_389 = arith.addi %mul3A_114, %mul3A_388 : i32
            %add3A_390 = arith.constant 128 : i32
            %add3A_391 = arith.addi %add3A_389, %add3A_390 : i32
            %add3A_392 = arith.constant 48 : i32
            %add3A_393 = arith.addi %add3A_391, %add3A_392 : i32
            %swap3A_394 = arith.index_cast %add3A_393 : i32 to index
            %swap3A_395 = tpu.vector_load %arg9[%swap3A_394] {strides = array<i32>} : memref<22528xf32, #tpu.memory_space<vmem>>, vector<16xf32>,
            tpu.vector_store %arg9[%swap3A_394], %get3A_386 {strides = array<i32>} : memref<22528xf32, #tpu.memory_space<vmem>>, vector<16xf32>,
            %mul3A_396 = arith.constant 128 : i32
            %mul3A_397 = arith.muli %scan3A_283, %mul3A_396 : i32
            %add3A_398 = arith.addi %mul3A_112, %mul3A_397 : i32
            %add3A_399 = arith.constant 64 : i32
            %add3A_400 = arith.addi %add3A_398, %add3A_399 : i32
            %add3A_401 = vector.broadcast %add3A_400 : i32 to vector<16xi32>
            %add3A_402 = arith.addi %add3A_401, %iota3A : vector<16xi32>
            %gather3A_403 = tpu.vector_load_idx %arg8[%add3A_402] : memref<11088xf32, #tpu.memory_space<vmem>>[vector<16xi32>], vector<16xf32>,
            %mul3A_404 = arith.constant 256 : i32
            %mul3A_405 = arith.muli %scan3A_283, %mul3A_404 : i32
            %add3A_406 = arith.addi %mul3A_114, %mul3A_405 : i32
            %add3A_407 = arith.constant 64 : i32
            %add3A_408 = arith.addi %add3A_406, %add3A_407 : i32
            %swap3A_409 = arith.index_cast %add3A_408 : i32 to index
            %swap3A_410 = tpu.vector_load %arg9[%swap3A_409] {strides = array<i32>} : memref<22528xf32, #tpu.memory_space<vmem>>, vector<16xf32>,
            tpu.vector_store %arg9[%swap3A_409], %gather3A_403 {strides = array<i32>} : memref<22528xf32, #tpu.memory_space<vmem>>, vector<16xf32>,
            %get3A_411 = arith.index_cast %scan3A_283 : i32 to index
            %get3A_412 = arith.index_cast %scan3A_110 : i32 to index
            %get3A_413 = arith.constant 64 : index
            %get3A_414 = tpu.vector_load %arg7[%get3A_411, %get3A_412, %get3A_413] {strides = array<i32>} : memref<11x8x128xf32, #tpu.memory_space<vmem>>, vector<16xf32>,
            %mul3A_415 = arith.constant 256 : i32
            %mul3A_416 = arith.muli %scan3A_283, %mul3A_415 : i32
            %add3A_417 = arith.addi %mul3A_114, %mul3A_416 : i32
            %add3A_418 = arith.constant 128 : i32
            %add3A_419 = arith.addi %add3A_417, %add3A_418 : i32
            %add3A_420 = arith.constant 64 : i32
            %add3A_421 = arith.addi %add3A_419, %add3A_420 : i32
            %swap3A_422 = arith.index_cast %add3A_421 : i32 to index
            %swap3A_423 = tpu.vector_load %arg9[%swap3A_422] {strides = array<i32>} : memref<22528xf32, #tpu.memory_space<vmem>>, vector<16xf32>,
            tpu.vector_store %arg9[%swap3A_422], %get3A_414 {strides = array<i32>} : memref<22528xf32, #tpu.memory_space<vmem>>, vector<16xf32>,
            %mul3A_424 = arith.constant 128 : i32
            %mul3A_425 = arith.muli %scan3A_283, %mul3A_424 : i32
            %add3A_426 = arith.addi %mul3A_112, %mul3A_425 : i32
            %add3A_427 = arith.constant 80 : i32
            %add3A_428 = arith.addi %add3A_426, %add3A_427 : i32
            %add3A_429 = vector.broadcast %add3A_428 : i32 to vector<16xi32>
            %add3A_430 = arith.addi %add3A_429, %iota3A : vector<16xi32>
            %gather3A_431 = tpu.vector_load_idx %arg8[%add3A_430] : memref<11088xf32, #tpu.memory_space<vmem>>[vector<16xi32>], vector<16xf32>,
            %mul3A_432 = arith.constant 256 : i32
            %mul3A_433 = arith.muli %scan3A_283, %mul3A_432 : i32
            %add3A_434 = arith.addi %mul3A_114, %mul3A_433 : i32
            %add3A_435 = arith.constant 80 : i32
            %add3A_436 = arith.addi %add3A_434, %add3A_435 : i32
            %swap3A_437 = arith.index_cast %add3A_436 : i32 to index
            %swap3A_438 = tpu.vector_load %arg9[%swap3A_437] {strides = array<i32>} : memref<22528xf32, #tpu.memory_space<vmem>>, vector<16xf32>,
            tpu.vector_store %arg9[%swap3A_437], %gather3A_431 {strides = array<i32>} : memref<22528xf32, #tpu.memory_space<vmem>>, vector<16xf32>,
            %get3A_439 = arith.index_cast %scan3A_283 : i32 to index
            %get3A_440 = arith.index_cast %scan3A_110 : i32 to index
            %get3A_441 = arith.constant 80 : index
            %get3A_442 = tpu.vector_load %arg7[%get3A_439, %get3A_440, %get3A_441] {strides = array<i32>} : memref<11x8x128xf32, #tpu.memory_space<vmem>>, vector<16xf32>,
            %mul3A_443 = arith.constant 256 : i32
            %mul3A_444 = arith.muli %scan3A_283, %mul3A_443 : i32
            %add3A_445 = arith.addi %mul3A_114, %mul3A_444 : i32
            %add3A_446 = arith.constant 128 : i32
            %add3A_447 = arith.addi %add3A_445, %add3A_446 : i32
            %add3A_448 = arith.constant 80 : i32
            %add3A_449 = arith.addi %add3A_447, %add3A_448 : i32
            %swap3A_450 = arith.index_cast %add3A_449 : i32 to index
            %swap3A_451 = tpu.vector_load %arg9[%swap3A_450] {strides = array<i32>} : memref<22528xf32, #tpu.memory_space<vmem>>, vector<16xf32>,
            tpu.vector_store %arg9[%swap3A_450], %get3A_442 {strides = array<i32>} : memref<22528xf32, #tpu.memory_space<vmem>>, vector<16xf32>,
            %mul3A_452 = arith.constant 128 : i32
            %mul3A_453 = arith.muli %scan3A_283, %mul3A_452 : i32
            %add3A_454 = arith.addi %mul3A_112, %mul3A_453 : i32
            %add3A_455 = arith.constant 96 : i32
            %add3A_456 = arith.addi %add3A_454, %add3A_455 : i32
            %add3A_457 = vector.broadcast %add3A_456 : i32 to vector<16xi32>
            %add3A_458 = arith.addi %add3A_457, %iota3A : vector<16xi32>
            %gather3A_459 = tpu.vector_load_idx %arg8[%add3A_458] : memref<11088xf32, #tpu.memory_space<vmem>>[vector<16xi32>], vector<16xf32>,
            %mul3A_460 = arith.constant 256 : i32
            %mul3A_461 = arith.muli %scan3A_283, %mul3A_460 : i32
            %add3A_462 = arith.addi %mul3A_114, %mul3A_461 : i32
            %add3A_463 = arith.constant 96 : i32
            %add3A_464 = arith.addi %add3A_462, %add3A_463 : i32
            %swap3A_465 = arith.index_cast %add3A_464 : i32 to index
            %swap3A_466 = tpu.vector_load %arg9[%swap3A_465] {strides = array<i32>} : memref<22528xf32, #tpu.memory_space<vmem>>, vector<16xf32>,
            tpu.vector_store %arg9[%swap3A_465], %gather3A_459 {strides = array<i32>} : memref<22528xf32, #tpu.memory_space<vmem>>, vector<16xf32>,
            %get3A_467 = arith.index_cast %scan3A_283 : i32 to index
            %get3A_468 = arith.index_cast %scan3A_110 : i32 to index
            %get3A_469 = arith.constant 96 : index
            %get3A_470 = tpu.vector_load %arg7[%get3A_467, %get3A_468, %get3A_469] {strides = array<i32>} : memref<11x8x128xf32, #tpu.memory_space<vmem>>, vector<16xf32>,
            %mul3A_471 = arith.constant 256 : i32
            %mul3A_472 = arith.muli %scan3A_283, %mul3A_471 : i32
            %add3A_473 = arith.addi %mul3A_114, %mul3A_472 : i32
            %add3A_474 = arith.constant 128 : i32
            %add3A_475 = arith.addi %add3A_473, %add3A_474 : i32
            %add3A_476 = arith.constant 96 : i32
            %add3A_477 = arith.addi %add3A_475, %add3A_476 : i32
            %swap3A_478 = arith.index_cast %add3A_477 : i32 to index
            %swap3A_479 = tpu.vector_load %arg9[%swap3A_478] {strides = array<i32>} : memref<22528xf32, #tpu.memory_space<vmem>>, vector<16xf32>,
            tpu.vector_store %arg9[%swap3A_478], %get3A_470 {strides = array<i32>} : memref<22528xf32, #tpu.memory_space<vmem>>, vector<16xf32>,
            %mul3A_480 = arith.constant 128 : i32
            %mul3A_481 = arith.muli %scan3A_283, %mul3A_480 : i32
            %add3A_482 = arith.addi %mul3A_112, %mul3A_481 : i32
            %add3A_483 = arith.constant 112 : i32
            %add3A_484 = arith.addi %add3A_482, %add3A_483 : i32
            %add3A_485 = vector.broadcast %add3A_484 : i32 to vector<16xi32>
            %add3A_486 = arith.addi %add3A_485, %iota3A : vector<16xi32>
            %gather3A_487 = tpu.vector_load_idx %arg8[%add3A_486] : memref<11088xf32, #tpu.memory_space<vmem>>[vector<16xi32>], vector<16xf32>,
            %mul3A_488 = arith.constant 256 : i32
            %mul3A_489 = arith.muli %scan3A_283, %mul3A_488 : i32
            %add3A_490 = arith.addi %mul3A_114, %mul3A_489 : i32
            %add3A_491 = arith.constant 112 : i32
            %add3A_492 = arith.addi %add3A_490, %add3A_491 : i32
            %swap3A_493 = arith.index_cast %add3A_492 : i32 to index
            %swap3A_494 = tpu.vector_load %arg9[%swap3A_493] {strides = array<i32>} : memref<22528xf32, #tpu.memory_space<vmem>>, vector<16xf32>,
            tpu.vector_store %arg9[%swap3A_493], %gather3A_487 {strides = array<i32>} : memref<22528xf32, #tpu.memory_space<vmem>>, vector<16xf32>,
            %get3A_495 = arith.index_cast %scan3A_283 : i32 to index
            %get3A_496 = arith.index_cast %scan3A_110 : i32 to index
            %get3A_497 = arith.constant 112 : index
            %get3A_498 = tpu.vector_load %arg7[%get3A_495, %get3A_496, %get3A_497] {strides = array<i32>} : memref<11x8x128xf32, #tpu.memory_space<vmem>>, vector<16xf32>,
            %mul3A_499 = arith.constant 256 : i32
            %mul3A_500 = arith.muli %scan3A_283, %mul3A_499 : i32
            %add3A_501 = arith.addi %mul3A_114, %mul3A_500 : i32
            %add3A_502 = arith.constant 128 : i32
            %add3A_503 = arith.addi %add3A_501, %add3A_502 : i32
            %add3A_504 = arith.constant 112 : i32
            %add3A_505 = arith.addi %add3A_503, %add3A_504 : i32
            %swap3A_506 = arith.index_cast %add3A_505 : i32 to index
            %swap3A_507 = tpu.vector_load %arg9[%swap3A_506] {strides = array<i32>} : memref<22528xf32, #tpu.memory_space<vmem>>, vector<16xf32>,
            tpu.vector_store %arg9[%swap3A_506], %get3A_498 {strides = array<i32>} : memref<22528xf32, #tpu.memory_space<vmem>>, vector<16xf32>,
          }
          %scan3A_120 = arith.constant 10 : i32
          %add3A_121 = arith.constant 1280 : i32
          %add3A_122 = arith.addi %mul3A_112, %add3A_121 : i32
          %add3A_123 = arith.constant 0 : i32
          %add3A_124 = arith.addi %add3A_122, %add3A_123 : i32
          %add3A_125 = vector.broadcast %add3A_124 : i32 to vector<16xi32>
          %add3A_126 = arith.addi %add3A_125, %iota3A : vector<16xi32>
          %gather3A = tpu.vector_load_idx %arg8[%add3A_126] : memref<11088xf32, #tpu.memory_space<vmem>>[vector<16xi32>], vector<16xf32>,
          %add3A_127 = arith.constant 2560 : i32
          %add3A_128 = arith.addi %mul3A_114, %add3A_127 : i32
          %add3A_129 = arith.constant 0 : i32
          %add3A_130 = arith.addi %add3A_128, %add3A_129 : i32
          %swap3A = arith.index_cast %add3A_130 : i32 to index
          %swap3A_131 = tpu.vector_load %arg9[%swap3A] {strides = array<i32>} : memref<22528xf32, #tpu.memory_space<vmem>>, vector<16xf32>,
          tpu.vector_store %arg9[%swap3A], %gather3A {strides = array<i32>} : memref<22528xf32, #tpu.memory_space<vmem>>, vector<16xf32>,
          %get3A = arith.constant 10 : i32
          %get3A_132 = arith.index_cast %get3A : i32 to index
          %get3A_133 = arith.index_cast %scan3A_110 : i32 to index
          %get3A_134 = arith.constant 0 : index
          %get3A_135 = tpu.vector_load %arg7[%get3A_132, %get3A_133, %get3A_134] {strides = array<i32>} : memref<11x8x128xf32, #tpu.memory_space<vmem>>, vector<16xf32>,
          %add3A_136 = arith.constant 2688 : i32
          %add3A_137 = arith.addi %mul3A_114, %add3A_136 : i32
          %add3A_138 = arith.constant 0 : i32
          %add3A_139 = arith.addi %add3A_137, %add3A_138 : i32
          %swap3A_140 = arith.index_cast %add3A_139 : i32 to index
          %swap3A_141 = tpu.vector_load %arg9[%swap3A_140] {strides = array<i32>} : memref<22528xf32, #tpu.memory_space<vmem>>, vector<16xf32>,
          tpu.vector_store %arg9[%swap3A_140], %get3A_135 {strides = array<i32>} : memref<22528xf32, #tpu.memory_space<vmem>>, vector<16xf32>,
          %add3A_142 = arith.constant 1280 : i32
          %add3A_143 = arith.addi %mul3A_112, %add3A_142 : i32
          %add3A_144 = arith.constant 16 : i32
          %add3A_145 = arith.addi %add3A_143, %add3A_144 : i32
          %add3A_146 = vector.broadcast %add3A_145 : i32 to vector<16xi32>
          %add3A_147 = arith.addi %add3A_146, %iota3A : vector<16xi32>
          %gather3A_148 = tpu.vector_load_idx %arg8[%add3A_147] : memref<11088xf32, #tpu.memory_space<vmem>>[vector<16xi32>], vector<16xf32>,
          %add3A_149 = arith.constant 2560 : i32
          %add3A_150 = arith.addi %mul3A_114, %add3A_149 : i32
          %add3A_151 = arith.constant 16 : i32
          %add3A_152 = arith.addi %add3A_150, %add3A_151 : i32
          %swap3A_153 = arith.index_cast %add3A_152 : i32 to index
          %swap3A_154 = tpu.vector_load %arg9[%swap3A_153] {strides = array<i32>} : memref<22528xf32, #tpu.memory_space<vmem>>, vector<16xf32>,
          tpu.vector_store %arg9[%swap3A_153], %gather3A_148 {strides = array<i32>} : memref<22528xf32, #tpu.memory_space<vmem>>, vector<16xf32>,
          %get3A_155 = arith.constant 10 : i32
          %get3A_156 = arith.index_cast %get3A_155 : i32 to index
          %get3A_157 = arith.index_cast %scan3A_110 : i32 to index
          %get3A_158 = arith.constant 16 : index
          %get3A_159 = tpu.vector_load %arg7[%get3A_156, %get3A_157, %get3A_158] {strides = array<i32>} : memref<11x8x128xf32, #tpu.memory_space<vmem>>, vector<16xf32>,
          %add3A_160 = arith.constant 2688 : i32
          %add3A_161 = arith.addi %mul3A_114, %add3A_160 : i32
          %add3A_162 = arith.constant 16 : i32
          %add3A_163 = arith.addi %add3A_161, %add3A_162 : i32
          %swap3A_164 = arith.index_cast %add3A_163 : i32 to index
          %swap3A_165 = tpu.vector_load %arg9[%swap3A_164] {strides = array<i32>} : memref<22528xf32, #tpu.memory_space<vmem>>, vector<16xf32>,
          tpu.vector_store %arg9[%swap3A_164], %get3A_159 {strides = array<i32>} : memref<22528xf32, #tpu.memory_space<vmem>>, vector<16xf32>,
          %add3A_166 = arith.constant 1280 : i32
          %add3A_167 = arith.addi %mul3A_112, %add3A_166 : i32
          %add3A_168 = arith.constant 32 : i32
          %add3A_169 = arith.addi %add3A_167, %add3A_168 : i32
          %add3A_170 = vector.broadcast %add3A_169 : i32 to vector<16xi32>
          %add3A_171 = arith.addi %add3A_170, %iota3A : vector<16xi32>
          %gather3A_172 = tpu.vector_load_idx %arg8[%add3A_171] : memref<11088xf32, #tpu.memory_space<vmem>>[vector<16xi32>], vector<16xf32>,
          %add3A_173 = arith.constant 2560 : i32
          %add3A_174 = arith.addi %mul3A_114, %add3A_173 : i32
          %add3A_175 = arith.constant 32 : i32
          %add3A_176 = arith.addi %add3A_174, %add3A_175 : i32
          %swap3A_177 = arith.index_cast %add3A_176 : i32 to index
          %swap3A_178 = tpu.vector_load %arg9[%swap3A_177] {strides = array<i32>} : memref<22528xf32, #tpu.memory_space<vmem>>, vector<16xf32>,
          tpu.vector_store %arg9[%swap3A_177], %gather3A_172 {strides = array<i32>} : memref<22528xf32, #tpu.memory_space<vmem>>, vector<16xf32>,
          %get3A_179 = arith.constant 10 : i32
          %get3A_180 = arith.index_cast %get3A_179 : i32 to index
          %get3A_181 = arith.index_cast %scan3A_110 : i32 to index
          %get3A_182 = arith.constant 32 : index
          %get3A_183 = tpu.vector_load %arg7[%get3A_180, %get3A_181, %get3A_182] {strides = array<i32>} : memref<11x8x128xf32, #tpu.memory_space<vmem>>, vector<16xf32>,
          %add3A_184 = arith.constant 2688 : i32
          %add3A_185 = arith.addi %mul3A_114, %add3A_184 : i32
          %add3A_186 = arith.constant 32 : i32
          %add3A_187 = arith.addi %add3A_185, %add3A_186 : i32
          %swap3A_188 = arith.index_cast %add3A_187 : i32 to index
          %swap3A_189 = tpu.vector_load %arg9[%swap3A_188] {strides = array<i32>} : memref<22528xf32, #tpu.memory_space<vmem>>, vector<16xf32>,
          tpu.vector_store %arg9[%swap3A_188], %get3A_183 {strides = array<i32>} : memref<22528xf32, #tpu.memory_space<vmem>>, vector<16xf32>,
          %add3A_190 = arith.constant 1280 : i32
          %add3A_191 = arith.addi %mul3A_112, %add3A_190 : i32
          %add3A_192 = arith.constant 48 : i32
          %add3A_193 = arith.addi %add3A_191, %add3A_192 : i32
          %add3A_194 = vector.broadcast %add3A_193 : i32 to vector<16xi32>
          %add3A_195 = arith.addi %add3A_194, %iota3A : vector<16xi32>
          %gather3A_196 = tpu.vector_load_idx %arg8[%add3A_195] : memref<11088xf32, #tpu.memory_space<vmem>>[vector<16xi32>], vector<16xf32>,
          %add3A_197 = arith.constant 2560 : i32
          %add3A_198 = arith.addi %mul3A_114, %add3A_197 : i32
          %add3A_199 = arith.constant 48 : i32
          %add3A_200 = arith.addi %add3A_198, %add3A_199 : i32
          %swap3A_201 = arith.index_cast %add3A_200 : i32 to index
          %swap3A_202 = tpu.vector_load %arg9[%swap3A_201] {strides = array<i32>} : memref<22528xf32, #tpu.memory_space<vmem>>, vector<16xf32>,
          tpu.vector_store %arg9[%swap3A_201], %gather3A_196 {strides = array<i32>} : memref<22528xf32, #tpu.memory_space<vmem>>, vector<16xf32>,
          %get3A_203 = arith.constant 10 : i32
          %get3A_204 = arith.index_cast %get3A_203 : i32 to index
          %get3A_205 = arith.index_cast %scan3A_110 : i32 to index
          %get3A_206 = arith.constant 48 : index
          %get3A_207 = tpu.vector_load %arg7[%get3A_204, %get3A_205, %get3A_206] {strides = array<i32>} : memref<11x8x128xf32, #tpu.memory_space<vmem>>, vector<16xf32>,
          %add3A_208 = arith.constant 2688 : i32
          %add3A_209 = arith.addi %mul3A_114, %add3A_208 : i32
          %add3A_210 = arith.constant 48 : i32
          %add3A_211 = arith.addi %add3A_209, %add3A_210 : i32
          %swap3A_212 = arith.index_cast %add3A_211 : i32 to index
          %swap3A_213 = tpu.vector_load %arg9[%swap3A_212] {strides = array<i32>} : memref<22528xf32, #tpu.memory_space<vmem>>, vector<16xf32>,
          tpu.vector_store %arg9[%swap3A_212], %get3A_207 {strides = array<i32>} : memref<22528xf32, #tpu.memory_space<vmem>>, vector<16xf32>,
          %add3A_214 = arith.constant 1280 : i32
          %add3A_215 = arith.addi %mul3A_112, %add3A_214 : i32
          %add3A_216 = arith.constant 64 : i32
          %add3A_217 = arith.addi %add3A_215, %add3A_216 : i32
          %add3A_218 = vector.broadcast %add3A_217 : i32 to vector<16xi32>
          %add3A_219 = arith.addi %add3A_218, %iota3A : vector<16xi32>
          %gather3A_220 = tpu.vector_load_idx %arg8[%add3A_219] : memref<11088xf32, #tpu.memory_space<vmem>>[vector<16xi32>], vector<16xf32>,
          %add3A_221 = arith.constant 2560 : i32
          %add3A_222 = arith.addi %mul3A_114, %add3A_221 : i32
          %add3A_223 = arith.constant 64 : i32
          %add3A_224 = arith.addi %add3A_222, %add3A_223 : i32
          %swap3A_225 = arith.index_cast %add3A_224 : i32 to index
          %swap3A_226 = tpu.vector_load %arg9[%swap3A_225] {strides = array<i32>} : memref<22528xf32, #tpu.memory_space<vmem>>, vector<16xf32>,
          tpu.vector_store %arg9[%swap3A_225], %gather3A_220 {strides = array<i32>} : memref<22528xf32, #tpu.memory_space<vmem>>, vector<16xf32>,
          %get3A_227 = arith.constant 10 : i32
          %get3A_228 = arith.index_cast %get3A_227 : i32 to index
          %get3A_229 = arith.index_cast %scan3A_110 : i32 to index
          %get3A_230 = arith.constant 64 : index
          %get3A_231 = tpu.vector_load %arg7[%get3A_228, %get3A_229, %get3A_230] {strides = array<i32>} : memref<11x8x128xf32, #tpu.memory_space<vmem>>, vector<16xf32>,
          %add3A_232 = arith.constant 2688 : i32
          %add3A_233 = arith.addi %mul3A_114, %add3A_232 : i32
          %add3A_234 = arith.constant 64 : i32
          %add3A_235 = arith.addi %add3A_233, %add3A_234 : i32
          %swap3A_236 = arith.index_cast %add3A_235 : i32 to index
          %swap3A_237 = tpu.vector_load %arg9[%swap3A_236] {strides = array<i32>} : memref<22528xf32, #tpu.memory_space<vmem>>, vector<16xf32>,
          tpu.vector_store %arg9[%swap3A_236], %get3A_231 {strides = array<i32>} : memref<22528xf32, #tpu.memory_space<vmem>>, vector<16xf32>,
          %add3A_238 = arith.constant 1280 : i32
          %add3A_239 = arith.addi %mul3A_112, %add3A_238 : i32
          %add3A_240 = arith.constant 80 : i32
          %add3A_241 = arith.addi %add3A_239, %add3A_240 : i32
          %add3A_242 = vector.broadcast %add3A_241 : i32 to vector<16xi32>
          %add3A_243 = arith.addi %add3A_242, %iota3A : vector<16xi32>
          %gather3A_244 = tpu.vector_load_idx %arg8[%add3A_243] : memref<11088xf32, #tpu.memory_space<vmem>>[vector<16xi32>], vector<16xf32>,
          %add3A_245 = arith.constant 2560 : i32
          %add3A_246 = arith.addi %mul3A_114, %add3A_245 : i32
          %add3A_247 = arith.constant 80 : i32
          %add3A_248 = arith.addi %add3A_246, %add3A_247 : i32
          %swap3A_249 = arith.index_cast %add3A_248 : i32 to index
          %swap3A_250 = tpu.vector_load %arg9[%swap3A_249] {strides = array<i32>} : memref<22528xf32, #tpu.memory_space<vmem>>, vector<16xf32>,
          tpu.vector_store %arg9[%swap3A_249], %gather3A_244 {strides = array<i32>} : memref<22528xf32, #tpu.memory_space<vmem>>, vector<16xf32>,
          %get3A_251 = arith.constant 10 : i32
          %get3A_252 = arith.index_cast %get3A_251 : i32 to index
          %get3A_253 = arith.index_cast %scan3A_110 : i32 to index
          %get3A_254 = arith.constant 80 : index
          %get3A_255 = tpu.vector_load %arg7[%get3A_252, %get3A_253, %get3A_254] {strides = array<i32>} : memref<11x8x128xf32, #tpu.memory_space<vmem>>, vector<16xf32>,
          %add3A_256 = arith.constant 2688 : i32
          %add3A_257 = arith.addi %mul3A_114, %add3A_256 : i32
          %add3A_258 = arith.constant 80 : i32
          %add3A_259 = arith.addi %add3A_257, %add3A_258 : i32
          %swap3A_260 = arith.index_cast %add3A_259 : i32 to index
          %swap3A_261 = tpu.vector_load %arg9[%swap3A_260] {strides = array<i32>} : memref<22528xf32, #tpu.memory_space<vmem>>, vector<16xf32>,
          tpu.vector_store %arg9[%swap3A_260], %get3A_255 {strides = array<i32>} : memref<22528xf32, #tpu.memory_space<vmem>>, vector<16xf32>,
          %lt3A_262 = arith.constant 7 : i32
          %lt3A_263 = vector.broadcast %lt3A_262 : i32 to vector<16xi32>
          %lt3A_264 = arith.cmpi slt, %iota3A, %lt3A_263 : vector<16xi32>
          %add3A_265 = arith.constant 1376 : i32
          %add3A_266 = arith.addi %mul3A_112, %add3A_265 : i32
          %add3A_267 = vector.broadcast %add3A_266 : i32 to vector<16xi32>
          %add3A_268 = arith.addi %add3A_267, %iota3A : vector<16xi32>
          %gather3A_269 = tpu.vector_load_idx %arg8[%add3A_268] : memref<11088xf32, #tpu.memory_space<vmem>>[vector<16xi32>], vector<16xf32>,
          %add3A_270 = arith.constant 2656 : i32
          %add3A_271 = arith.addi %mul3A_114, %add3A_270 : i32
          %add3A_272 = vector.broadcast %add3A_271 : i32 to vector<16xi32>
          %add3A_273 = arith.addi %add3A_272, %iota3A : vector<16xi32>
          tpu.vector_store_idx %arg9[%add3A_273], %gather3A_269 masked %lt3A_264 : memref<22528xf32, #tpu.memory_space<vmem>>[vector<16xi32>], vector<16xf32>, vector<16xi1>
          %get3A_274 = arith.constant 10 : i32
          %get3A_275 = arith.index_cast %get3A_274 : i32 to index
          %get3A_276 = arith.index_cast %scan3A_110 : i32 to index
          %get3A_277 = arith.constant 96 : index
          %get3A_278 = tpu.vector_load %arg7[%get3A_275, %get3A_276, %get3A_277] {strides = array<i32>} : memref<11x8x128xf32, #tpu.memory_space<vmem>>, vector<16xf32>,
          %add3A_279 = arith.constant 2784 : i32
          %add3A_280 = arith.addi %mul3A_114, %add3A_279 : i32
          %add3A_281 = vector.broadcast %add3A_280 : i32 to vector<16xi32>
          %add3A_282 = arith.addi %add3A_281, %iota3A : vector<16xi32>
          tpu.vector_store_idx %arg9[%add3A_282], %get3A_278 masked %lt3A_264 : memref<22528xf32, #tpu.memory_space<vmem>>[vector<16xi32>], vector<16xf32>, vector<16xi1>
        }
        %scan3A_107 = arith.constant 8 : i32
        %mul3A_108 = arith.constant 2816 : i32
        %mul3A_109 = arith.muli %add3A_95, %mul3A_108 : i32
        "tpu.region"() ({
          %run_scoped3A = tpu.sem_alloc : memref<!tpu.dma_semaphore, #tpu.memory_space<semaphore_mem>>
          %dma_start3A_110 = tpu.memref_slice %arg6[%mul3A_109] : memref<3894528xf32, #tpu.memory_space<hbm>> -> memref<22528xf32, #tpu.memory_space<hbm>>
          %dma_start3A_111 = tpu.memref_slice %arg6[%mul3A_109] : memref<3894528xf32, #tpu.memory_space<hbm>> -> memref<22528xf32, #tpu.memory_space<hbm>>
          tpu.enqueue_dma source(%arg9 : memref<22528xf32, #tpu.memory_space<vmem>>) target(%dma_start3A_111 : memref<22528xf32, #tpu.memory_space<hbm>>) target_semaphore(%run_scoped3A : memref<!tpu.dma_semaphore, #tpu.memory_space<semaphore_mem>>)
          %dma_wait3A_112 = tpu.memref_slice %arg6[%mul3A_109] : memref<3894528xf32, #tpu.memory_space<hbm>> -> memref<22528xf32, #tpu.memory_space<hbm>>
          %dma_wait3A_113 = tpu.memref_slice %arg6[%mul3A_109] : memref<3894528xf32, #tpu.memory_space<hbm>> -> memref<22528xf32, #tpu.memory_space<hbm>>
          tpu.wait_dma2 semaphore(%run_scoped3A : memref<!tpu.dma_semaphore, #tpu.memory_space<semaphore_mem>>) src(%arg9 : memref<22528xf32, #tpu.memory_space<vmem>>) dst(%dma_wait3A_113 : memref<22528xf32, #tpu.memory_space<hbm>>)
          tpu.yield
        }) : () -> ()
      } else {
      }
    }
    %scan3A_78 = arith.constant 6 : i32
    %eq3A_79 = arith.constant 15 : i32
    %eq3A_80 = arith.cmpi eq, %arg1, %eq3A_79 : i32
    %convert_element_type3A_81 = arith.extui %eq3A_80 : i1 to i32
    %cond3A_82 = arith.constant 0 : i32
    %cond3A_83 = arith.cmpi ne, %convert_element_type3A_81, %cond3A_82 : i32
    scf.if %cond3A_83 {
      %run_scoped3A = arith.constant 172 : i32
      "tpu.region"() ({
        %run_scoped3A_90 = tpu.sem_alloc : memref<!tpu.dma_semaphore, #tpu.memory_space<semaphore_mem>>
        %dma_start3A_91 = arith.constant 0 : i32
        %dma_start3A_92 = arith.constant 0 : i32
        %dma_start3A_93 = arith.constant 0 : i32
        %dma_start3A_94 = tpu.memref_slice %arg2[%run_scoped3A, %dma_start3A_91, %dma_start3A_92, %dma_start3A_93] : memref<173x11x8x128xf32, #tpu.memory_space<hbm>> -> memref<1x11x8x128xf32, #tpu.memory_space<hbm>>
        %dma_start3A_95 = tpu.memref_squeeze %dma_start3A_94 : memref<1x11x8x128xf32, #tpu.memory_space<hbm>> -> memref<11x8x128xf32, #tpu.memory_space<hbm>>
        %dma_start3A_96 = arith.constant 0 : i32
        %dma_start3A_97 = arith.constant 0 : i32
        %dma_start3A_98 = arith.constant 0 : i32
        %dma_start3A_99 = tpu.memref_slice %arg2[%run_scoped3A, %dma_start3A_96, %dma_start3A_97, %dma_start3A_98] : memref<173x11x8x128xf32, #tpu.memory_space<hbm>> -> memref<1x11x8x128xf32, #tpu.memory_space<hbm>>
        %dma_start3A_100 = tpu.memref_squeeze %dma_start3A_99 : memref<1x11x8x128xf32, #tpu.memory_space<hbm>> -> memref<11x8x128xf32, #tpu.memory_space<hbm>>
        tpu.enqueue_dma source(%dma_start3A_100 : memref<11x8x128xf32, #tpu.memory_space<hbm>>) target(%arg7 : memref<11x8x128xf32, #tpu.memory_space<vmem>>) target_semaphore(%run_scoped3A_90 : memref<!tpu.dma_semaphore, #tpu.memory_space<semaphore_mem>>)
        %dma_wait3A_101 = arith.constant 0 : i32
        %dma_wait3A_102 = arith.constant 0 : i32
        %dma_wait3A_103 = arith.constant 0 : i32
        %dma_wait3A_104 = tpu.memref_slice %arg2[%run_scoped3A, %dma_wait3A_101, %dma_wait3A_102, %dma_wait3A_103] : memref<173x11x8x128xf32, #tpu.memory_space<hbm>> -> memref<1x11x8x128xf32, #tpu.memory_space<hbm>>
        %dma_wait3A_105 = tpu.memref_squeeze %dma_wait3A_104 : memref<1x11x8x128xf32, #tpu.memory_space<hbm>> -> memref<11x8x128xf32, #tpu.memory_space<hbm>>
        %dma_wait3A_106 = arith.constant 0 : i32
        %dma_wait3A_107 = arith.constant 0 : i32
        %dma_wait3A_108 = arith.constant 0 : i32
        %dma_wait3A_109 = tpu.memref_slice %arg2[%run_scoped3A, %dma_wait3A_106, %dma_wait3A_107, %dma_wait3A_108] : memref<173x11x8x128xf32, #tpu.memory_space<hbm>> -> memref<1x11x8x128xf32, #tpu.memory_space<hbm>>
        %dma_wait3A_110 = tpu.memref_squeeze %dma_wait3A_109 : memref<1x11x8x128xf32, #tpu.memory_space<hbm>> -> memref<11x8x128xf32, #tpu.memory_space<hbm>>
        tpu.wait_dma2 semaphore(%run_scoped3A_90 : memref<!tpu.dma_semaphore, #tpu.memory_space<semaphore_mem>>) src(%dma_wait3A_110 : memref<11x8x128xf32, #tpu.memory_space<hbm>>) dst(%arg7 : memref<11x8x128xf32, #tpu.memory_space<vmem>>)
        tpu.yield
      }) : () -> ()
      "tpu.region"() ({
        %run_scoped3A_90 = tpu.sem_alloc : memref<!tpu.dma_semaphore, #tpu.memory_space<semaphore_mem>>
        %dma_start3A_91 = arith.constant 0 : i32
        %dma_start3A_92 = tpu.memref_slice %arg8[%dma_start3A_91] : memref<11088xf32, #tpu.memory_space<vmem>> -> memref<9688xf32, #tpu.memory_space<vmem>>
        %dma_start3A_93 = arith.constant 941120 : i32
        %dma_start3A_94 = tpu.memref_slice %arg14[%dma_start3A_93] : memref<965312xf32, #tpu.memory_space<vmem_shared>> -> memref<9688xf32, #tpu.memory_space<vmem_shared>>
        %dma_start3A_95 = arith.constant 0 : i32
        %dma_start3A_96 = tpu.memref_slice %arg8[%dma_start3A_95] : memref<11088xf32, #tpu.memory_space<vmem>> -> memref<9688xf32, #tpu.memory_space<vmem>>
        %dma_start3A_97 = arith.constant 941120 : i32
        %dma_start3A_98 = tpu.memref_slice %arg14[%dma_start3A_97] : memref<965312xf32, #tpu.memory_space<vmem_shared>> -> memref<9688xf32, #tpu.memory_space<vmem_shared>>
        tpu.enqueue_dma source(%dma_start3A_98 : memref<9688xf32, #tpu.memory_space<vmem_shared>>) target(%dma_start3A_96 : memref<9688xf32, #tpu.memory_space<vmem>>) target_semaphore(%run_scoped3A_90 : memref<!tpu.dma_semaphore, #tpu.memory_space<semaphore_mem>>)
        %dma_wait3A_99 = arith.constant 0 : i32
        %dma_wait3A_100 = tpu.memref_slice %arg8[%dma_wait3A_99] : memref<11088xf32, #tpu.memory_space<vmem>> -> memref<9688xf32, #tpu.memory_space<vmem>>
        %dma_wait3A_101 = arith.constant 941120 : i32
        %dma_wait3A_102 = tpu.memref_slice %arg14[%dma_wait3A_101] : memref<965312xf32, #tpu.memory_space<vmem_shared>> -> memref<9688xf32, #tpu.memory_space<vmem_shared>>
        %dma_wait3A_103 = arith.constant 0 : i32
        %dma_wait3A_104 = tpu.memref_slice %arg8[%dma_wait3A_103] : memref<11088xf32, #tpu.memory_space<vmem>> -> memref<9688xf32, #tpu.memory_space<vmem>>
        %dma_wait3A_105 = arith.constant 941120 : i32
        %dma_wait3A_106 = tpu.memref_slice %arg14[%dma_wait3A_105] : memref<965312xf32, #tpu.memory_space<vmem_shared>> -> memref<9688xf32, #tpu.memory_space<vmem_shared>>
        tpu.wait_dma2 semaphore(%run_scoped3A_90 : memref<!tpu.dma_semaphore, #tpu.memory_space<semaphore_mem>>) src(%dma_wait3A_106 : memref<9688xf32, #tpu.memory_space<vmem_shared>>) dst(%dma_wait3A_104 : memref<9688xf32, #tpu.memory_space<vmem>>)
        tpu.yield
      }) : () -> ()
      %scan3A_84 = arith.constant 0 : i32
      %scan3A_85 = arith.constant 0 : i32
      %scan3A_86 = arith.constant 7 : i32
      %scan3A_87 = arith.addi %scan3A_85, %scan3A_86 : i32
      %scan3A_88 = arith.constant 1 : i32
      scf.for %scan3A_90 = %scan3A_85 to %scan3A_87 step %scan3A_88  : i32 {
        %mul3A_91 = arith.constant 1384 : i32
        %mul3A_92 = arith.muli %scan3A_90, %mul3A_91 : i32
        %mul3A_93 = arith.constant 2816 : i32
        %mul3A_94 = arith.muli %scan3A_90, %mul3A_93 : i32
        %scan3A_95 = arith.constant 0 : i32
        %scan3A_96 = arith.constant 0 : i32
        %scan3A_97 = arith.constant 10 : i32
        %scan3A_98 = arith.addi %scan3A_96, %scan3A_97 : i32
        %scan3A_99 = arith.constant 1 : i32
        scf.for %scan3A_262 = %scan3A_96 to %scan3A_98 step %scan3A_99  : i32 {
          %mul3A_263 = arith.constant 128 : i32
          %mul3A_264 = arith.muli %scan3A_262, %mul3A_263 : i32
          %add3A_265 = arith.addi %mul3A_92, %mul3A_264 : i32
          %add3A_266 = arith.constant 0 : i32
          %add3A_267 = arith.addi %add3A_265, %add3A_266 : i32
          %add3A_268 = vector.broadcast %add3A_267 : i32 to vector<16xi32>
          %add3A_269 = arith.addi %add3A_268, %iota3A : vector<16xi32>
          %gather3A_270 = tpu.vector_load_idx %arg8[%add3A_269] : memref<11088xf32, #tpu.memory_space<vmem>>[vector<16xi32>], vector<16xf32>,
          %mul3A_271 = arith.constant 256 : i32
          %mul3A_272 = arith.muli %scan3A_262, %mul3A_271 : i32
          %add3A_273 = arith.addi %mul3A_94, %mul3A_272 : i32
          %add3A_274 = arith.constant 0 : i32
          %add3A_275 = arith.addi %add3A_273, %add3A_274 : i32
          %swap3A_276 = arith.index_cast %add3A_275 : i32 to index
          %swap3A_277 = tpu.vector_load %arg9[%swap3A_276] {strides = array<i32>} : memref<22528xf32, #tpu.memory_space<vmem>>, vector<16xf32>,
          tpu.vector_store %arg9[%swap3A_276], %gather3A_270 {strides = array<i32>} : memref<22528xf32, #tpu.memory_space<vmem>>, vector<16xf32>,
          %get3A_278 = arith.index_cast %scan3A_262 : i32 to index
          %get3A_279 = arith.index_cast %scan3A_90 : i32 to index
          %get3A_280 = arith.constant 0 : index
          %get3A_281 = tpu.vector_load %arg7[%get3A_278, %get3A_279, %get3A_280] {strides = array<i32>} : memref<11x8x128xf32, #tpu.memory_space<vmem>>, vector<16xf32>,
          %mul3A_282 = arith.constant 256 : i32
          %mul3A_283 = arith.muli %scan3A_262, %mul3A_282 : i32
          %add3A_284 = arith.addi %mul3A_94, %mul3A_283 : i32
          %add3A_285 = arith.constant 128 : i32
          %add3A_286 = arith.addi %add3A_284, %add3A_285 : i32
          %add3A_287 = arith.constant 0 : i32
          %add3A_288 = arith.addi %add3A_286, %add3A_287 : i32
          %swap3A_289 = arith.index_cast %add3A_288 : i32 to index
          %swap3A_290 = tpu.vector_load %arg9[%swap3A_289] {strides = array<i32>} : memref<22528xf32, #tpu.memory_space<vmem>>, vector<16xf32>,
          tpu.vector_store %arg9[%swap3A_289], %get3A_281 {strides = array<i32>} : memref<22528xf32, #tpu.memory_space<vmem>>, vector<16xf32>,
          %mul3A_291 = arith.constant 128 : i32
          %mul3A_292 = arith.muli %scan3A_262, %mul3A_291 : i32
          %add3A_293 = arith.addi %mul3A_92, %mul3A_292 : i32
          %add3A_294 = arith.constant 16 : i32
          %add3A_295 = arith.addi %add3A_293, %add3A_294 : i32
          %add3A_296 = vector.broadcast %add3A_295 : i32 to vector<16xi32>
          %add3A_297 = arith.addi %add3A_296, %iota3A : vector<16xi32>
          %gather3A_298 = tpu.vector_load_idx %arg8[%add3A_297] : memref<11088xf32, #tpu.memory_space<vmem>>[vector<16xi32>], vector<16xf32>,
          %mul3A_299 = arith.constant 256 : i32
          %mul3A_300 = arith.muli %scan3A_262, %mul3A_299 : i32
          %add3A_301 = arith.addi %mul3A_94, %mul3A_300 : i32
          %add3A_302 = arith.constant 16 : i32
          %add3A_303 = arith.addi %add3A_301, %add3A_302 : i32
          %swap3A_304 = arith.index_cast %add3A_303 : i32 to index
          %swap3A_305 = tpu.vector_load %arg9[%swap3A_304] {strides = array<i32>} : memref<22528xf32, #tpu.memory_space<vmem>>, vector<16xf32>,
          tpu.vector_store %arg9[%swap3A_304], %gather3A_298 {strides = array<i32>} : memref<22528xf32, #tpu.memory_space<vmem>>, vector<16xf32>,
          %get3A_306 = arith.index_cast %scan3A_262 : i32 to index
          %get3A_307 = arith.index_cast %scan3A_90 : i32 to index
          %get3A_308 = arith.constant 16 : index
          %get3A_309 = tpu.vector_load %arg7[%get3A_306, %get3A_307, %get3A_308] {strides = array<i32>} : memref<11x8x128xf32, #tpu.memory_space<vmem>>, vector<16xf32>,
          %mul3A_310 = arith.constant 256 : i32
          %mul3A_311 = arith.muli %scan3A_262, %mul3A_310 : i32
          %add3A_312 = arith.addi %mul3A_94, %mul3A_311 : i32
          %add3A_313 = arith.constant 128 : i32
          %add3A_314 = arith.addi %add3A_312, %add3A_313 : i32
          %add3A_315 = arith.constant 16 : i32
          %add3A_316 = arith.addi %add3A_314, %add3A_315 : i32
          %swap3A_317 = arith.index_cast %add3A_316 : i32 to index
          %swap3A_318 = tpu.vector_load %arg9[%swap3A_317] {strides = array<i32>} : memref<22528xf32, #tpu.memory_space<vmem>>, vector<16xf32>,
          tpu.vector_store %arg9[%swap3A_317], %get3A_309 {strides = array<i32>} : memref<22528xf32, #tpu.memory_space<vmem>>, vector<16xf32>,
          %mul3A_319 = arith.constant 128 : i32
          %mul3A_320 = arith.muli %scan3A_262, %mul3A_319 : i32
          %add3A_321 = arith.addi %mul3A_92, %mul3A_320 : i32
          %add3A_322 = arith.constant 32 : i32
          %add3A_323 = arith.addi %add3A_321, %add3A_322 : i32
          %add3A_324 = vector.broadcast %add3A_323 : i32 to vector<16xi32>
          %add3A_325 = arith.addi %add3A_324, %iota3A : vector<16xi32>
          %gather3A_326 = tpu.vector_load_idx %arg8[%add3A_325] : memref<11088xf32, #tpu.memory_space<vmem>>[vector<16xi32>], vector<16xf32>,
          %mul3A_327 = arith.constant 256 : i32
          %mul3A_328 = arith.muli %scan3A_262, %mul3A_327 : i32
          %add3A_329 = arith.addi %mul3A_94, %mul3A_328 : i32
          %add3A_330 = arith.constant 32 : i32
          %add3A_331 = arith.addi %add3A_329, %add3A_330 : i32
          %swap3A_332 = arith.index_cast %add3A_331 : i32 to index
          %swap3A_333 = tpu.vector_load %arg9[%swap3A_332] {strides = array<i32>} : memref<22528xf32, #tpu.memory_space<vmem>>, vector<16xf32>,
          tpu.vector_store %arg9[%swap3A_332], %gather3A_326 {strides = array<i32>} : memref<22528xf32, #tpu.memory_space<vmem>>, vector<16xf32>,
          %get3A_334 = arith.index_cast %scan3A_262 : i32 to index
          %get3A_335 = arith.index_cast %scan3A_90 : i32 to index
          %get3A_336 = arith.constant 32 : index
          %get3A_337 = tpu.vector_load %arg7[%get3A_334, %get3A_335, %get3A_336] {strides = array<i32>} : memref<11x8x128xf32, #tpu.memory_space<vmem>>, vector<16xf32>,
          %mul3A_338 = arith.constant 256 : i32
          %mul3A_339 = arith.muli %scan3A_262, %mul3A_338 : i32
          %add3A_340 = arith.addi %mul3A_94, %mul3A_339 : i32
          %add3A_341 = arith.constant 128 : i32
          %add3A_342 = arith.addi %add3A_340, %add3A_341 : i32
          %add3A_343 = arith.constant 32 : i32
          %add3A_344 = arith.addi %add3A_342, %add3A_343 : i32
          %swap3A_345 = arith.index_cast %add3A_344 : i32 to index
          %swap3A_346 = tpu.vector_load %arg9[%swap3A_345] {strides = array<i32>} : memref<22528xf32, #tpu.memory_space<vmem>>, vector<16xf32>,
          tpu.vector_store %arg9[%swap3A_345], %get3A_337 {strides = array<i32>} : memref<22528xf32, #tpu.memory_space<vmem>>, vector<16xf32>,
          %mul3A_347 = arith.constant 128 : i32
          %mul3A_348 = arith.muli %scan3A_262, %mul3A_347 : i32
          %add3A_349 = arith.addi %mul3A_92, %mul3A_348 : i32
          %add3A_350 = arith.constant 48 : i32
          %add3A_351 = arith.addi %add3A_349, %add3A_350 : i32
          %add3A_352 = vector.broadcast %add3A_351 : i32 to vector<16xi32>
          %add3A_353 = arith.addi %add3A_352, %iota3A : vector<16xi32>
          %gather3A_354 = tpu.vector_load_idx %arg8[%add3A_353] : memref<11088xf32, #tpu.memory_space<vmem>>[vector<16xi32>], vector<16xf32>,
          %mul3A_355 = arith.constant 256 : i32
          %mul3A_356 = arith.muli %scan3A_262, %mul3A_355 : i32
          %add3A_357 = arith.addi %mul3A_94, %mul3A_356 : i32
          %add3A_358 = arith.constant 48 : i32
          %add3A_359 = arith.addi %add3A_357, %add3A_358 : i32
          %swap3A_360 = arith.index_cast %add3A_359 : i32 to index
          %swap3A_361 = tpu.vector_load %arg9[%swap3A_360] {strides = array<i32>} : memref<22528xf32, #tpu.memory_space<vmem>>, vector<16xf32>,
          tpu.vector_store %arg9[%swap3A_360], %gather3A_354 {strides = array<i32>} : memref<22528xf32, #tpu.memory_space<vmem>>, vector<16xf32>,
          %get3A_362 = arith.index_cast %scan3A_262 : i32 to index
          %get3A_363 = arith.index_cast %scan3A_90 : i32 to index
          %get3A_364 = arith.constant 48 : index
          %get3A_365 = tpu.vector_load %arg7[%get3A_362, %get3A_363, %get3A_364] {strides = array<i32>} : memref<11x8x128xf32, #tpu.memory_space<vmem>>, vector<16xf32>,
          %mul3A_366 = arith.constant 256 : i32
          %mul3A_367 = arith.muli %scan3A_262, %mul3A_366 : i32
          %add3A_368 = arith.addi %mul3A_94, %mul3A_367 : i32
          %add3A_369 = arith.constant 128 : i32
          %add3A_370 = arith.addi %add3A_368, %add3A_369 : i32
          %add3A_371 = arith.constant 48 : i32
          %add3A_372 = arith.addi %add3A_370, %add3A_371 : i32
          %swap3A_373 = arith.index_cast %add3A_372 : i32 to index
          %swap3A_374 = tpu.vector_load %arg9[%swap3A_373] {strides = array<i32>} : memref<22528xf32, #tpu.memory_space<vmem>>, vector<16xf32>,
          tpu.vector_store %arg9[%swap3A_373], %get3A_365 {strides = array<i32>} : memref<22528xf32, #tpu.memory_space<vmem>>, vector<16xf32>,
          %mul3A_375 = arith.constant 128 : i32
          %mul3A_376 = arith.muli %scan3A_262, %mul3A_375 : i32
          %add3A_377 = arith.addi %mul3A_92, %mul3A_376 : i32
          %add3A_378 = arith.constant 64 : i32
          %add3A_379 = arith.addi %add3A_377, %add3A_378 : i32
          %add3A_380 = vector.broadcast %add3A_379 : i32 to vector<16xi32>
          %add3A_381 = arith.addi %add3A_380, %iota3A : vector<16xi32>
          %gather3A_382 = tpu.vector_load_idx %arg8[%add3A_381] : memref<11088xf32, #tpu.memory_space<vmem>>[vector<16xi32>], vector<16xf32>,
          %mul3A_383 = arith.constant 256 : i32
          %mul3A_384 = arith.muli %scan3A_262, %mul3A_383 : i32
          %add3A_385 = arith.addi %mul3A_94, %mul3A_384 : i32
          %add3A_386 = arith.constant 64 : i32
          %add3A_387 = arith.addi %add3A_385, %add3A_386 : i32
          %swap3A_388 = arith.index_cast %add3A_387 : i32 to index
          %swap3A_389 = tpu.vector_load %arg9[%swap3A_388] {strides = array<i32>} : memref<22528xf32, #tpu.memory_space<vmem>>, vector<16xf32>,
          tpu.vector_store %arg9[%swap3A_388], %gather3A_382 {strides = array<i32>} : memref<22528xf32, #tpu.memory_space<vmem>>, vector<16xf32>,
          %get3A_390 = arith.index_cast %scan3A_262 : i32 to index
          %get3A_391 = arith.index_cast %scan3A_90 : i32 to index
          %get3A_392 = arith.constant 64 : index
          %get3A_393 = tpu.vector_load %arg7[%get3A_390, %get3A_391, %get3A_392] {strides = array<i32>} : memref<11x8x128xf32, #tpu.memory_space<vmem>>, vector<16xf32>,
          %mul3A_394 = arith.constant 256 : i32
          %mul3A_395 = arith.muli %scan3A_262, %mul3A_394 : i32
          %add3A_396 = arith.addi %mul3A_94, %mul3A_395 : i32
          %add3A_397 = arith.constant 128 : i32
          %add3A_398 = arith.addi %add3A_396, %add3A_397 : i32
          %add3A_399 = arith.constant 64 : i32
          %add3A_400 = arith.addi %add3A_398, %add3A_399 : i32
          %swap3A_401 = arith.index_cast %add3A_400 : i32 to index
          %swap3A_402 = tpu.vector_load %arg9[%swap3A_401] {strides = array<i32>} : memref<22528xf32, #tpu.memory_space<vmem>>, vector<16xf32>,
          tpu.vector_store %arg9[%swap3A_401], %get3A_393 {strides = array<i32>} : memref<22528xf32, #tpu.memory_space<vmem>>, vector<16xf32>,
          %mul3A_403 = arith.constant 128 : i32
          %mul3A_404 = arith.muli %scan3A_262, %mul3A_403 : i32
          %add3A_405 = arith.addi %mul3A_92, %mul3A_404 : i32
          %add3A_406 = arith.constant 80 : i32
          %add3A_407 = arith.addi %add3A_405, %add3A_406 : i32
          %add3A_408 = vector.broadcast %add3A_407 : i32 to vector<16xi32>
          %add3A_409 = arith.addi %add3A_408, %iota3A : vector<16xi32>
          %gather3A_410 = tpu.vector_load_idx %arg8[%add3A_409] : memref<11088xf32, #tpu.memory_space<vmem>>[vector<16xi32>], vector<16xf32>,
          %mul3A_411 = arith.constant 256 : i32
          %mul3A_412 = arith.muli %scan3A_262, %mul3A_411 : i32
          %add3A_413 = arith.addi %mul3A_94, %mul3A_412 : i32
          %add3A_414 = arith.constant 80 : i32
          %add3A_415 = arith.addi %add3A_413, %add3A_414 : i32
          %swap3A_416 = arith.index_cast %add3A_415 : i32 to index
          %swap3A_417 = tpu.vector_load %arg9[%swap3A_416] {strides = array<i32>} : memref<22528xf32, #tpu.memory_space<vmem>>, vector<16xf32>,
          tpu.vector_store %arg9[%swap3A_416], %gather3A_410 {strides = array<i32>} : memref<22528xf32, #tpu.memory_space<vmem>>, vector<16xf32>,
          %get3A_418 = arith.index_cast %scan3A_262 : i32 to index
          %get3A_419 = arith.index_cast %scan3A_90 : i32 to index
          %get3A_420 = arith.constant 80 : index
          %get3A_421 = tpu.vector_load %arg7[%get3A_418, %get3A_419, %get3A_420] {strides = array<i32>} : memref<11x8x128xf32, #tpu.memory_space<vmem>>, vector<16xf32>,
          %mul3A_422 = arith.constant 256 : i32
          %mul3A_423 = arith.muli %scan3A_262, %mul3A_422 : i32
          %add3A_424 = arith.addi %mul3A_94, %mul3A_423 : i32
          %add3A_425 = arith.constant 128 : i32
          %add3A_426 = arith.addi %add3A_424, %add3A_425 : i32
          %add3A_427 = arith.constant 80 : i32
          %add3A_428 = arith.addi %add3A_426, %add3A_427 : i32
          %swap3A_429 = arith.index_cast %add3A_428 : i32 to index
          %swap3A_430 = tpu.vector_load %arg9[%swap3A_429] {strides = array<i32>} : memref<22528xf32, #tpu.memory_space<vmem>>, vector<16xf32>,
          tpu.vector_store %arg9[%swap3A_429], %get3A_421 {strides = array<i32>} : memref<22528xf32, #tpu.memory_space<vmem>>, vector<16xf32>,
          %mul3A_431 = arith.constant 128 : i32
          %mul3A_432 = arith.muli %scan3A_262, %mul3A_431 : i32
          %add3A_433 = arith.addi %mul3A_92, %mul3A_432 : i32
          %add3A_434 = arith.constant 96 : i32
          %add3A_435 = arith.addi %add3A_433, %add3A_434 : i32
          %add3A_436 = vector.broadcast %add3A_435 : i32 to vector<16xi32>
          %add3A_437 = arith.addi %add3A_436, %iota3A : vector<16xi32>
          %gather3A_438 = tpu.vector_load_idx %arg8[%add3A_437] : memref<11088xf32, #tpu.memory_space<vmem>>[vector<16xi32>], vector<16xf32>,
          %mul3A_439 = arith.constant 256 : i32
          %mul3A_440 = arith.muli %scan3A_262, %mul3A_439 : i32
          %add3A_441 = arith.addi %mul3A_94, %mul3A_440 : i32
          %add3A_442 = arith.constant 96 : i32
          %add3A_443 = arith.addi %add3A_441, %add3A_442 : i32
          %swap3A_444 = arith.index_cast %add3A_443 : i32 to index
          %swap3A_445 = tpu.vector_load %arg9[%swap3A_444] {strides = array<i32>} : memref<22528xf32, #tpu.memory_space<vmem>>, vector<16xf32>,
          tpu.vector_store %arg9[%swap3A_444], %gather3A_438 {strides = array<i32>} : memref<22528xf32, #tpu.memory_space<vmem>>, vector<16xf32>,
          %get3A_446 = arith.index_cast %scan3A_262 : i32 to index
          %get3A_447 = arith.index_cast %scan3A_90 : i32 to index
          %get3A_448 = arith.constant 96 : index
          %get3A_449 = tpu.vector_load %arg7[%get3A_446, %get3A_447, %get3A_448] {strides = array<i32>} : memref<11x8x128xf32, #tpu.memory_space<vmem>>, vector<16xf32>,
          %mul3A_450 = arith.constant 256 : i32
          %mul3A_451 = arith.muli %scan3A_262, %mul3A_450 : i32
          %add3A_452 = arith.addi %mul3A_94, %mul3A_451 : i32
          %add3A_453 = arith.constant 128 : i32
          %add3A_454 = arith.addi %add3A_452, %add3A_453 : i32
          %add3A_455 = arith.constant 96 : i32
          %add3A_456 = arith.addi %add3A_454, %add3A_455 : i32
          %swap3A_457 = arith.index_cast %add3A_456 : i32 to index
          %swap3A_458 = tpu.vector_load %arg9[%swap3A_457] {strides = array<i32>} : memref<22528xf32, #tpu.memory_space<vmem>>, vector<16xf32>,
          tpu.vector_store %arg9[%swap3A_457], %get3A_449 {strides = array<i32>} : memref<22528xf32, #tpu.memory_space<vmem>>, vector<16xf32>,
          %mul3A_459 = arith.constant 128 : i32
          %mul3A_460 = arith.muli %scan3A_262, %mul3A_459 : i32
          %add3A_461 = arith.addi %mul3A_92, %mul3A_460 : i32
          %add3A_462 = arith.constant 112 : i32
          %add3A_463 = arith.addi %add3A_461, %add3A_462 : i32
          %add3A_464 = vector.broadcast %add3A_463 : i32 to vector<16xi32>
          %add3A_465 = arith.addi %add3A_464, %iota3A : vector<16xi32>
          %gather3A_466 = tpu.vector_load_idx %arg8[%add3A_465] : memref<11088xf32, #tpu.memory_space<vmem>>[vector<16xi32>], vector<16xf32>,
          %mul3A_467 = arith.constant 256 : i32
          %mul3A_468 = arith.muli %scan3A_262, %mul3A_467 : i32
          %add3A_469 = arith.addi %mul3A_94, %mul3A_468 : i32
          %add3A_470 = arith.constant 112 : i32
          %add3A_471 = arith.addi %add3A_469, %add3A_470 : i32
          %swap3A_472 = arith.index_cast %add3A_471 : i32 to index
          %swap3A_473 = tpu.vector_load %arg9[%swap3A_472] {strides = array<i32>} : memref<22528xf32, #tpu.memory_space<vmem>>, vector<16xf32>,
          tpu.vector_store %arg9[%swap3A_472], %gather3A_466 {strides = array<i32>} : memref<22528xf32, #tpu.memory_space<vmem>>, vector<16xf32>,
          %get3A_474 = arith.index_cast %scan3A_262 : i32 to index
          %get3A_475 = arith.index_cast %scan3A_90 : i32 to index
          %get3A_476 = arith.constant 112 : index
          %get3A_477 = tpu.vector_load %arg7[%get3A_474, %get3A_475, %get3A_476] {strides = array<i32>} : memref<11x8x128xf32, #tpu.memory_space<vmem>>, vector<16xf32>,
          %mul3A_478 = arith.constant 256 : i32
          %mul3A_479 = arith.muli %scan3A_262, %mul3A_478 : i32
          %add3A_480 = arith.addi %mul3A_94, %mul3A_479 : i32
          %add3A_481 = arith.constant 128 : i32
          %add3A_482 = arith.addi %add3A_480, %add3A_481 : i32
          %add3A_483 = arith.constant 112 : i32
          %add3A_484 = arith.addi %add3A_482, %add3A_483 : i32
          %swap3A_485 = arith.index_cast %add3A_484 : i32 to index
          %swap3A_486 = tpu.vector_load %arg9[%swap3A_485] {strides = array<i32>} : memref<22528xf32, #tpu.memory_space<vmem>>, vector<16xf32>,
          tpu.vector_store %arg9[%swap3A_485], %get3A_477 {strides = array<i32>} : memref<22528xf32, #tpu.memory_space<vmem>>, vector<16xf32>,
        }
        %scan3A_100 = arith.constant 10 : i32
        %add3A_101 = arith.constant 1280 : i32
        %add3A_102 = arith.addi %mul3A_92, %add3A_101 : i32
        %add3A_103 = arith.constant 0 : i32
        %add3A_104 = arith.addi %add3A_102, %add3A_103 : i32
        %add3A_105 = vector.broadcast %add3A_104 : i32 to vector<16xi32>
        %add3A_106 = arith.addi %add3A_105, %iota3A : vector<16xi32>
        %gather3A = tpu.vector_load_idx %arg8[%add3A_106] : memref<11088xf32, #tpu.memory_space<vmem>>[vector<16xi32>], vector<16xf32>,
        %add3A_107 = arith.constant 2560 : i32
        %add3A_108 = arith.addi %mul3A_94, %add3A_107 : i32
        %add3A_109 = arith.constant 0 : i32
        %add3A_110 = arith.addi %add3A_108, %add3A_109 : i32
        %swap3A = arith.index_cast %add3A_110 : i32 to index
        %swap3A_111 = tpu.vector_load %arg9[%swap3A] {strides = array<i32>} : memref<22528xf32, #tpu.memory_space<vmem>>, vector<16xf32>,
        tpu.vector_store %arg9[%swap3A], %gather3A {strides = array<i32>} : memref<22528xf32, #tpu.memory_space<vmem>>, vector<16xf32>,
        %get3A = arith.constant 10 : i32
        %get3A_112 = arith.index_cast %get3A : i32 to index
        %get3A_113 = arith.index_cast %scan3A_90 : i32 to index
        %get3A_114 = arith.constant 0 : index
        %get3A_115 = tpu.vector_load %arg7[%get3A_112, %get3A_113, %get3A_114] {strides = array<i32>} : memref<11x8x128xf32, #tpu.memory_space<vmem>>, vector<16xf32>,
        %add3A_116 = arith.constant 2688 : i32
        %add3A_117 = arith.addi %mul3A_94, %add3A_116 : i32
        %add3A_118 = arith.constant 0 : i32
        %add3A_119 = arith.addi %add3A_117, %add3A_118 : i32
        %swap3A_120 = arith.index_cast %add3A_119 : i32 to index
        %swap3A_121 = tpu.vector_load %arg9[%swap3A_120] {strides = array<i32>} : memref<22528xf32, #tpu.memory_space<vmem>>, vector<16xf32>,
        tpu.vector_store %arg9[%swap3A_120], %get3A_115 {strides = array<i32>} : memref<22528xf32, #tpu.memory_space<vmem>>, vector<16xf32>,
        %add3A_122 = arith.constant 1280 : i32
        %add3A_123 = arith.addi %mul3A_92, %add3A_122 : i32
        %add3A_124 = arith.constant 16 : i32
        %add3A_125 = arith.addi %add3A_123, %add3A_124 : i32
        %add3A_126 = vector.broadcast %add3A_125 : i32 to vector<16xi32>
        %add3A_127 = arith.addi %add3A_126, %iota3A : vector<16xi32>
        %gather3A_128 = tpu.vector_load_idx %arg8[%add3A_127] : memref<11088xf32, #tpu.memory_space<vmem>>[vector<16xi32>], vector<16xf32>,
        %add3A_129 = arith.constant 2560 : i32
        %add3A_130 = arith.addi %mul3A_94, %add3A_129 : i32
        %add3A_131 = arith.constant 16 : i32
        %add3A_132 = arith.addi %add3A_130, %add3A_131 : i32
        %swap3A_133 = arith.index_cast %add3A_132 : i32 to index
        %swap3A_134 = tpu.vector_load %arg9[%swap3A_133] {strides = array<i32>} : memref<22528xf32, #tpu.memory_space<vmem>>, vector<16xf32>,
        tpu.vector_store %arg9[%swap3A_133], %gather3A_128 {strides = array<i32>} : memref<22528xf32, #tpu.memory_space<vmem>>, vector<16xf32>,
        %get3A_135 = arith.constant 10 : i32
        %get3A_136 = arith.index_cast %get3A_135 : i32 to index
        %get3A_137 = arith.index_cast %scan3A_90 : i32 to index
        %get3A_138 = arith.constant 16 : index
        %get3A_139 = tpu.vector_load %arg7[%get3A_136, %get3A_137, %get3A_138] {strides = array<i32>} : memref<11x8x128xf32, #tpu.memory_space<vmem>>, vector<16xf32>,
        %add3A_140 = arith.constant 2688 : i32
        %add3A_141 = arith.addi %mul3A_94, %add3A_140 : i32
        %add3A_142 = arith.constant 16 : i32
        %add3A_143 = arith.addi %add3A_141, %add3A_142 : i32
        %swap3A_144 = arith.index_cast %add3A_143 : i32 to index
        %swap3A_145 = tpu.vector_load %arg9[%swap3A_144] {strides = array<i32>} : memref<22528xf32, #tpu.memory_space<vmem>>, vector<16xf32>,
        tpu.vector_store %arg9[%swap3A_144], %get3A_139 {strides = array<i32>} : memref<22528xf32, #tpu.memory_space<vmem>>, vector<16xf32>,
        %add3A_146 = arith.constant 1280 : i32
        %add3A_147 = arith.addi %mul3A_92, %add3A_146 : i32
        %add3A_148 = arith.constant 32 : i32
        %add3A_149 = arith.addi %add3A_147, %add3A_148 : i32
        %add3A_150 = vector.broadcast %add3A_149 : i32 to vector<16xi32>
        %add3A_151 = arith.addi %add3A_150, %iota3A : vector<16xi32>
        %gather3A_152 = tpu.vector_load_idx %arg8[%add3A_151] : memref<11088xf32, #tpu.memory_space<vmem>>[vector<16xi32>], vector<16xf32>,
        %add3A_153 = arith.constant 2560 : i32
        %add3A_154 = arith.addi %mul3A_94, %add3A_153 : i32
        %add3A_155 = arith.constant 32 : i32
        %add3A_156 = arith.addi %add3A_154, %add3A_155 : i32
        %swap3A_157 = arith.index_cast %add3A_156 : i32 to index
        %swap3A_158 = tpu.vector_load %arg9[%swap3A_157] {strides = array<i32>} : memref<22528xf32, #tpu.memory_space<vmem>>, vector<16xf32>,
        tpu.vector_store %arg9[%swap3A_157], %gather3A_152 {strides = array<i32>} : memref<22528xf32, #tpu.memory_space<vmem>>, vector<16xf32>,
        %get3A_159 = arith.constant 10 : i32
        %get3A_160 = arith.index_cast %get3A_159 : i32 to index
        %get3A_161 = arith.index_cast %scan3A_90 : i32 to index
        %get3A_162 = arith.constant 32 : index
        %get3A_163 = tpu.vector_load %arg7[%get3A_160, %get3A_161, %get3A_162] {strides = array<i32>} : memref<11x8x128xf32, #tpu.memory_space<vmem>>, vector<16xf32>,
        %add3A_164 = arith.constant 2688 : i32
        %add3A_165 = arith.addi %mul3A_94, %add3A_164 : i32
        %add3A_166 = arith.constant 32 : i32
        %add3A_167 = arith.addi %add3A_165, %add3A_166 : i32
        %swap3A_168 = arith.index_cast %add3A_167 : i32 to index
        %swap3A_169 = tpu.vector_load %arg9[%swap3A_168] {strides = array<i32>} : memref<22528xf32, #tpu.memory_space<vmem>>, vector<16xf32>,
        tpu.vector_store %arg9[%swap3A_168], %get3A_163 {strides = array<i32>} : memref<22528xf32, #tpu.memory_space<vmem>>, vector<16xf32>,
        %add3A_170 = arith.constant 1280 : i32
        %add3A_171 = arith.addi %mul3A_92, %add3A_170 : i32
        %add3A_172 = arith.constant 48 : i32
        %add3A_173 = arith.addi %add3A_171, %add3A_172 : i32
        %add3A_174 = vector.broadcast %add3A_173 : i32 to vector<16xi32>
        %add3A_175 = arith.addi %add3A_174, %iota3A : vector<16xi32>
        %gather3A_176 = tpu.vector_load_idx %arg8[%add3A_175] : memref<11088xf32, #tpu.memory_space<vmem>>[vector<16xi32>], vector<16xf32>,
        %add3A_177 = arith.constant 2560 : i32
        %add3A_178 = arith.addi %mul3A_94, %add3A_177 : i32
        %add3A_179 = arith.constant 48 : i32
        %add3A_180 = arith.addi %add3A_178, %add3A_179 : i32
        %swap3A_181 = arith.index_cast %add3A_180 : i32 to index
        %swap3A_182 = tpu.vector_load %arg9[%swap3A_181] {strides = array<i32>} : memref<22528xf32, #tpu.memory_space<vmem>>, vector<16xf32>,
        tpu.vector_store %arg9[%swap3A_181], %gather3A_176 {strides = array<i32>} : memref<22528xf32, #tpu.memory_space<vmem>>, vector<16xf32>,
        %get3A_183 = arith.constant 10 : i32
        %get3A_184 = arith.index_cast %get3A_183 : i32 to index
        %get3A_185 = arith.index_cast %scan3A_90 : i32 to index
        %get3A_186 = arith.constant 48 : index
        %get3A_187 = tpu.vector_load %arg7[%get3A_184, %get3A_185, %get3A_186] {strides = array<i32>} : memref<11x8x128xf32, #tpu.memory_space<vmem>>, vector<16xf32>,
        %add3A_188 = arith.constant 2688 : i32
        %add3A_189 = arith.addi %mul3A_94, %add3A_188 : i32
        %add3A_190 = arith.constant 48 : i32
        %add3A_191 = arith.addi %add3A_189, %add3A_190 : i32
        %swap3A_192 = arith.index_cast %add3A_191 : i32 to index
        %swap3A_193 = tpu.vector_load %arg9[%swap3A_192] {strides = array<i32>} : memref<22528xf32, #tpu.memory_space<vmem>>, vector<16xf32>,
        tpu.vector_store %arg9[%swap3A_192], %get3A_187 {strides = array<i32>} : memref<22528xf32, #tpu.memory_space<vmem>>, vector<16xf32>,
        %add3A_194 = arith.constant 1280 : i32
        %add3A_195 = arith.addi %mul3A_92, %add3A_194 : i32
        %add3A_196 = arith.constant 64 : i32
        %add3A_197 = arith.addi %add3A_195, %add3A_196 : i32
        %add3A_198 = vector.broadcast %add3A_197 : i32 to vector<16xi32>
        %add3A_199 = arith.addi %add3A_198, %iota3A : vector<16xi32>
        %gather3A_200 = tpu.vector_load_idx %arg8[%add3A_199] : memref<11088xf32, #tpu.memory_space<vmem>>[vector<16xi32>], vector<16xf32>,
        %add3A_201 = arith.constant 2560 : i32
        %add3A_202 = arith.addi %mul3A_94, %add3A_201 : i32
        %add3A_203 = arith.constant 64 : i32
        %add3A_204 = arith.addi %add3A_202, %add3A_203 : i32
        %swap3A_205 = arith.index_cast %add3A_204 : i32 to index
        %swap3A_206 = tpu.vector_load %arg9[%swap3A_205] {strides = array<i32>} : memref<22528xf32, #tpu.memory_space<vmem>>, vector<16xf32>,
        tpu.vector_store %arg9[%swap3A_205], %gather3A_200 {strides = array<i32>} : memref<22528xf32, #tpu.memory_space<vmem>>, vector<16xf32>,
        %get3A_207 = arith.constant 10 : i32
        %get3A_208 = arith.index_cast %get3A_207 : i32 to index
        %get3A_209 = arith.index_cast %scan3A_90 : i32 to index
        %get3A_210 = arith.constant 64 : index
        %get3A_211 = tpu.vector_load %arg7[%get3A_208, %get3A_209, %get3A_210] {strides = array<i32>} : memref<11x8x128xf32, #tpu.memory_space<vmem>>, vector<16xf32>,
        %add3A_212 = arith.constant 2688 : i32
        %add3A_213 = arith.addi %mul3A_94, %add3A_212 : i32
        %add3A_214 = arith.constant 64 : i32
        %add3A_215 = arith.addi %add3A_213, %add3A_214 : i32
        %swap3A_216 = arith.index_cast %add3A_215 : i32 to index
        %swap3A_217 = tpu.vector_load %arg9[%swap3A_216] {strides = array<i32>} : memref<22528xf32, #tpu.memory_space<vmem>>, vector<16xf32>,
        tpu.vector_store %arg9[%swap3A_216], %get3A_211 {strides = array<i32>} : memref<22528xf32, #tpu.memory_space<vmem>>, vector<16xf32>,
        %add3A_218 = arith.constant 1280 : i32
        %add3A_219 = arith.addi %mul3A_92, %add3A_218 : i32
        %add3A_220 = arith.constant 80 : i32
        %add3A_221 = arith.addi %add3A_219, %add3A_220 : i32
        %add3A_222 = vector.broadcast %add3A_221 : i32 to vector<16xi32>
        %add3A_223 = arith.addi %add3A_222, %iota3A : vector<16xi32>
        %gather3A_224 = tpu.vector_load_idx %arg8[%add3A_223] : memref<11088xf32, #tpu.memory_space<vmem>>[vector<16xi32>], vector<16xf32>,
        %add3A_225 = arith.constant 2560 : i32
        %add3A_226 = arith.addi %mul3A_94, %add3A_225 : i32
        %add3A_227 = arith.constant 80 : i32
        %add3A_228 = arith.addi %add3A_226, %add3A_227 : i32
        %swap3A_229 = arith.index_cast %add3A_228 : i32 to index
        %swap3A_230 = tpu.vector_load %arg9[%swap3A_229] {strides = array<i32>} : memref<22528xf32, #tpu.memory_space<vmem>>, vector<16xf32>,
        tpu.vector_store %arg9[%swap3A_229], %gather3A_224 {strides = array<i32>} : memref<22528xf32, #tpu.memory_space<vmem>>, vector<16xf32>,
        %get3A_231 = arith.constant 10 : i32
        %get3A_232 = arith.index_cast %get3A_231 : i32 to index
        %get3A_233 = arith.index_cast %scan3A_90 : i32 to index
        %get3A_234 = arith.constant 80 : index
        %get3A_235 = tpu.vector_load %arg7[%get3A_232, %get3A_233, %get3A_234] {strides = array<i32>} : memref<11x8x128xf32, #tpu.memory_space<vmem>>, vector<16xf32>,
        %add3A_236 = arith.constant 2688 : i32
        %add3A_237 = arith.addi %mul3A_94, %add3A_236 : i32
        %add3A_238 = arith.constant 80 : i32
        %add3A_239 = arith.addi %add3A_237, %add3A_238 : i32
        %swap3A_240 = arith.index_cast %add3A_239 : i32 to index
        %swap3A_241 = tpu.vector_load %arg9[%swap3A_240] {strides = array<i32>} : memref<22528xf32, #tpu.memory_space<vmem>>, vector<16xf32>,
        tpu.vector_store %arg9[%swap3A_240], %get3A_235 {strides = array<i32>} : memref<22528xf32, #tpu.memory_space<vmem>>, vector<16xf32>,
        %lt3A = arith.constant 7 : i32
        %lt3A_242 = vector.broadcast %lt3A : i32 to vector<16xi32>
        %lt3A_243 = arith.cmpi slt, %iota3A, %lt3A_242 : vector<16xi32>
        %add3A_244 = arith.constant 1376 : i32
        %add3A_245 = arith.addi %mul3A_92, %add3A_244 : i32
        %add3A_246 = vector.broadcast %add3A_245 : i32 to vector<16xi32>
        %add3A_247 = arith.addi %add3A_246, %iota3A : vector<16xi32>
        %gather3A_248 = tpu.vector_load_idx %arg8[%add3A_247] : memref<11088xf32, #tpu.memory_space<vmem>>[vector<16xi32>], vector<16xf32>,
        %add3A_249 = arith.constant 2656 : i32
        %add3A_250 = arith.addi %mul3A_94, %add3A_249 : i32
        %add3A_251 = vector.broadcast %add3A_250 : i32 to vector<16xi32>
        %add3A_252 = arith.addi %add3A_251, %iota3A : vector<16xi32>
        tpu.vector_store_idx %arg9[%add3A_252], %gather3A_248 masked %lt3A_243 : memref<22528xf32, #tpu.memory_space<vmem>>[vector<16xi32>], vector<16xf32>, vector<16xi1>
        %get3A_253 = arith.constant 10 : i32
        %get3A_254 = arith.index_cast %get3A_253 : i32 to index
        %get3A_255 = arith.index_cast %scan3A_90 : i32 to index
        %get3A_256 = arith.constant 96 : index
        %get3A_257 = tpu.vector_load %arg7[%get3A_254, %get3A_255, %get3A_256] {strides = array<i32>} : memref<11x8x128xf32, #tpu.memory_space<vmem>>, vector<16xf32>,
        %add3A_258 = arith.constant 2784 : i32
        %add3A_259 = arith.addi %mul3A_94, %add3A_258 : i32
        %add3A_260 = vector.broadcast %add3A_259 : i32 to vector<16xi32>
        %add3A_261 = arith.addi %add3A_260, %iota3A : vector<16xi32>
        tpu.vector_store_idx %arg9[%add3A_261], %get3A_257 masked %lt3A_243 : memref<22528xf32, #tpu.memory_space<vmem>>[vector<16xi32>], vector<16xf32>, vector<16xi1>
      }
      %scan3A_89 = arith.constant 7 : i32
      "tpu.region"() ({
        %run_scoped3A_90 = tpu.sem_alloc : memref<!tpu.dma_semaphore, #tpu.memory_space<semaphore_mem>>
        %dma_start3A_91 = arith.constant 0 : i32
        %dma_start3A_92 = tpu.memref_slice %arg9[%dma_start3A_91] : memref<22528xf32, #tpu.memory_space<vmem>> -> memref<19712xf32, #tpu.memory_space<vmem>>
        %dma_start3A_93 = arith.constant 3874816 : i32
        %dma_start3A_94 = tpu.memref_slice %arg6[%dma_start3A_93] : memref<3894528xf32, #tpu.memory_space<hbm>> -> memref<19712xf32, #tpu.memory_space<hbm>>
        %dma_start3A_95 = arith.constant 3874816 : i32
        %dma_start3A_96 = tpu.memref_slice %arg6[%dma_start3A_95] : memref<3894528xf32, #tpu.memory_space<hbm>> -> memref<19712xf32, #tpu.memory_space<hbm>>
        %dma_start3A_97 = arith.constant 0 : i32
        %dma_start3A_98 = tpu.memref_slice %arg9[%dma_start3A_97] : memref<22528xf32, #tpu.memory_space<vmem>> -> memref<19712xf32, #tpu.memory_space<vmem>>
        tpu.enqueue_dma source(%dma_start3A_98 : memref<19712xf32, #tpu.memory_space<vmem>>) target(%dma_start3A_96 : memref<19712xf32, #tpu.memory_space<hbm>>) target_semaphore(%run_scoped3A_90 : memref<!tpu.dma_semaphore, #tpu.memory_space<semaphore_mem>>)
        %dma_wait3A_99 = arith.constant 0 : i32
        %dma_wait3A_100 = tpu.memref_slice %arg9[%dma_wait3A_99] : memref<22528xf32, #tpu.memory_space<vmem>> -> memref<19712xf32, #tpu.memory_space<vmem>>
        %dma_wait3A_101 = arith.constant 3874816 : i32
        %dma_wait3A_102 = tpu.memref_slice %arg6[%dma_wait3A_101] : memref<3894528xf32, #tpu.memory_space<hbm>> -> memref<19712xf32, #tpu.memory_space<hbm>>
        %dma_wait3A_103 = arith.constant 3874816 : i32
        %dma_wait3A_104 = tpu.memref_slice %arg6[%dma_wait3A_103] : memref<3894528xf32, #tpu.memory_space<hbm>> -> memref<19712xf32, #tpu.memory_space<hbm>>
        %dma_wait3A_105 = arith.constant 0 : i32
        %dma_wait3A_106 = tpu.memref_slice %arg9[%dma_wait3A_105] : memref<22528xf32, #tpu.memory_space<vmem>> -> memref<19712xf32, #tpu.memory_space<vmem>>
        tpu.wait_dma2 semaphore(%run_scoped3A_90 : memref<!tpu.dma_semaphore, #tpu.memory_space<semaphore_mem>>) src(%dma_wait3A_106 : memref<19712xf32, #tpu.memory_space<vmem>>) dst(%dma_wait3A_104 : memref<19712xf32, #tpu.memory_space<hbm>>)
        tpu.yield
      }) : () -> ()
    } else {
    }
    return
  }
}

</mosaic_0001>

<sc_bundles>
// kernel: kernel.3.cloned.1.call-start
scs
__scs_entry_jumppad:
0x0: {  	(pc) =	sbr.rel $0x88, $3  }
0x1: {  	(tag) =	ssettag $0x0;
	lr =	simm.s32 $0x1  }
0x2: {  	[smem:$0x3F9E] =	sst lr;
	_ =	strace $0xD0000000  }
0x3: {  	_ = 	snop  }
0x4: {  	_ = 	snop  }
0x5: {  	_ = 	snop  }
0x6: {  	_ = 	snop  }
0x7: {  	_ = 	snop  }
__scs_overlays_trampoline_lowered:
0x8: {  	[smem:$0x3FAD] =	sst s0  }
0x9: {  	[smem:$0x3FAE] =	sst s1  }
0xa: {  	[smem:$0x3FAF] =	sst s2  }
0xb: {  	[smem:$0x3FB0] =	sst s3  }
0xc: {  	[smem:$0x3FB1] =	sst s4  }
0xd: {  	[smem:$0x3FB2] =	sst s5  }
0xe: {  	[smem:$0x3FB3] =	sst s6  }
0xf: {  	[smem:$0x3FB4] =	sst s7  }
0x10: {  	[smem:$0x3FB5] =	sst s8  }
0x11: {  	[smem:$0x3FB6] =	sst s9;
	s0 =	simm.s32 @!p0 $0x0  }
0x12: {  	s1 =	sld [smem:$0x3F9C];
	s0 =	simm.s32 @p0 $0x1  }
0x13: {  	[smem:$0x3FB7] =	sst s0;
	s0 =	simm.s32 @!p1 $0x0  }
0x14: {  	s2 =	sld [smem:$0x3F9B];
	s0 =	simm.s32 @p1 $0x1  }
0x15: {  	[smem:$0x3FB8] =	sst s0;
	s0 =	simm.s32 @!p2 $0x0  }
0x16: {  	s3 =	sld [smem:$0x3FDB];
	s0 =	simm.s32 @p2 $0x1  }
0x17: {  	s4 =	simm.s32 $0x1BF5;
	[smem:$0x3FBA] =	sst s0  }
0x18: {  	s0 =	sld [smem:$0x3F9D];
	_ =	swait.ge [sflag:s4], $0x0  }
0x19: {  	s7 =	sld [smem:$0x3F9E]  }
0x1a: {  	s8 =	sadd.s32 $0xFFFFE003, lr  }
0x1b: {  	s9 =	sadd.s32 $0xFFFFFEF7, lr;
	s5 =	simm.s32 $0xFFFFFFFF;
	p2 =	slt.u32 s8, $0xFFFFF086  }
0x1c: {  	p1 =	slt.u32 s9, $0xF7A;
	s5 =	simm.s32 @!p2 $0x0  }
0x1d: {  	s5 =	simm.s32 @p1 $0x1;
	p0 =	seq.s32 s7, s2  }
0x1e: {  	s7 =	smul.u32 @!p0 $0xF7A, s2;
	p2 =	seq.s32 @!p0 s5, $0x0  }
0x1f: {  	s9 =	smul.u32 $0xF7A, s1;
	s8 =	simm.s32 @!p0 $0x1BF5;
	p2 =	por !p2, p0  }
0x20: {  	[sflag:s8] =	ssyncset.s32 @!p0 $0xFFFFF086;
	s6 =	sadd.s32 @!p0 s3, s7;
	s7 =	simm.s32 @!p0 $0x108  }
0x21: {  	s3 =	sadd.s32 s3, s9;
	s6 =	sadd.s32 @!p0 $0x88, s6;
	s7 =	simm.s32 @p2 $0x1082  }
0x22: {  	[simem:s7], [sflag:s8] =	dma.local @!p0 [hbm:s6], $0xF7A  }
0x23: {  	s9 =	sor.u32 $0xD0000000, s2;
	s6 =	simm.s32 $0x108;
	_ =	swait.ge @!p0 [sflag:s8], $0x0  }
0x24: {  	s3 =	sadd.s32 $0x88, s3;
	s6 =	simm.s32 @!p1 $0x1082;
	[sflag:s4] =	ssyncset.s32 $0xFFFFF086  }
0x25: {  	[simem:s6], [sflag:s4] =	dma.local [hbm:s3], $0xF7A  }
0x26: {  	[smem:$0x3F9E] =	sst s1;
	(tag) =	ssettag s2;
	_ =	strace s9  }
0x27: {  	s1 =	sld [smem:$0x3FAE]  }
0x28: {  	s2 =	sld [smem:$0x3FAF]  }
0x29: {  	s4 =	sld [smem:$0x3FB1]  }
0x2a: {  	p0 =	seq.s32 s5, $0x0;
	s5 =	sld [smem:$0x3FB2]  }
0x2b: {  	s6 =	sld [smem:$0x3FB3]  }
0x2c: {  	s7 =	sld [smem:$0x3FB4]  }
0x2d: {  	s3 =	simm.s32 $0x108;
	s8 =	sld [smem:$0x3FB5]  }
0x2e: {  	s3 =	simm.s32 @!p0 $0x1082;
	s9 =	sld [smem:$0x3FB6]  }
0x2f: {  	lr =	sadd.s32 s0, s3;
	s0 =	sld [smem:$0x3FAD]  }
0x30: {  	s3 =	sld [smem:$0x3FB0]  }
0x31: {  	[smem:$0x3FB9] =	sst s10  }
0x32: {  	s10 =	sld [smem:$0x3FB7];
	_ =	sdelay $0x3  }
0x33: {  	p0 =	seq.s32 s10, $0x1;
	s10 =	sld [smem:$0x3FB9];
	_ =	sdelay $0x3  }
0x34: {  	[smem:$0x3FB9] =	sst s10  }
0x35: {  	s10 =	sld [smem:$0x3FB8];
	_ =	sdelay $0x3  }
0x36: {  	p1 =	seq.s32 s10, $0x1;
	s10 =	sld [smem:$0x3FB9];
	_ =	sdelay $0x3  }
0x37: {  	[smem:$0x3FB9] =	sst s10  }
0x38: {  	s10 =	sld [smem:$0x3FBA]  }
0x39: {  	_ = 	snop;
	(pc) =	sbr.ind lr, $3  }
0x3a: {  	_ = 	snop  }
0x3b: {  	_ = 	snop  }
0x3c: {  	p2 =	seq.s32 s10, $0x1;
	s10 =	sld [smem:$0x3FB9]  }
0x3d: {  	_ =	shalt  }
0x3e: {  	_ =	shalt  }
0x3f: {  	_ =	shalt  }
0x40: {  	_ =	shalt  }
0x41: {  	_ =	shalt  }
0x42: {  	_ =	shalt  }
0x43: {  	_ =	shalt  }
0x44: {  	_ =	shalt  }
0x45: {  	_ =	shalt  }
0x46: {  	_ =	shalt  }
0x47: {  	_ =	shalt  }
0x48: {  	_ =	shalt  }
0x49: {  	_ =	shalt  }
0x4a: {  	_ =	shalt  }
0x4b: {  	_ =	shalt  }
0x4c: {  	_ =	shalt  }
0x4d: {  	_ =	shalt  }
0x4e: {  	_ =	shalt  }
0x4f: {  	_ =	shalt  }
0x50: {  	_ =	shalt  }
0x51: {  	_ =	shalt  }
0x52: {  	_ =	shalt  }
0x53: {  	_ =	shalt  }
0x54: {  	_ =	shalt  }
0x55: {  	_ =	shalt  }
0x56: {  	_ =	shalt  }
0x57: {  	_ =	shalt  }
0x58: {  	_ =	shalt  }
0x59: {  	_ =	shalt  }
0x5a: {  	_ =	shalt  }
0x5b: {  	_ =	shalt  }
0x5c: {  	_ =	shalt  }
0x5d: {  	_ =	shalt  }
0x5e: {  	_ =	shalt  }
0x5f: {  	_ =	shalt  }
0x60: {  	_ =	shalt  }
0x61: {  	_ =	shalt  }
0x62: {  	_ =	shalt  }
0x63: {  	_ =	shalt  }
0x64: {  	_ =	shalt  }
0x65: {  	_ =	shalt  }
0x66: {  	_ =	shalt  }
0x67: {  	_ =	shalt  }
0x68: {  	_ =	shalt  }
0x69: {  	_ =	shalt  }
0x6a: {  	_ =	shalt  }
0x6b: {  	_ =	shalt  }
0x6c: {  	_ =	shalt  }
0x6d: {  	_ =	shalt  }
0x6e: {  	_ =	shalt  }
0x6f: {  	_ =	shalt  }
0x70: {  	_ =	shalt  }
0x71: {  	_ =	shalt  }
0x72: {  	_ =	shalt  }
0x73: {  	_ =	shalt  }
0x74: {  	_ =	shalt  }
0x75: {  	_ =	shalt  }
0x76: {  	_ =	shalt  }
0x77: {  	_ =	shalt  }
0x78: {  	_ =	shalt  }
0x79: {  	_ =	shalt  }
0x7a: {  	_ =	shalt  }
0x7b: {  	_ =	shalt  }
0x7c: {  	_ =	shalt  }
0x7d: {  	_ =	shalt  }
0x7e: {  	_ =	shalt  }
0x7f: {  	_ =	shalt  }
0x80: {  	_ =	shalt  }
0x81: {  	_ =	shalt  }
0x82: {  	_ =	shalt  }
0x83: {  	_ =	shalt  }
0x84: {  	_ =	shalt  }
0x85: {  	_ =	shalt  }
0x86: {  	_ =	shalt  }
0x87: {  	_ =	shalt  }
.Lfunc_end0:
.L_simem_size_0:
called_computation_lowered:
.L_overlay_start_0:
0x88: {  	s0 =	sld [smem:$0x3FD9]  }
0x89: {  	s1 =	sld [smem:$0x3FFE];
	_ =	sdelay $0x3  }
0x8a: {  	s0 =	sadd.s32 s1, s0  }
0x8b: {  	[smem:$0x3FC5] =	sst s0  }
0x8c: {  	_ = 	snop  }
0x8d: {  	s0 =	sld [smem:$0x3FD0];
	(tm) =	ssettm $0x1  }
0x8e: {  	s16 =	sld [smem:$0x3FFB];
	_ =	sdelay $0x3  }
0x8f: {  	_ =	strace s16  }
0x90: {  	s1 =	sld [smem:$0x3FFC];
	_ =	sdelay $0x3  }
0x91: {  	_ =	strace s1  }
0x92: {  	s1 =	sld [smem:$0x3FFD];
	_ =	sdelay $0x3  }
0x93: {  	_ =	strace s1  }
0x94: {  	_ =	strace $0x8FFFFFFF  }
0x95: {  	s17 =	sld [smem:$0x3FDB];
	_ =	sdelay $0x1  }
0x96: {  	s2 =	simm.s32 $_scs_section_size  }
0x97: {  	s3 =	simm.s32 $_size__tile_overlayer_lowered;
	s4 =	simm.s32 $_tile_overlayer_lowered  }
0x98: {  	s20 =	simm.s32 $0x1BFF;
	s19 =	sshll.u32 s4, $0x1;
	s1 =	sadd.s32 s2, s17  }
0x99: {  	s5 =	simm.s32 $0x0;
	s18 =	sshll.u32 s3, $0x1;
	s3 =	sadd.s32 s19, s1  }
0x9a: {  	[timem:s5], [sflag:s20] =	dma.local [hbm:s3], s18  }
0x9b: {  	_ =	swait.ge [sflag:s20], s18  }
0x9c: {  	s2 =	ssub.s32 $0x0, s18;
	[sflag:s20] =	ssyncset.done $0x0  }
0x9d: {  	[sflag:s20] =	ssyncadd.s32 s2;
	_ =	sdelay $0x1  }
0x9e: {  	s21 =	simm.s32 $0x1B8B  }
0x9f: {  	_ =	swait.ge [sflag:s21], $0x1  }
0xa0: {  	[sflag:s21] =	ssyncset.done $0x0  }
0xa1: {  	s23 =	simm.s32 $0x1B8E;
	s22 =	sld [smem:$0x3FFE];
	[sflag:s21] =	ssyncadd.s32 $0xFFFFFFFF  }
0xa2: {  	s24 =	simm.s32 $execute0_lowered;
	[smem:$0x3FD2] =	sst s23  }
0xa3: {  	s3 =	sshll.u32 s24, $0x1;
	_ =	strace $0x80000046;
	[dreg:$0x1] =	wrdreg $0xFFFFFFFF  }
0xa4: {  	s25 =	simm.s32 $_size_execute0_lowered;
	s1 =	sadd.s32 s1, s3;
	[dreg:$0x0] =	wrdreg $0x0  }
0xa5: {  	s3 =	sshll.u32 s25, $0x1;
	[dreg:$0x2] =	wrdreg s1  }
0xa6: {  	[dreg:$0x3] =	wrdreg s3  }
0xa7: {  	[dreg:$0x4] =	wrdreg $0xC0  }
0xa8: {  	_ =	task [dreg:s5], $0x5FFFF  }
0xa9: {  	[dreg:$0x1] =	wrdreg $0xFFFFFFFF  }
0xaa: {  	[dreg:$0x0] =	wrdreg $0x60  }
0xab: {  	[dreg:$0x2] =	wrdreg s0  }
0xac: {  	[dreg:$0x3] =	wrdreg s22  }
0xad: {  	[dreg:$0x4] =	wrdreg $0xEF800  }
0xae: {  	[dreg:$0x5] =	wrdreg $0x9  }
0xaf: {  	_ =	task.clear_ibuf [dreg:s5], $0x6FFFF;
	_ =	strace $0x90000046  }
0xb0: {  	s26 =	simm.s32 $0x9;
	_ =	strace $0x80000048  }
0xb1: {  	_ =	swait.ge [sflag:s26], $0x1  }
0xb2: {  	[sflag:s26] =	ssyncadd.s32 $0xFFFFFFFF  }
0xb3: {  	_ =	strace $0x90000048  }
0xb4: {  	_ =	sfence  }
0xb5: {  	s28 =	sld [smem:$0x0];
	_ =	sdelay $0x1  }
0xb6: {  	s29 =	srdreg.scid  }
0xb7: {  	s30 =	sshll.u32 s29, $0xD;
	s31 =	sshrl.u32 s29, $0x2  }
0xb8: {  	s2 =	sand.u32 $0x4000, s30;
	s1 =	sand.u32 $0x1, s29;
	s0 =	sadd.s32 s31, s28  }
0xb9: {  	s1 =	sor.u32 s2, s1;
	s0 =	sshll.u32 s0, $0x11  }
0xba: {  	s0 =	sor.u32 s0, s1  }
0xbb: {  	s0 =	sadd.s32 $0x8F2B, s0  }
0xbc: {  	[sflag:s0] =	ssyncadd.remote.s32 $0x1  }
0xbd: {  	_ =	sfence.sel $0xFFFF  }
0xbe: {  	[dreg:$0x0] =	wrdreg $0xFFFFFFFF;
	(pc) =	sbr.abs _section_cstart, $3  }
0xbf: {  	[dreg:$0x1] =	wrdreg $0xFFFFFFFF  }
0xc0: {  	_ =	task.clear_ibuf [dreg:s5], $0x2FFFF;
	_ =	strace $0x9FFFFFFF  }
0xc1: {  	(tm) =	ssettm $0x7FFFFFFF  }
tec
execute0_lowered:
.L_overlay_start_1:
0x0: {  	(tag) =	ssettag $0x1  }
0x1: {  	s3 =	rddreg [dreg:$0x0]  }
0x2: {  	s1 =	rddreg [dreg:$0x1];
	s0 =	simm.s32 $0x0  }
0x3: {  	s6 =	simm.s32 $0x57C0;
	v0 =	vimm.f32 $0.0e+00;
	[smem:$0x7FF] =	sst s0  }
0x4: {  	s4 =	rddreg [dreg:$0x2];
	_ =	strace $0x80000047;
	[tilespmem:s6+$0xFFFFFFC0] =	vst v0  }
0x5: {  	[tilespmem:s6+$0x30] =	vst v0  }
0x6: {  	[tilespmem:s6+$0x20] =	vst v0  }
0x7: {  	[tilespmem:s6+$0x10] =	vst v0  }
0x8: {  	[tilespmem:s6+$0x0] =	vst v0  }
0x9: {  	s7 =	simm.s32 $0x0;
	s0 =	sadd.s32 $0x1200, s1;
	s2 =	sadd.s32 $0x41200, s1;
	[tilespmem:s6+$0xFFFFFFF0] =	vst v0  }
0xa: {  	s8 =	sadd.s32 $0x21200, s1;
	s5 =	sadd.s32 $0x61200, s1;
	s1 =	stileid.u32;
	[tilespmem:s6+$0xFFFFFFE0] =	vst v0  }
.LBB2_1:
0xb: {  	s7 =	sadd.s32 $0x8, s7;
	[tilespmem:s6+$0xFFFFFFD0] =	vst v0;
	s6 =	sadd.s32 $0x80, s6  }
0xc: {  	[tilespmem:s6+$0xFFFFFFC0] =	vst v0;
	p0 =	slt.u32 s7, $0x578  }
0xd: {  	[tilespmem:s6+$0x30] =	vst v0  }
.Ltmp0:
0xe: {  	[tilespmem:s6+$0x20] =	vst v0;
	(pc) =	sbr.rel @p0 .LBB2_1-.Ltmp0, $4  }
0xf: {  	[tilespmem:s6+$0x10] =	vst v0  }
0x10: {  	[tilespmem:s6+$0x0] =	vst v0  }
0x11: {  	[tilespmem:s6+$0xFFFFFFF0] =	vst v0  }
0x12: {  	[tilespmem:s6+$0xFFFFFFE0] =	vst v0  }
0x13: {  	s7 =	smul.u32 $0x16000, s1;
	_ =	sdelay $0x1  }
0x14: {  	s7 =	sshrl.u32 s7, $0x2  }
0x15: {  	[tilespmem:s6+$0xFFFFFFD0] =	vst v0;
	s23 =	simm.s32 $0x5780;
	s24 =	simm.s32 $0x5;
	s12 =	sadd.s32 s7, s4  }
0x16: {  	[spmem:s12] =	stream.linear.scatter [tilespmem:s23], [sflag:$0x5], $0x5800, $0x38;
	[tilespmem:$0x1DB30] =	vst v63  }
0x17: {  	s6 =	sor.u32 $0x20, s1;
	_ =	swait.ge [sflag:s24], $0x5800  }
0x18: {  	p0 =	sgt.u32 s6, $0x29;
	s9 =	sadd.s32 $0x58000, s12;
	[sflag:s24] =	ssyncset.done $0x0  }
0x19: {  	s6 =	smul.u32 @!p0 $0x16000, s6;
	[dreg:$0x8] =	wrdreg s9;
	[sflag:s24] =	ssyncadd.s32 $0xFFFFA800  }
0x1a: {  	[spmem:s9] =	stream.linear.scatter [tilespmem:s23], [sflag:$0x5], $0x5800, $0x38;
	[tilespmem:$0x1DB30] =	vst v63  }
0x1b: {  	_ =	swait.ge [sflag:s24], $0x5800  }
0x1c: {  	s6 =	sshrl.u32 @!p0 s6, $0x2;
	[sflag:s24] =	ssyncset.done $0x0  }
0x1d: {  	s7 =	sadd.s32 @!p0 s6, s4;
	s6 =	simm.s32 @!p0 $0x5780;
	[sflag:s24] =	ssyncadd.s32 $0xFFFFA800  }
0x1e: {  	[spmem:s7] =	stream.linear.scatter @!p0 [tilespmem:s6], [sflag:$0x5], $0x5800, $0x38;
	[tilespmem:$0x1DB30] =	vst v63  }
0x1f: {  	[dreg:$0x7] =	wrdreg s7;
	s6 =	simm.s32 @!p0 $0x5  }
0x20: {  	_ =	swait.ge @!p0 [sflag:s6], $0x5800  }
0x21: {  	p1 =	sne.s32 s1, $0xB;
	[sflag:s6] =	ssyncset.done @!p0 $0x0  }
0x22: {  	s7 =	sadd.s32 $0xE7000, s4;
	[sflag:s6] =	ssyncadd.s32 @!p0 $0xFFFFA800;
	s6 =	simm.s32 @!p1 $0x5780  }
0x23: {  	[spmem:s7] =	stream.linear.scatter @!p1 [tilespmem:s6], [sflag:$0x5], $0x4AC0, $0x38;
	[tilespmem:$0x1DB30] =	vst v63  }
0x24: {  	[dreg:$0xb] =	wrdreg s7;
	s6 =	simm.s32 @!p1 $0x5  }
0x25: {  	_ =	swait.ge @!p1 [sflag:s6], $0x4AC0  }
0x26: {  	s10 =	sshll.u32 s1, $0xD;
	[sflag:s6] =	ssyncset.done @!p1 $0x0  }
0x27: {  	s11 =	simm.s32 $0xCF80;
	s25 =	sadd.s32 s2, s10;
	[sflag:s6] =	ssyncadd.s32 @!p1 $0xFFFFB540  }
0x28: {  	s7 =	simm.s32 $0xAF80;
	s6 =	simm.s32 $0x0;
	[bflag:$0x0] =	sbarrier.arrive $0xFFFF  }
0x29: {  	[tilespmem:s7], [sflag:$0x1] =	stream.linear.gather [hbm4b:s25+s6], $0x1000, $0x38;
	[tilespmem:$0x1DB30] =	vst v63  }
0x2a: {  	s13 =	simm.s32 $0xBF80;
	s26 =	sadd.s32 s0, s10;
	s15 =	sor.u32 $0x200, s10  }
0x2b: {  	[tilespmem:s11], [sflag:$0x1] =	stream.linear.gather [hbm4b:s26+s6], $0x1000, $0x38;
	[tilespmem:$0x1DB30] =	vst v63  }
0x2c: {  	s28 =	sadd.s32 s2, s15;
	s29 =	sadd.s32 s0, s15;
	[dreg:$0x9] =	wrdreg s26  }
0x2d: {  	[tilespmem:s13], [sflag:$0x2] =	stream.linear.gather [hbm4b:s28+s6], $0x1000, $0x38;
	[tilespmem:$0x1DB30] =	vst v63  }
0x2e: {  	s14 =	simm.s32 $0xDF80;
	s16 =	simm.s32 $0x1;
	[dreg:$0xa] =	wrdreg s29  }
0x2f: {  	[tilespmem:s14], [sflag:$0x2] =	stream.linear.gather [hbm4b:s29+s6], $0x1000, $0x38;
	[tilespmem:$0x1DB30] =	vst v63  }
0x30: {  	_ =	swait.ge [sflag:s16], $0x1000  }
0x31: {  	[sflag:s16] =	ssyncset.done $0x0  }
0x32: {  	[sflag:s16] =	ssyncadd.s32 $0xFFFFF000  }
0x33: {  	_ =	swait.ge [sflag:s16], $0x1000  }
0x34: {  	s17 =	simm.s32 $0x1000;
	[sflag:s16] =	ssyncset.done $0x0  }
0x35: {  	s30 =	sshll.u32 s1, $0x10;
	s20 =	simm.s32 $0x3;
	[sflag:s16] =	ssyncadd.s32 $0xFFFFF000  }
0x36: {  	[spmem:s4] =	stream.indirect.scatter [tilespmem:s11], [sflag:$0x3], $0x1, s7, s17, $0xb8;
	[tilespmem:$0x1DB30] =	vst v63  }
0x37: {  	s9 =	sor.u32 $0x2000, s30;
	_ =	swait.ge [sflag:s20], $0x1000  }
0x38: {  	s18 =	sshrl.u32 s9, $0x3;
	[sflag:s20] =	ssyncset.done $0x0  }
0x39: {  	s9 =	sadd.s32 s2, s18;
	s31 =	sadd.s32 s0, s18;
	[sflag:s20] =	ssyncadd.s32 $0xFFFFF000  }
0x3a: {  	[tilespmem:s7], [sflag:$0x1] =	stream.linear.gather [hbm4b:s9+s6], $0x1000, $0x38;
	[tilespmem:$0x1DB30] =	vst v63  }
0x3b: {  	s21 =	simm.s32 $0x2;
	[dreg:$0xc] =	wrdreg s31  }
0x3c: {  	[tilespmem:s11], [sflag:$0x1] =	stream.linear.gather [hbm4b:s31+s6], $0x1000, $0x38;
	[tilespmem:$0x1DB30] =	vst v63  }
0x3d: {  	_ =	swait.ge [sflag:s21], $0x1000  }
0x3e: {  	[sflag:s21] =	ssyncset.done $0x0  }
0x3f: {  	[sflag:s21] =	ssyncadd.s32 $0xFFFFF000  }
0x40: {  	_ =	swait.ge [sflag:s21], $0x1000  }
0x41: {  	[sflag:s21] =	ssyncset.done $0x0  }
0x42: {  	s22 =	simm.s32 $0x4;
	[sflag:s21] =	ssyncadd.s32 $0xFFFFF000  }
0x43: {  	[spmem:s4] =	stream.indirect.scatter [tilespmem:s14], [sflag:$0x4], $0x1, s13, s17, $0xb8;
	[tilespmem:$0x1DB30] =	vst v63  }
0x44: {  	s23 =	sadd.s32 s10, s2;
	_ =	swait.ge [sflag:s22], $0x1000  }
0x45: {  	s24 =	sadd.s32 $0xFFFFE800, s23;
	s9 =	sadd.s32 s10, s0;
	[sflag:s22] =	ssyncset.done $0x0  }
0x46: {  	s25 =	sadd.s32 $0x1E00, s24;
	s26 =	sadd.s32 $0xFFFFE800, s9;
	[sflag:s22] =	ssyncadd.s32 $0xFFFFF000  }
0x47: {  	[tilespmem:s13], [sflag:$0x2] =	stream.linear.gather [hbm4b:s25+s6], $0x1000, $0x38;
	[tilespmem:$0x1DB30] =	vst v63  }
0x48: {  	s19 =	sadd.s32 $0x1E00, s26  }
0x49: {  	[tilespmem:s14], [sflag:$0x2] =	stream.linear.gather [hbm4b:s19+s6], $0x1000, $0x38;
	[tilespmem:$0x1DB30] =	vst v63  }
0x4a: {  	_ =	swait.ge [sflag:s16], $0x1000  }
0x4b: {  	[sflag:s16] =	ssyncset.done $0x0  }
0x4c: {  	[sflag:s16] =	ssyncadd.s32 $0xFFFFF000  }
0x4d: {  	_ =	swait.ge [sflag:s16], $0x1000  }
0x4e: {  	[sflag:s16] =	ssyncset.done $0x0  }
0x4f: {  	[sflag:s16] =	ssyncadd.s32 $0xFFFFF000  }
0x50: {  	[spmem:s4] =	stream.indirect.scatter [tilespmem:s11], [sflag:$0x3], $0x1, s7, s17, $0xb8;
	[tilespmem:$0x1DB30] =	vst v63  }
0x51: {  	_ =	swait.ge [sflag:s20], $0x1000  }
0x52: {  	[sflag:s20] =	ssyncset.done $0x0  }
0x53: {  	s24 =	sadd.s32 $0x2000, s24;
	[sflag:s20] =	ssyncadd.s32 $0xFFFFF000  }
0x54: {  	[tilespmem:s7], [sflag:$0x1] =	stream.linear.gather [hbm4b:s24+s6], $0x1000, $0x38;
	[tilespmem:$0x1DB30] =	vst v63  }
0x55: {  	s28 =	sadd.s32 $0x2000, s26  }
0x56: {  	[tilespmem:s11], [sflag:$0x1] =	stream.linear.gather [hbm4b:s28+s6], $0x1000, $0x38;
	[tilespmem:$0x1DB30] =	vst v63  }
0x57: {  	_ =	swait.ge [sflag:s21], $0x1000  }
0x58: {  	s19 =	sadd.s32 s8, s10;
	[sflag:s21] =	ssyncset.done $0x0  }
0x59: {  	s29 =	sadd.s32 $0x3B200, s3;
	[dreg:$0xd] =	wrdreg s19;
	[sflag:s21] =	ssyncadd.s32 $0xFFFFF000  }
0x5a: {  	s30 =	sadd.s32 $0xE5C40, s4;
	_ =	swait.ge [sflag:s21], $0x1000;
	[dreg:$0x6] =	wrdreg s29  }
0x5b: {  	s31 =	sadd.s32 $0x76400, s5;
	[dreg:$0x5] =	wrdreg s30;
	[sflag:s21] =	ssyncset.done $0x0  }
0x5c: {  	s24 =	simm.s32 $0xFFFFEC00;
	[dreg:$0x4] =	wrdreg s31;
	[sflag:s21] =	ssyncadd.s32 $0xFFFFF000  }
.LBB2_3:
0x5d: {  	[spmem:s4] =	stream.indirect.scatter [tilespmem:s14], [sflag:$0x4], $0x1, s13, s17, $0xb8;
	[tilespmem:$0x1DB30] =	vst v63  }
0x5e: {  	s25 =	smov.u32 s24  }
0x5f: {  	p1 =	sne.s32 s24, $0xFFFFFC00;
	s24 =	sadd.s32 $0x400, s24;
	_ =	swait.ge [sflag:s22], $0x1000  }
0x60: {  	s26 =	sadd.s32 s25, s23;
	[sflag:s22] =	ssyncset.done $0x0  }
0x61: {  	s25 =	sadd.s32 s25, s9;
	s28 =	sadd.s32 $0x1E00, s26;
	[sflag:s22] =	ssyncadd.s32 $0xFFFFF000  }
0x62: {  	[tilespmem:s13], [sflag:$0x2] =	stream.linear.gather [hbm4b:s28+s6], $0x1000, $0x38;
	[tilespmem:$0x1DB30] =	vst v63  }
0x63: {  	s28 =	sadd.s32 $0x1E00, s25  }
0x64: {  	[tilespmem:s14], [sflag:$0x2] =	stream.linear.gather [hbm4b:s28+s6], $0x1000, $0x38;
	[tilespmem:$0x1DB30] =	vst v63  }
0x65: {  	_ =	swait.ge [sflag:s16], $0x1000  }
0x66: {  	[sflag:s16] =	ssyncset.done $0x0  }
0x67: {  	[sflag:s16] =	ssyncadd.s32 $0xFFFFF000  }
0x68: {  	_ =	swait.ge [sflag:s16], $0x1000  }
0x69: {  	[sflag:s16] =	ssyncset.done $0x0  }
0x6a: {  	[sflag:s16] =	ssyncadd.s32 $0xFFFFF000  }
0x6b: {  	[spmem:s4] =	stream.indirect.scatter [tilespmem:s11], [sflag:$0x3], $0x1, s7, s17, $0xb8;
	[tilespmem:$0x1DB30] =	vst v63  }
0x6c: {  	_ =	swait.ge [sflag:s20], $0x1000  }
0x6d: {  	[sflag:s20] =	ssyncset.done $0x0  }
0x6e: {  	s26 =	sadd.s32 $0x2000, s26;
	[sflag:s20] =	ssyncadd.s32 $0xFFFFF000  }
0x6f: {  	[tilespmem:s7], [sflag:$0x1] =	stream.linear.gather [hbm4b:s26+s6], $0x1000, $0x38;
	[tilespmem:$0x1DB30] =	vst v63  }
0x70: {  	s25 =	sadd.s32 $0x2000, s25  }
0x71: {  	[tilespmem:s11], [sflag:$0x1] =	stream.linear.gather [hbm4b:s25+s6], $0x1000, $0x38;
	[tilespmem:$0x1DB30] =	vst v63  }
0x72: {  	_ =	swait.ge [sflag:s21], $0x1000  }
.Ltmp1:
0x73: {  	[sflag:s21] =	ssyncset.done $0x0;
	(pc) =	sbr.rel @p1 .LBB2_3-.Ltmp1, $4  }
0x74: {  	[sflag:s21] =	ssyncadd.s32 $0xFFFFF000  }
0x75: {  	_ =	swait.ge [sflag:s21], $0x1000  }
0x76: {  	[sflag:s21] =	ssyncset.done $0x0  }
0x77: {  	[sflag:s21] =	ssyncadd.s32 $0xFFFFF000  }
0x78: {  	[spmem:s4] =	stream.indirect.scatter [tilespmem:s14], [sflag:$0x4], $0x1, s13, s17, $0xb8;
	[tilespmem:$0x1DB30] =	vst v63  }
0x79: {  	s6 =	simm.s32 $0x4  }
0x7a: {  	_ =	swait.ge [sflag:s6], $0x1000  }
0x7b: {  	s20 =	sor.u32 $0x1E00, s10;
	s23 =	simm.s32 $0x0;
	[sflag:s6] =	ssyncset.done $0x0  }
0x7c: {  	s7 =	simm.s32 $0xBF80;
	s2 =	sadd.s32 s2, s20;
	[sflag:s6] =	ssyncadd.s32 $0xFFFFF000  }
0x7d: {  	[tilespmem:s7], [sflag:$0x2] =	stream.linear.gather [hbm4b:s2+s23], $0x1000, $0x38;
	[tilespmem:$0x1DB30] =	vst v63  }
0x7e: {  	s22 =	simm.s32 $0xDF80;
	s24 =	simm.s32 $0x1;
	s21 =	sadd.s32 s0, s20  }
0x7f: {  	[tilespmem:s22], [sflag:$0x2] =	stream.linear.gather [hbm4b:s21+s23], $0x1000, $0x38;
	[tilespmem:$0x1DB30] =	vst v63  }
0x80: {  	_ =	swait.ge [sflag:s24], $0x1000  }
0x81: {  	[sflag:s24] =	ssyncset.done $0x0  }
0x82: {  	[sflag:s24] =	ssyncadd.s32 $0xFFFFF000  }
0x83: {  	_ =	swait.ge [sflag:s24], $0x1000  }
0x84: {  	s25 =	simm.s32 $0x1000;
	s11 =	simm.s32 $0xAF80;
	[sflag:s24] =	ssyncset.done $0x0  }
0x85: {  	s26 =	simm.s32 $0xCF80;
	s30 =	simm.s32 $0x2;
	[sflag:s24] =	ssyncadd.s32 $0xFFFFF000  }
0x86: {  	[spmem:s4] =	stream.indirect.scatter [tilespmem:s26], [sflag:$0x3], $0x1, s11, s25, $0xb8;
	[tilespmem:$0x1DB30] =	vst v63  }
0x87: {  	_ =	swait.ge [sflag:s30], $0x1000  }
0x88: {  	[sflag:s30] =	ssyncset.done $0x0  }
0x89: {  	[sflag:s30] =	ssyncadd.s32 $0xFFFFF000  }
0x8a: {  	_ =	swait.ge [sflag:s30], $0x1000  }
0x8b: {  	[sflag:s30] =	ssyncset.done $0x0  }
0x8c: {  	s31 =	simm.s32 $0x3;
	[sflag:s30] =	ssyncadd.s32 $0xFFFFF000  }
0x8d: {  	[spmem:s4] =	stream.indirect.scatter [tilespmem:s22], [sflag:$0x4], $0x1, s7, s25, $0xb8;
	[tilespmem:$0x1DB30] =	vst v63  }
0x8e: {  	_ =	swait.ge [sflag:s31], $0x1000  }
0x8f: {  	[sflag:s31] =	ssyncset.done $0x0  }
0x90: {  	[sflag:s31] =	ssyncadd.s32 $0xFFFFF000  }
.Ltmp2:
0x91: {  	_ =	swait.ge [sflag:s6], $0x1000;
	(pc) =	sbr.rel .LBB2_5-.Ltmp2, $4  }
0x92: {  	[sflag:s6] =	ssyncset.done $0x0  }
0x93: {  	[sflag:s6] =	ssyncadd.s32 $0xFFFFF000  }
0x94: {  	v0 =	vlaneseq.u32;
	v1 =	vimm.s32 $0x0;
	vm0 =	vcmask $0x300;
	s28 =	simm.s32 $0x5;
	s29 =	simm.s32 $0x0;
	[bflag:$0x0] =	sbarrier.arrive $0xFFFF  }
0x95: {  	v1 =	vsel vm0, $0x7, v1;
	v2 =	vor.u32 $0x60, v0;
	s24 =	simm.s32 $0x6;
	s26 =	simm.s32 $0x5780;
	s25 =	simm.s32 $0x2C00  }
.LBB2_11:
0x96: {  	s29 =	sadd.s32 $0x1, s29  }
0x97: {  	p1 =	sne.s32 s29, $0x6  }
.Ltmp3:
0x98: {  	_ = 	snop;
	(pc) =	sbr.rel @!p1 .LBB2_12-.Ltmp3, $1  }
0x99: {  	_ =	sdelay $0x3  }
.LBB2_5:
0x9a: {  	s0 =	sshll.u32 s29, $0x4  }
0x9b: {  	s30 =	sor.u32 s1, s0  }
0x9c: {  	p1 =	sgt.u32 s30, $0x56  }
.Ltmp4:
0x9d: {  	_ = 	snop;
	(pc) =	sbr.rel @p1 .LBB2_11-.Ltmp4, $1  }
0x9e: {  	_ =	sdelay $0x3  }
0x9f: {  	s0 =	smul.u32 $0x580, s30;
	_ =	sdelay $0x1  }
0xa0: {  	s31 =	simm.s32 $0x0;
	s22 =	smul.u32 $0xAD00, s30;
	s0 =	sadd.s32 s3, s0  }
0xa1: {  	[tilespmem:s31], [sflag:$0x6] =	stream.linear.gather [hbm4b:s0+s31], $0x2C00, $0x38;
	[tilespmem:$0x1DB30] =	vst v63  }
0xa2: {  	_ =	swait.ge [sflag:s24], $0x2C00  }
0xa3: {  	s0 =	sshra.s32 s22, $0x2;
	[sflag:s24] =	ssyncset.done $0x0  }
0xa4: {  	s0 =	sadd.s32 s0, s4;
	[sflag:s24] =	ssyncadd.s32 $0xFFFFD400  }
0xa5: {  	[tilespmem:s25], [sflag:$0x6] =	stream.linear.gather [spmem:s0], $0x2B40, $0x38;
	[tilespmem:$0x1DB30] =	vst v63  }
0xa6: {  	_ =	swait.ge [sflag:s24], $0x2B40  }
0xa7: {  	s14 =	simm.s32 $0x40;
	[sflag:s24] =	ssyncset.done $0x0  }
0xa8: {  	s16 =	simm.s32 $0x5800;
	s6 =	simm.s32 $0x0;
	[sflag:s24] =	ssyncadd.s32 $0xFFFFD4C0  }
.LBB2_7:
0xa9: {  	s0 =	sadd.s32 $0x0, s31  }
0xaa: {  	v3 =	vadd.s32 s0, v0;
	_ =	sdelay $0x4  }
0xab: {  	v3 =	vld.idx.msk [tilespmem:v3+s25+$0x0], $0xffff;
	_ =	sdelay $0x4  }
0xac: {  	[tilespmem:s16+$0xFFFFFF80] =	vst v3  }
0xad: {  	s2 =	sadd.s32 $0x10, s0;
	v3 =	vld [tilespmem:s14+$0xFFFFFFC0]  }
0xae: {  	v4 =	vadd.s32 s2, v0;
	_ =	sdelay $0x3  }
0xaf: {  	[tilespmem:s16+$0x0] =	vst v3  }
0xb0: {  	v3 =	vld.idx.msk [tilespmem:v4+s25+$0x0], $0xffff;
	_ =	sdelay $0x4  }
0xb1: {  	[tilespmem:s16+$0xFFFFFF90] =	vst v3  }
0xb2: {  	s22 =	sadd.s32 $0x20, s0;
	v3 =	vld [tilespmem:s14+$0xFFFFFFD0]  }
0xb3: {  	v4 =	vadd.s32 s22, v0;
	_ =	sdelay $0x3  }
0xb4: {  	[tilespmem:s16+$0x10] =	vst v3  }
0xb5: {  	v3 =	vld.idx.msk [tilespmem:v4+s25+$0x0], $0xffff;
	_ =	sdelay $0x4  }
0xb6: {  	[tilespmem:s16+$0xFFFFFFA0] =	vst v3  }
0xb7: {  	s7 =	sadd.s32 $0x30, s0;
	v3 =	vld [tilespmem:s14+$0xFFFFFFE0]  }
0xb8: {  	v4 =	vadd.s32 s7, v0;
	_ =	sdelay $0x3  }
0xb9: {  	[tilespmem:s16+$0x20] =	vst v3  }
0xba: {  	v3 =	vld.idx.msk [tilespmem:v4+s25+$0x0], $0xffff;
	_ =	sdelay $0x4  }
0xbb: {  	[tilespmem:s16+$0xFFFFFFB0] =	vst v3  }
0xbc: {  	s11 =	sadd.s32 $0x40, s0;
	v3 =	vld [tilespmem:s14+$0xFFFFFFF0]  }
0xbd: {  	v4 =	vadd.s32 s11, v0;
	_ =	sdelay $0x3  }
0xbe: {  	[tilespmem:s16+$0x30] =	vst v3  }
0xbf: {  	v3 =	vld.idx.msk [tilespmem:v4+s25+$0x0], $0xffff;
	_ =	sdelay $0x4  }
0xc0: {  	[tilespmem:s16+$0xFFFFFFC0] =	vst v3  }
0xc1: {  	s13 =	sadd.s32 $0x50, s0;
	v3 =	vld [tilespmem:s14+$0x0]  }
0xc2: {  	v4 =	vadd.s32 s13, v0;
	_ =	sdelay $0x3  }
0xc3: {  	[tilespmem:s16+$0x40] =	vst v3  }
0xc4: {  	v3 =	vld.idx.msk [tilespmem:v4+s25+$0x0], $0xffff;
	_ =	sdelay $0x4  }
0xc5: {  	[tilespmem:s16+$0xFFFFFFD0] =	vst v3  }
0xc6: {  	s17 =	sadd.s32 $0x60, s0;
	v3 =	vld [tilespmem:s14+$0x10]  }
0xc7: {  	v4 =	vadd.s32 s17, v0;
	_ =	sdelay $0x3  }
0xc8: {  	[tilespmem:s16+$0x50] =	vst v3  }
0xc9: {  	v3 =	vld.idx.msk [tilespmem:v4+s25+$0x0], $0xffff;
	_ =	sdelay $0x4  }
0xca: {  	[tilespmem:s16+$0xFFFFFFE0] =	vst v3  }
0xcb: {  	s0 =	sadd.s32 $0x70, s0;
	v3 =	vld [tilespmem:s14+$0x20]  }
0xcc: {  	v4 =	vadd.s32 s0, v0;
	_ =	sdelay $0x3  }
0xcd: {  	[tilespmem:s16+$0x60] =	vst v3  }
0xce: {  	v3 =	vld.idx.msk [tilespmem:v4+s25+$0x0], $0xffff;
	_ =	sdelay $0x3  }
0xcf: {  	s19 =	sshll.u32 s6, $0x7;
	s22 =	smul.u32 $0xB00, s6  }
0xd0: {  	s2 =	smov.u32 s16;
	s7 =	sand.u32 $0x3FFFFF80, s19;
	s11 =	smul.u32 $0x568, s6;
	[tilespmem:s16+$0xFFFFFFF0] =	vst v3  }
0xd1: {  	s13 =	sadd.s32 $0x80, s31;
	s17 =	simm.s32 $0x100;
	s0 =	smov.u32 s14;
	v3 =	vld [tilespmem:s14+$0x30]  }
.LBB2_8:
0xd2: {  	p1 =	sne.s32 s17, $0x480;
	v4 =	vadd.s32 s13, v0;
	_ =	sdelay $0x3  }
0xd3: {  	[tilespmem:s2+$0x70] =	vst v3  }
0xd4: {  	v3 =	vld.idx.msk [tilespmem:v4+s25+$0x0], $0xffff;
	_ =	sdelay $0x4  }
0xd5: {  	s2 =	sadd.s32 $0x100, s2  }
0xd6: {  	s0 =	sadd.s32 $0x400, s0;
	[tilespmem:s2+$0xFFFFFF80] =	vst v3  }
0xd7: {  	s19 =	sadd.s32 $0x10, s13;
	v3 =	vld [tilespmem:s0+$0xFFFFFFC0]  }
0xd8: {  	v4 =	vadd.s32 s19, v0;
	_ =	sdelay $0x3  }
0xd9: {  	[tilespmem:s2+$0x0] =	vst v3  }
0xda: {  	v3 =	vld.idx.msk [tilespmem:v4+s25+$0x0], $0xffff;
	_ =	sdelay $0x5  }
0xdb: {  	[tilespmem:s2+$0xFFFFFF90] =	vst v3  }
0xdc: {  	s19 =	sadd.s32 $0x20, s13;
	v3 =	vld [tilespmem:s0+$0xFFFFFFD0]  }
0xdd: {  	v4 =	vadd.s32 s19, v0;
	_ =	sdelay $0x3  }
0xde: {  	[tilespmem:s2+$0x10] =	vst v3  }
0xdf: {  	v3 =	vld.idx.msk [tilespmem:v4+s25+$0x0], $0xffff;
	_ =	sdelay $0x5  }
0xe0: {  	[tilespmem:s2+$0xFFFFFFA0] =	vst v3  }
0xe1: {  	s19 =	sadd.s32 $0x30, s13;
	v3 =	vld [tilespmem:s0+$0xFFFFFFE0]  }
0xe2: {  	v4 =	vadd.s32 s19, v0;
	_ =	sdelay $0x3  }
0xe3: {  	[tilespmem:s2+$0x20] =	vst v3  }
0xe4: {  	v3 =	vld.idx.msk [tilespmem:v4+s25+$0x0], $0xffff;
	_ =	sdelay $0x5  }
0xe5: {  	[tilespmem:s2+$0xFFFFFFB0] =	vst v3  }
0xe6: {  	s19 =	sadd.s32 $0x40, s13;
	v3 =	vld [tilespmem:s0+$0xFFFFFFF0]  }
0xe7: {  	v4 =	vadd.s32 s19, v0;
	_ =	sdelay $0x3  }
0xe8: {  	[tilespmem:s2+$0x30] =	vst v3  }
0xe9: {  	v3 =	vld.idx.msk [tilespmem:v4+s25+$0x0], $0xffff;
	_ =	sdelay $0x5  }
0xea: {  	[tilespmem:s2+$0xFFFFFFC0] =	vst v3  }
0xeb: {  	s19 =	sadd.s32 $0x50, s13;
	v3 =	vld [tilespmem:s0+$0x0]  }
0xec: {  	v4 =	vadd.s32 s19, v0;
	_ =	sdelay $0x3  }
0xed: {  	[tilespmem:s2+$0x40] =	vst v3  }
0xee: {  	v3 =	vld.idx.msk [tilespmem:v4+s25+$0x0], $0xffff;
	_ =	sdelay $0x5  }
0xef: {  	[tilespmem:s2+$0xFFFFFFD0] =	vst v3  }
0xf0: {  	s19 =	sadd.s32 $0x60, s13;
	v3 =	vld [tilespmem:s0+$0x10]  }
0xf1: {  	v4 =	vadd.s32 s19, v0;
	_ =	sdelay $0x3  }
0xf2: {  	[tilespmem:s2+$0x50] =	vst v3  }
0xf3: {  	v3 =	vld.idx.msk [tilespmem:v4+s25+$0x0], $0xffff;
	_ =	sdelay $0x5  }
0xf4: {  	[tilespmem:s2+$0xFFFFFFE0] =	vst v3  }
0xf5: {  	s13 =	sadd.s32 $0x70, s13;
	v3 =	vld [tilespmem:s0+$0x20]  }
0xf6: {  	v4 =	vadd.s32 s13, v0;
	_ =	sdelay $0x3  }
0xf7: {  	[tilespmem:s2+$0x60] =	vst v3  }
0xf8: {  	v3 =	vld.idx.msk [tilespmem:v4+s25+$0x0], $0xffff;
	_ =	sdelay $0x2  }
.Ltmp5:
0xf9: {  	(pc) =	sbr.rel @p1 .LBB2_8-.Ltmp5, $3  }
0xfa: {  	_ =	sdelay $0x1  }
0xfb: {  	[tilespmem:s2+$0xFFFFFFF0] =	vst v3  }
0xfc: {  	s13 =	sadd.s32 s17, s31;
	s17 =	sadd.s32 $0x80, s17;
	v3 =	vld [tilespmem:s0+$0x30]  }
0xfd: {  	v4 =	vadd.s32 s13, v0;
	_ =	sdelay $0x3  }
0xfe: {  	[tilespmem:s2+$0x70] =	vst v3  }
0xff: {  	v3 =	vld.idx.msk [tilespmem:v4+s25+$0x0], $0xffff;
	_ =	sdelay $0x3  }
0x100: {  	s2 =	sadd.s32 $0x100, s2  }
0x101: {  	s0 =	sadd.s32 $0x400, s0;
	[tilespmem:s2+$0xFFFFFF80] =	vst v3  }
0x102: {  	s17 =	sadd.s32 $0x10, s13;
	v3 =	vld [tilespmem:s0+$0xFFFFFFC0]  }
0x103: {  	v47 =	vadd.s32 s17, v0;
	_ =	sdelay $0x3  }
0x104: {  	[tilespmem:s2+$0x0] =	vst v3  }
0x105: {  	v3 =	vld.idx.msk [tilespmem:v47+s25+$0x0], $0xffff;
	_ =	sdelay $0x4  }
0x106: {  	[tilespmem:s2+$0xFFFFFF90] =	vst v3  }
0x107: {  	s19 =	sadd.s32 $0x20, s13;
	v3 =	vld [tilespmem:s0+$0xFFFFFFD0]  }
0x108: {  	v48 =	vadd.s32 s19, v0;
	_ =	sdelay $0x3  }
0x109: {  	[tilespmem:s2+$0x10] =	vst v3  }
0x10a: {  	v3 =	vld.idx.msk [tilespmem:v48+s25+$0x0], $0xffff;
	_ =	sdelay $0x4  }
0x10b: {  	[tilespmem:s2+$0xFFFFFFA0] =	vst v3  }
0x10c: {  	s19 =	sadd.s32 $0x30, s13;
	v3 =	vld [tilespmem:s0+$0xFFFFFFE0]  }
0x10d: {  	v49 =	vadd.s32 s19, v0;
	_ =	sdelay $0x3  }
0x10e: {  	[tilespmem:s2+$0x20] =	vst v3  }
0x10f: {  	v3 =	vld.idx.msk [tilespmem:v49+s25+$0x0], $0xffff;
	_ =	sdelay $0x4  }
0x110: {  	[tilespmem:s2+$0xFFFFFFB0] =	vst v3  }
0x111: {  	s19 =	sadd.s32 $0x40, s13;
	v3 =	vld [tilespmem:s0+$0xFFFFFFF0]  }
0x112: {  	v50 =	vadd.s32 s19, v0;
	_ =	sdelay $0x3  }
0x113: {  	[tilespmem:s2+$0x30] =	vst v3  }
0x114: {  	v3 =	vld.idx.msk [tilespmem:v50+s25+$0x0], $0xffff;
	_ =	sdelay $0x4  }
0x115: {  	[tilespmem:s2+$0xFFFFFFC0] =	vst v3  }
0x116: {  	s19 =	sadd.s32 $0x50, s13;
	v3 =	vld [tilespmem:s0+$0x0]  }
0x117: {  	v51 =	vadd.s32 s19, v0;
	_ =	sdelay $0x3  }
0x118: {  	[tilespmem:s2+$0x40] =	vst v3  }
0x119: {  	v3 =	vld.idx.msk [tilespmem:v51+s25+$0x0], $0xffff;
	_ =	sdelay $0x4  }
0x11a: {  	[tilespmem:s2+$0xFFFFFFD0] =	vst v3  }
0x11b: {  	s19 =	sadd.s32 $0x60, s13;
	v3 =	vld [tilespmem:s0+$0x10]  }
0x11c: {  	v52 =	vadd.s32 s19, v0;
	_ =	sdelay $0x3  }
0x11d: {  	[tilespmem:s2+$0x50] =	vst v3  }
0x11e: {  	v3 =	vld.idx.msk [tilespmem:v52+s25+$0x0], $0xffff;
	_ =	sdelay $0x4  }
0x11f: {  	[tilespmem:s2+$0xFFFFFFE0] =	vst v3  }
0x120: {  	s17 =	sadd.s32 $0x70, s13;
	v3 =	vld [tilespmem:s0+$0x20]  }
0x121: {  	v53 =	vadd.s32 s17, v0;
	_ =	sdelay $0x3  }
0x122: {  	[tilespmem:s2+$0x60] =	vst v3  }
0x123: {  	v3 =	vld.idx.msk [tilespmem:v53+s25+$0x0], $0xffff;
	_ =	sdelay $0x4  }
0x124: {  	[tilespmem:s2+$0xFFFFFFF0] =	vst v3  }
0x125: {  	s19 =	sadd.s32 $0x500, s11;
	v3 =	vld [tilespmem:s0+$0x30]  }
0x126: {  	v54 =	vadd.s32 s19, v0;
	_ =	sdelay $0x3  }
0x127: {  	[tilespmem:s2+$0x70] =	vst v3  }
0x128: {  	v3 =	vld.idx.msk [tilespmem:v54+s25+$0x0], $0xffff;
	_ =	sdelay $0x4  }
0x129: {  	[tilespmem:s22+$0x6180] =	vst v3  }
0x12a: {  	s13 =	sadd.s32 $0x510, s11;
	v3 =	vld [tilespmem:s7+$0x2800]  }
0x12b: {  	v55 =	vadd.s32 s13, v0;
	_ =	sdelay $0x3  }
0x12c: {  	[tilespmem:s22+$0x6200] =	vst v3  }
0x12d: {  	v3 =	vld.idx.msk [tilespmem:v55+s25+$0x0], $0xffff;
	_ =	sdelay $0x4  }
0x12e: {  	[tilespmem:s22+$0x6190] =	vst v3  }
0x12f: {  	s17 =	sadd.s32 $0x520, s11;
	v3 =	vld [tilespmem:s7+$0x2810]  }
0x130: {  	v56 =	vadd.s32 s17, v0;
	_ =	sdelay $0x3  }
0x131: {  	[tilespmem:s22+$0x6210] =	vst v3  }
0x132: {  	v3 =	vld.idx.msk [tilespmem:v56+s25+$0x0], $0xffff;
	_ =	sdelay $0x4  }
0x133: {  	[tilespmem:s22+$0x61A0] =	vst v3  }
0x134: {  	s19 =	sadd.s32 $0x530, s11;
	v3 =	vld [tilespmem:s7+$0x2820]  }
0x135: {  	v57 =	vadd.s32 s19, v0;
	_ =	sdelay $0x3  }
0x136: {  	[tilespmem:s22+$0x6220] =	vst v3  }
0x137: {  	v3 =	vld.idx.msk [tilespmem:v57+s25+$0x0], $0xffff;
	_ =	sdelay $0x4  }
0x138: {  	[tilespmem:s22+$0x61B0] =	vst v3  }
0x139: {  	s2 =	sadd.s32 $0x540, s11;
	v3 =	vld [tilespmem:s7+$0x2830]  }
0x13a: {  	v58 =	vadd.s32 s2, v0;
	_ =	sdelay $0x3  }
0x13b: {  	[tilespmem:s22+$0x6230] =	vst v3  }
0x13c: {  	v3 =	vld.idx.msk [tilespmem:v58+s25+$0x0], $0xffff;
	_ =	sdelay $0x4  }
0x13d: {  	[tilespmem:s22+$0x61C0] =	vst v3  }
0x13e: {  	s13 =	sadd.s32 $0x550, s11;
	v3 =	vld [tilespmem:s7+$0x2840]  }
0x13f: {  	v59 =	vadd.s32 s13, v0;
	_ =	sdelay $0x3  }
0x140: {  	[tilespmem:s22+$0x6240] =	vst v3  }
0x141: {  	v3 =	vld.idx.msk [tilespmem:v59+s25+$0x0], $0xffff;
	_ =	sdelay $0x4  }
0x142: {  	[tilespmem:s22+$0x61D0] =	vst v3  }
0x143: {  	s17 =	sadd.s32 $0x560, s11;
	s19 =	sadd.s32 $0xA60, s22;
	v3 =	vld [tilespmem:s7+$0x2850]  }
0x144: {  	v60 =	vadd.s32 s17, v0;
	v5 =	vmov s19  }
0x145: {  	v5 =	vshrl.u32 v5, $0x7  }
0x146: {  	v5 =	vshll.u32 v5, v1  }
0x147: {  	v5 =	vbroadcast v5, $0x0  }
0x148: {  	[tilespmem:s22+$0x6250] =	vst v3  }
0x149: {  	v61 =	vor.u32 v2, v5;
	s22 =	sadd.s32 $0xAE0, s22;
	v3 =	vld.idx.msk [tilespmem:v60+s25+$0x0], $0xffff  }
0x14a: {  	v62 =	vmov s22  }
0x14b: {  	v5 =	vshrl.u32 v62, $0x7  }
0x14c: {  	v5 =	vshll.u32 v5, v1  }
0x14d: {  	v5 =	vbroadcast v5, $0x0  }
0x14e: {  	s6 =	sadd.s32 $0x1, s6;
	[tilespmem:v61+s26+$0x0] =	vst.idx.msk $0x7f, v3  }
0x14f: {  	p1 =	sne.s32 s6, $0x8;
	v63 =	vor.u32 v2, v5;
	v3 =	vld [tilespmem:s7+$0x2860]  }
.Ltmp6:
0x150: {  	_ = 	snop;
	(pc) =	sbr.rel @p1 .LBB2_7-.Ltmp6, $2  }
0x151: {  	_ =	sdelay $0x2  }
0x152: {  	s31 =	sadd.s32 $0x568, s31;
	s14 =	sadd.s32 $0x80, s14;
	s16 =	sadd.s32 $0xB00, s16;
	[tilespmem:v63+s26+$0x0] =	vst.idx.msk $0x7f, v3  }
0x153: {  	s0 =	smul.u32 $0xB00, s30;
	_ =	sdelay $0x1  }
.Ltmp7:
0x154: {  	s0 =	sadd.s32 s5, s0;
	(pc) =	sbr.rel .LBB2_11-.Ltmp7, $4  }
0x155: {  	[hbm4b:s0+s23] =	stream.linear.scatter [tilespmem:s26], [sflag:$0x5], $0x5800, $0x38;
	[tilespmem:$0x1DB30] =	vst v63  }
0x156: {  	_ =	swait.ge [sflag:s28], $0x5800  }
0x157: {  	[sflag:s28] =	ssyncset.done $0x0  }
0x158: {  	[sflag:s28] =	ssyncadd.s32 $0xFFFFA800  }
.LBB2_12:
0x159: {  	[bflag:$0x0] =	sbarrier.arrive $0xFFFF;
	s0 =	simm.s32 $0x57C0;
	v0 =	vimm.f32 $0.0e+00  }
0x15a: {  	[tilespmem:s0+$0xFFFFFFC0] =	vst v0  }
0x15b: {  	[tilespmem:s0+$0x30] =	vst v0  }
0x15c: {  	[tilespmem:s0+$0x20] =	vst v0  }
0x15d: {  	[tilespmem:s0+$0x10] =	vst v0  }
0x15e: {  	[tilespmem:s0+$0x0] =	vst v0  }
0x15f: {  	[tilespmem:s0+$0xFFFFFFF0] =	vst v0  }
0x160: {  	s2 =	simm.s32 $0x0;
	[tilespmem:s0+$0xFFFFFFE0] =	vst v0  }
.LBB2_13:
0x161: {  	s2 =	sadd.s32 $0x8, s2;
	[tilespmem:s0+$0xFFFFFFD0] =	vst v0;
	s0 =	sadd.s32 $0x80, s0  }
0x162: {  	[tilespmem:s0+$0xFFFFFFC0] =	vst v0;
	p1 =	slt.u32 s2, $0x578  }
0x163: {  	[tilespmem:s0+$0x30] =	vst v0  }
.Ltmp8:
0x164: {  	[tilespmem:s0+$0x20] =	vst v0;
	(pc) =	sbr.rel @p1 .LBB2_13-.Ltmp8, $4  }
0x165: {  	[tilespmem:s0+$0x10] =	vst v0  }
0x166: {  	[tilespmem:s0+$0x0] =	vst v0  }
0x167: {  	[tilespmem:s0+$0xFFFFFFF0] =	vst v0  }
0x168: {  	[tilespmem:s0+$0xFFFFFFE0] =	vst v0  }
0x169: {  	[tilespmem:s0+$0xFFFFFFD0] =	vst v0;
	s23 =	simm.s32 $0x5780;
	s2 =	simm.s32 $0x5  }
0x16a: {  	[spmem:s12] =	stream.linear.scatter [tilespmem:s23], [sflag:$0x5], $0x5800, $0x38;
	[tilespmem:$0x1DB30] =	vst v63  }
0x16b: {  	_ =	swait.ge [sflag:s2], $0x5800  }
0x16c: {  	[sflag:s2] =	ssyncset.done $0x0  }
0x16d: {  	s6 =	rddreg [dreg:$0x8];
	[sflag:s2] =	ssyncadd.s32 $0xFFFFA800  }
0x16e: {  	[spmem:s6] =	stream.linear.scatter [tilespmem:s23], [sflag:$0x5], $0x5800, $0x38;
	[tilespmem:$0x1DB30] =	vst v63  }
0x16f: {  	p1 =	sne.s32 @p0 s1, $0xB;
	_ =	swait.ge [sflag:s2], $0x5800  }
0x170: {  	p1 =	por p1, !p0;
	[sflag:s2] =	ssyncset.done $0x0  }
0x171: {  	s0 =	simm.s32 @!p1 $0x5780;
	[sflag:s2] =	ssyncadd.s32 $0xFFFFA800;
	s2 =	rddreg [dreg:$0xb]  }
0x172: {  	[spmem:s2] =	stream.linear.scatter @!p1 [tilespmem:s0], [sflag:$0x5], $0x4AC0, $0x38;
	[tilespmem:$0x1DB30] =	vst v63  }
0x173: {  	s0 =	simm.s32 @!p1 $0x5  }
0x174: {  	_ =	swait.ge @!p1 [sflag:s0], $0x4AC0  }
0x175: {  	[sflag:s0] =	ssyncset.done @!p1 $0x0  }
0x176: {  	s2 =	rddreg [dreg:$0x7];
	[sflag:s0] =	ssyncadd.s32 @!p1 $0xFFFFB540;
	s0 =	simm.s32 @!p0 $0x5780  }
0x177: {  	[spmem:s2] =	stream.linear.scatter @!p0 [tilespmem:s0], [sflag:$0x5], $0x5800, $0x38;
	[tilespmem:$0x1DB30] =	vst v63  }
0x178: {  	s0 =	simm.s32 @!p0 $0x5  }
0x179: {  	_ =	swait.ge @!p0 [sflag:s0], $0x5800  }
0x17a: {  	[sflag:s0] =	ssyncset.done @!p0 $0x0  }
0x17b: {  	[sflag:s0] =	ssyncadd.s32 @!p0 $0xFFFFA800  }
0x17c: {  	[bflag:$0x0] =	sbarrier.arrive $0xFFFF  }
0x17d: {  	s2 =	simm.s32 $0xAF80;
	s0 =	simm.s32 $0x0;
	s24 =	rddreg [dreg:$0xd]  }
0x17e: {  	[tilespmem:s2], [sflag:$0x1] =	stream.linear.gather [hbm4b:s24+s0], $0x1000, $0x38;
	[tilespmem:$0x1DB30] =	vst v63  }
0x17f: {  	s6 =	simm.s32 $0xCF80;
	s7 =	rddreg [dreg:$0x9]  }
0x180: {  	[tilespmem:s6], [sflag:$0x1] =	stream.linear.gather [hbm4b:s7+s0], $0x1000, $0x38;
	[tilespmem:$0x1DB30] =	vst v63  }
0x181: {  	s11 =	sadd.s32 s8, s15;
	s7 =	simm.s32 $0xBF80  }
0x182: {  	[tilespmem:s7], [sflag:$0x2] =	stream.linear.gather [hbm4b:s11+s0], $0x1000, $0x38;
	[tilespmem:$0x1DB30] =	vst v63  }
0x183: {  	s12 =	simm.s32 $0x1;
	s25 =	rddreg [dreg:$0xa];
	s11 =	simm.s32 $0xDF80  }
0x184: {  	[tilespmem:s11], [sflag:$0x2] =	stream.linear.gather [hbm4b:s25+s0], $0x1000, $0x38;
	[tilespmem:$0x1DB30] =	vst v63  }
0x185: {  	_ =	swait.ge [sflag:s12], $0x1000  }
0x186: {  	[sflag:s12] =	ssyncset.done $0x0  }
0x187: {  	[sflag:s12] =	ssyncadd.s32 $0xFFFFF000  }
0x188: {  	_ =	swait.ge [sflag:s12], $0x1000  }
0x189: {  	[sflag:s12] =	ssyncset.done $0x0  }
0x18a: {  	s13 =	simm.s32 $0x1000;
	s14 =	simm.s32 $0x3;
	[sflag:s12] =	ssyncadd.s32 $0xFFFFF000  }
0x18b: {  	[spmem:s4] =	stream.indirect.scatter [tilespmem:s6], [sflag:$0x3], $0x1, s2, s13, $0xb8;
	[tilespmem:$0x1DB30] =	vst v63  }
0x18c: {  	_ =	swait.ge [sflag:s14], $0x1000  }
0x18d: {  	[sflag:s14] =	ssyncset.done $0x0  }
0x18e: {  	s26 =	sadd.s32 s8, s18;
	[sflag:s14] =	ssyncadd.s32 $0xFFFFF000  }
0x18f: {  	[tilespmem:s2], [sflag:$0x1] =	stream.linear.gather [hbm4b:s26+s0], $0x1000, $0x38;
	[tilespmem:$0x1DB30] =	vst v63  }
0x190: {  	s15 =	simm.s32 $0x2;
	s28 =	rddreg [dreg:$0xc]  }
0x191: {  	[tilespmem:s6], [sflag:$0x1] =	stream.linear.gather [hbm4b:s28+s0], $0x1000, $0x38;
	[tilespmem:$0x1DB30] =	vst v63  }
0x192: {  	_ =	swait.ge [sflag:s15], $0x1000  }
0x193: {  	[sflag:s15] =	ssyncset.done $0x0  }
0x194: {  	[sflag:s15] =	ssyncadd.s32 $0xFFFFF000  }
0x195: {  	_ =	swait.ge [sflag:s15], $0x1000  }
0x196: {  	[sflag:s15] =	ssyncset.done $0x0  }
0x197: {  	s16 =	simm.s32 $0x4;
	[sflag:s15] =	ssyncadd.s32 $0xFFFFF000  }
0x198: {  	[spmem:s4] =	stream.indirect.scatter [tilespmem:s11], [sflag:$0x4], $0x1, s7, s13, $0xb8;
	[tilespmem:$0x1DB30] =	vst v63  }
0x199: {  	s10 =	sadd.s32 s10, s8;
	_ =	swait.ge [sflag:s16], $0x1000  }
0x19a: {  	s17 =	sadd.s32 $0xFFFFE800, s10;
	[sflag:s16] =	ssyncset.done $0x0  }
0x19b: {  	s19 =	sadd.s32 $0xFFFFE800, s9;
	s29 =	sadd.s32 $0x1E00, s17;
	[sflag:s16] =	ssyncadd.s32 $0xFFFFF000  }
0x19c: {  	[tilespmem:s7], [sflag:$0x2] =	stream.linear.gather [hbm4b:s29+s0], $0x1000, $0x38;
	[tilespmem:$0x1DB30] =	vst v63  }
0x19d: {  	s30 =	sadd.s32 $0x1E00, s19  }
0x19e: {  	[tilespmem:s11], [sflag:$0x2] =	stream.linear.gather [hbm4b:s30+s0], $0x1000, $0x38;
	[tilespmem:$0x1DB30] =	vst v63  }
0x19f: {  	_ =	swait.ge [sflag:s12], $0x1000  }
0x1a0: {  	[sflag:s12] =	ssyncset.done $0x0  }
0x1a1: {  	[sflag:s12] =	ssyncadd.s32 $0xFFFFF000  }
0x1a2: {  	_ =	swait.ge [sflag:s12], $0x1000  }
0x1a3: {  	[sflag:s12] =	ssyncset.done $0x0  }
0x1a4: {  	[sflag:s12] =	ssyncadd.s32 $0xFFFFF000  }
0x1a5: {  	[spmem:s4] =	stream.indirect.scatter [tilespmem:s6], [sflag:$0x3], $0x1, s2, s13, $0xb8;
	[tilespmem:$0x1DB30] =	vst v63  }
0x1a6: {  	_ =	swait.ge [sflag:s14], $0x1000  }
0x1a7: {  	[sflag:s14] =	ssyncset.done $0x0  }
0x1a8: {  	s17 =	sadd.s32 $0x2000, s17;
	[sflag:s14] =	ssyncadd.s32 $0xFFFFF000  }
0x1a9: {  	[tilespmem:s2], [sflag:$0x1] =	stream.linear.gather [hbm4b:s17+s0], $0x1000, $0x38;
	[tilespmem:$0x1DB30] =	vst v63  }
0x1aa: {  	s31 =	sadd.s32 $0x2000, s19  }
0x1ab: {  	[tilespmem:s6], [sflag:$0x1] =	stream.linear.gather [hbm4b:s31+s0], $0x1000, $0x38;
	[tilespmem:$0x1DB30] =	vst v63  }
0x1ac: {  	_ =	swait.ge [sflag:s15], $0x1000  }
0x1ad: {  	[sflag:s15] =	ssyncset.done $0x0  }
0x1ae: {  	[sflag:s15] =	ssyncadd.s32 $0xFFFFF000  }
0x1af: {  	_ =	swait.ge [sflag:s15], $0x1000  }
0x1b0: {  	[sflag:s15] =	ssyncset.done $0x0  }
0x1b1: {  	s17 =	simm.s32 $0xFFFFEC00;
	[sflag:s15] =	ssyncadd.s32 $0xFFFFF000  }
.LBB2_15:
0x1b2: {  	[spmem:s4] =	stream.indirect.scatter [tilespmem:s11], [sflag:$0x4], $0x1, s7, s13, $0xb8;
	[tilespmem:$0x1DB30] =	vst v63  }
0x1b3: {  	s18 =	smov.u32 s17  }
0x1b4: {  	p0 =	sne.s32 s17, $0xFFFFFC00;
	s17 =	sadd.s32 $0x400, s17;
	_ =	swait.ge [sflag:s16], $0x1000  }
0x1b5: {  	s19 =	sadd.s32 s18, s10;
	[sflag:s16] =	ssyncset.done $0x0  }
0x1b6: {  	s18 =	sadd.s32 s18, s9;
	s22 =	sadd.s32 $0x1E00, s19;
	[sflag:s16] =	ssyncadd.s32 $0xFFFFF000  }
0x1b7: {  	[tilespmem:s7], [sflag:$0x2] =	stream.linear.gather [hbm4b:s22+s0], $0x1000, $0x38;
	[tilespmem:$0x1DB30] =	vst v63  }
0x1b8: {  	s22 =	sadd.s32 $0x1E00, s18  }
0x1b9: {  	[tilespmem:s11], [sflag:$0x2] =	stream.linear.gather [hbm4b:s22+s0], $0x1000, $0x38;
	[tilespmem:$0x1DB30] =	vst v63  }
0x1ba: {  	_ =	swait.ge [sflag:s12], $0x1000  }
0x1bb: {  	[sflag:s12] =	ssyncset.done $0x0  }
0x1bc: {  	[sflag:s12] =	ssyncadd.s32 $0xFFFFF000  }
0x1bd: {  	_ =	swait.ge [sflag:s12], $0x1000  }
0x1be: {  	[sflag:s12] =	ssyncset.done $0x0  }
0x1bf: {  	[sflag:s12] =	ssyncadd.s32 $0xFFFFF000  }
0x1c0: {  	[spmem:s4] =	stream.indirect.scatter [tilespmem:s6], [sflag:$0x3], $0x1, s2, s13, $0xb8;
	[tilespmem:$0x1DB30] =	vst v63  }
0x1c1: {  	_ =	swait.ge [sflag:s14], $0x1000  }
0x1c2: {  	[sflag:s14] =	ssyncset.done $0x0  }
0x1c3: {  	s19 =	sadd.s32 $0x2000, s19;
	[sflag:s14] =	ssyncadd.s32 $0xFFFFF000  }
0x1c4: {  	[tilespmem:s2], [sflag:$0x1] =	stream.linear.gather [hbm4b:s19+s0], $0x1000, $0x38;
	[tilespmem:$0x1DB30] =	vst v63  }
0x1c5: {  	s18 =	sadd.s32 $0x2000, s18  }
0x1c6: {  	[tilespmem:s6], [sflag:$0x1] =	stream.linear.gather [hbm4b:s18+s0], $0x1000, $0x38;
	[tilespmem:$0x1DB30] =	vst v63  }
0x1c7: {  	_ =	swait.ge [sflag:s15], $0x1000  }
.Ltmp9:
0x1c8: {  	[sflag:s15] =	ssyncset.done $0x0;
	(pc) =	sbr.rel @p0 .LBB2_15-.Ltmp9, $4  }
0x1c9: {  	[sflag:s15] =	ssyncadd.s32 $0xFFFFF000  }
0x1ca: {  	_ =	swait.ge [sflag:s15], $0x1000  }
0x1cb: {  	[sflag:s15] =	ssyncset.done $0x0  }
0x1cc: {  	[sflag:s15] =	ssyncadd.s32 $0xFFFFF000  }
0x1cd: {  	[spmem:s4] =	stream.indirect.scatter [tilespmem:s11], [sflag:$0x4], $0x1, s7, s13, $0xb8;
	[tilespmem:$0x1DB30] =	vst v63  }
0x1ce: {  	s0 =	simm.s32 $0x4  }
0x1cf: {  	_ =	swait.ge [sflag:s0], $0x1000  }
0x1d0: {  	s2 =	sadd.s32 s8, s20;
	[sflag:s0] =	ssyncset.done $0x0  }
0x1d1: {  	s8 =	simm.s32 $0x0;
	s6 =	simm.s32 $0xBF80;
	[sflag:s0] =	ssyncadd.s32 $0xFFFFF000  }
0x1d2: {  	[tilespmem:s6], [sflag:$0x2] =	stream.linear.gather [hbm4b:s2+s8], $0x1000, $0x38;
	[tilespmem:$0x1DB30] =	vst v63  }
0x1d3: {  	s26 =	simm.s32 $0xDF80;
	s28 =	simm.s32 $0x1  }
0x1d4: {  	[tilespmem:s26], [sflag:$0x2] =	stream.linear.gather [hbm4b:s21+s8], $0x1000, $0x38;
	[tilespmem:$0x1DB30] =	vst v63  }
0x1d5: {  	_ =	swait.ge [sflag:s28], $0x1000  }
0x1d6: {  	[sflag:s28] =	ssyncset.done $0x0  }
0x1d7: {  	[sflag:s28] =	ssyncadd.s32 $0xFFFFF000  }
0x1d8: {  	_ =	swait.ge [sflag:s28], $0x1000  }
0x1d9: {  	s29 =	simm.s32 $0x1000;
	s9 =	simm.s32 $0xAF80;
	[sflag:s28] =	ssyncset.done $0x0  }
0x1da: {  	s10 =	simm.s32 $0xCF80;
	s30 =	simm.s32 $0x2;
	[sflag:s28] =	ssyncadd.s32 $0xFFFFF000  }
0x1db: {  	[spmem:s4] =	stream.indirect.scatter [tilespmem:s10], [sflag:$0x3], $0x1, s9, s29, $0xb8;
	[tilespmem:$0x1DB30] =	vst v63  }
0x1dc: {  	_ =	swait.ge [sflag:s30], $0x1000  }
0x1dd: {  	[sflag:s30] =	ssyncset.done $0x0  }
0x1de: {  	[sflag:s30] =	ssyncadd.s32 $0xFFFFF000  }
0x1df: {  	_ =	swait.ge [sflag:s30], $0x1000  }
0x1e0: {  	[sflag:s30] =	ssyncset.done $0x0  }
0x1e1: {  	s31 =	simm.s32 $0x3;
	[sflag:s30] =	ssyncadd.s32 $0xFFFFF000  }
0x1e2: {  	[spmem:s4] =	stream.indirect.scatter [tilespmem:s26], [sflag:$0x4], $0x1, s6, s29, $0xb8;
	[tilespmem:$0x1DB30] =	vst v63  }
0x1e3: {  	_ =	swait.ge [sflag:s31], $0x1000  }
0x1e4: {  	[sflag:s31] =	ssyncset.done $0x0  }
0x1e5: {  	[sflag:s31] =	ssyncadd.s32 $0xFFFFF000  }
.Ltmp10:
0x1e6: {  	_ =	swait.ge [sflag:s0], $0x1000;
	(pc) =	sbr.rel .LBB2_17-.Ltmp10, $4  }
0x1e7: {  	[sflag:s0] =	ssyncset.done $0x0  }
0x1e8: {  	[sflag:s0] =	ssyncadd.s32 $0xFFFFF000  }
0x1e9: {  	v0 =	vlaneseq.u32;
	v1 =	vimm.s32 $0x0;
	s11 =	simm.s32 $0x5780;
	s12 =	simm.s32 $0x5;
	[bflag:$0x0] =	sbarrier.arrive $0xFFFF  }
0x1ea: {  	s13 =	simm.s32 $0x0;
	v1 =	vsel vm0, $0x7, v1;
	v2 =	vor.u32 $0x60, v0;
	s9 =	simm.s32 $0x6;
	s10 =	simm.s32 $0x2C00  }
.LBB2_23:
0x1eb: {  	s13 =	sadd.s32 $0x1, s13  }
0x1ec: {  	p0 =	sne.s32 s13, $0x6  }
.Ltmp11:
0x1ed: {  	_ = 	snop;
	(pc) =	sbr.rel @!p0 .LBB2_24-.Ltmp11, $1  }
0x1ee: {  	_ =	sdelay $0x3  }
.LBB2_17:
0x1ef: {  	s0 =	sshll.u32 s13, $0x4  }
0x1f0: {  	s14 =	sor.u32 s1, s0  }
0x1f1: {  	p0 =	sgt.u32 s14, $0x54  }
.Ltmp12:
0x1f2: {  	_ = 	snop;
	(pc) =	sbr.rel @p0 .LBB2_23-.Ltmp12, $1  }
0x1f3: {  	_ =	sdelay $0x3  }
0x1f4: {  	s0 =	smul.u32 $0x2C00, s14;
	_ =	sdelay $0x1  }
0x1f5: {  	s0 =	sshrl.u32 s0, $0x3  }
0x1f6: {  	s0 =	sadd.s32 s3, s0  }
0x1f7: {  	s15 =	simm.s32 $0x0;
	s31 =	smul.u32 $0xAD00, s14;
	s0 =	sadd.s32 $0x1DE80, s0  }
0x1f8: {  	[tilespmem:s15], [sflag:$0x6] =	stream.linear.gather [hbm4b:s0+s15], $0x2C00, $0x38;
	[tilespmem:$0x1DB30] =	vst v63  }
0x1f9: {  	_ =	swait.ge [sflag:s9], $0x2C00  }
0x1fa: {  	s0 =	sshra.s32 s31, $0x2;
	[sflag:s9] =	ssyncset.done $0x0  }
0x1fb: {  	s0 =	sadd.s32 s0, s4;
	[sflag:s9] =	ssyncadd.s32 $0xFFFFD400  }
0x1fc: {  	[tilespmem:s10], [sflag:$0x6] =	stream.linear.gather [spmem:s0], $0x2B40, $0x38;
	[tilespmem:$0x1DB30] =	vst v63  }
0x1fd: {  	_ =	swait.ge [sflag:s9], $0x2B40  }
0x1fe: {  	s2 =	simm.s32 $0x5800;
	[sflag:s9] =	ssyncset.done $0x0  }
0x1ff: {  	s6 =	simm.s32 $0x0;
	s0 =	simm.s32 $0x40;
	[sflag:s9] =	ssyncadd.s32 $0xFFFFD4C0  }
.LBB2_19:
0x200: {  	s7 =	sadd.s32 $0x0, s15  }
0x201: {  	v3 =	vadd.s32 s7, v0;
	_ =	sdelay $0x4  }
0x202: {  	v3 =	vld.idx.msk [tilespmem:v3+s10+$0x0], $0xffff;
	_ =	sdelay $0x4  }
0x203: {  	[tilespmem:s2+$0xFFFFFF80] =	vst v3  }
0x204: {  	s16 =	sadd.s32 $0x10, s7;
	v3 =	vld [tilespmem:s0+$0xFFFFFFC0]  }
0x205: {  	v4 =	vadd.s32 s16, v0;
	_ =	sdelay $0x3  }
0x206: {  	[tilespmem:s2+$0x0] =	vst v3  }
0x207: {  	v3 =	vld.idx.msk [tilespmem:v4+s10+$0x0], $0xffff;
	_ =	sdelay $0x4  }
0x208: {  	[tilespmem:s2+$0xFFFFFF90] =	vst v3  }
0x209: {  	s25 =	sadd.s32 $0x20, s7;
	v3 =	vld [tilespmem:s0+$0xFFFFFFD0]  }
0x20a: {  	v4 =	vadd.s32 s25, v0;
	_ =	sdelay $0x3  }
0x20b: {  	[tilespmem:s2+$0x10] =	vst v3  }
0x20c: {  	v3 =	vld.idx.msk [tilespmem:v4+s10+$0x0], $0xffff;
	_ =	sdelay $0x4  }
0x20d: {  	[tilespmem:s2+$0xFFFFFFA0] =	vst v3  }
0x20e: {  	s26 =	sadd.s32 $0x30, s7;
	v3 =	vld [tilespmem:s0+$0xFFFFFFE0]  }
0x20f: {  	v4 =	vadd.s32 s26, v0;
	_ =	sdelay $0x3  }
0x210: {  	[tilespmem:s2+$0x20] =	vst v3  }
0x211: {  	v3 =	vld.idx.msk [tilespmem:v4+s10+$0x0], $0xffff;
	_ =	sdelay $0x4  }
0x212: {  	[tilespmem:s2+$0xFFFFFFB0] =	vst v3  }
0x213: {  	s28 =	sadd.s32 $0x40, s7;
	v3 =	vld [tilespmem:s0+$0xFFFFFFF0]  }
0x214: {  	v4 =	vadd.s32 s28, v0;
	_ =	sdelay $0x3  }
0x215: {  	[tilespmem:s2+$0x30] =	vst v3  }
0x216: {  	v3 =	vld.idx.msk [tilespmem:v4+s10+$0x0], $0xffff;
	_ =	sdelay $0x4  }
0x217: {  	[tilespmem:s2+$0xFFFFFFC0] =	vst v3  }
0x218: {  	s29 =	sadd.s32 $0x50, s7;
	v3 =	vld [tilespmem:s0+$0x0]  }
0x219: {  	v4 =	vadd.s32 s29, v0;
	_ =	sdelay $0x3  }
0x21a: {  	[tilespmem:s2+$0x40] =	vst v3  }
0x21b: {  	v3 =	vld.idx.msk [tilespmem:v4+s10+$0x0], $0xffff;
	_ =	sdelay $0x4  }
0x21c: {  	[tilespmem:s2+$0xFFFFFFD0] =	vst v3  }
0x21d: {  	s30 =	sadd.s32 $0x60, s7;
	v3 =	vld [tilespmem:s0+$0x10]  }
0x21e: {  	v4 =	vadd.s32 s30, v0;
	_ =	sdelay $0x3  }
0x21f: {  	[tilespmem:s2+$0x50] =	vst v3  }
0x220: {  	v3 =	vld.idx.msk [tilespmem:v4+s10+$0x0], $0xffff;
	_ =	sdelay $0x4  }
0x221: {  	[tilespmem:s2+$0xFFFFFFE0] =	vst v3  }
0x222: {  	s7 =	sadd.s32 $0x70, s7;
	v3 =	vld [tilespmem:s0+$0x20]  }
0x223: {  	v4 =	vadd.s32 s7, v0;
	_ =	sdelay $0x3  }
0x224: {  	[tilespmem:s2+$0x60] =	vst v3  }
0x225: {  	v3 =	vld.idx.msk [tilespmem:v4+s10+$0x0], $0xffff;
	_ =	sdelay $0x3  }
0x226: {  	s17 =	smul.u32 $0x568, s6;
	s31 =	sshll.u32 s6, $0x7  }
0x227: {  	s18 =	sadd.s32 $0x80, s15;
	s21 =	simm.s32 $0x100;
	s20 =	smov.u32 s2;
	[tilespmem:s2+$0xFFFFFFF0] =	vst v3  }
0x228: {  	s19 =	smov.u32 s0;
	s16 =	smul.u32 $0xB00, s6;
	s7 =	sand.u32 $0x3FFFFF80, s31;
	v3 =	vld [tilespmem:s0+$0x30]  }
.LBB2_20:
0x229: {  	p0 =	sne.s32 s21, $0x480;
	v4 =	vadd.s32 s18, v0;
	_ =	sdelay $0x3  }
0x22a: {  	[tilespmem:s20+$0x70] =	vst v3  }
0x22b: {  	v3 =	vld.idx.msk [tilespmem:v4+s10+$0x0], $0xffff;
	_ =	sdelay $0x4  }
0x22c: {  	s20 =	sadd.s32 $0x100, s20  }
0x22d: {  	s19 =	sadd.s32 $0x400, s19;
	[tilespmem:s20+$0xFFFFFF80] =	vst v3  }
0x22e: {  	s22 =	sadd.s32 $0x10, s18;
	v3 =	vld [tilespmem:s19+$0xFFFFFFC0]  }
0x22f: {  	v4 =	vadd.s32 s22, v0;
	_ =	sdelay $0x3  }
0x230: {  	[tilespmem:s20+$0x0] =	vst v3  }
0x231: {  	v3 =	vld.idx.msk [tilespmem:v4+s10+$0x0], $0xffff;
	_ =	sdelay $0x5  }
0x232: {  	[tilespmem:s20+$0xFFFFFF90] =	vst v3  }
0x233: {  	s22 =	sadd.s32 $0x20, s18;
	v3 =	vld [tilespmem:s19+$0xFFFFFFD0]  }
0x234: {  	v4 =	vadd.s32 s22, v0;
	_ =	sdelay $0x3  }
0x235: {  	[tilespmem:s20+$0x10] =	vst v3  }
0x236: {  	v3 =	vld.idx.msk [tilespmem:v4+s10+$0x0], $0xffff;
	_ =	sdelay $0x5  }
0x237: {  	[tilespmem:s20+$0xFFFFFFA0] =	vst v3  }
0x238: {  	s22 =	sadd.s32 $0x30, s18;
	v3 =	vld [tilespmem:s19+$0xFFFFFFE0]  }
0x239: {  	v4 =	vadd.s32 s22, v0;
	_ =	sdelay $0x3  }
0x23a: {  	[tilespmem:s20+$0x20] =	vst v3  }
0x23b: {  	v3 =	vld.idx.msk [tilespmem:v4+s10+$0x0], $0xffff;
	_ =	sdelay $0x5  }
0x23c: {  	[tilespmem:s20+$0xFFFFFFB0] =	vst v3  }
0x23d: {  	s22 =	sadd.s32 $0x40, s18;
	v3 =	vld [tilespmem:s19+$0xFFFFFFF0]  }
0x23e: {  	v4 =	vadd.s32 s22, v0;
	_ =	sdelay $0x3  }
0x23f: {  	[tilespmem:s20+$0x30] =	vst v3  }
0x240: {  	v3 =	vld.idx.msk [tilespmem:v4+s10+$0x0], $0xffff;
	_ =	sdelay $0x5  }
0x241: {  	[tilespmem:s20+$0xFFFFFFC0] =	vst v3  }
0x242: {  	s22 =	sadd.s32 $0x50, s18;
	v3 =	vld [tilespmem:s19+$0x0]  }
0x243: {  	v4 =	vadd.s32 s22, v0;
	_ =	sdelay $0x3  }
0x244: {  	[tilespmem:s20+$0x40] =	vst v3  }
0x245: {  	v3 =	vld.idx.msk [tilespmem:v4+s10+$0x0], $0xffff;
	_ =	sdelay $0x5  }
0x246: {  	[tilespmem:s20+$0xFFFFFFD0] =	vst v3  }
0x247: {  	s22 =	sadd.s32 $0x60, s18;
	v3 =	vld [tilespmem:s19+$0x10]  }
0x248: {  	v4 =	vadd.s32 s22, v0;
	_ =	sdelay $0x3  }
0x249: {  	[tilespmem:s20+$0x50] =	vst v3  }
0x24a: {  	v3 =	vld.idx.msk [tilespmem:v4+s10+$0x0], $0xffff;
	_ =	sdelay $0x5  }
0x24b: {  	[tilespmem:s20+$0xFFFFFFE0] =	vst v3  }
0x24c: {  	s18 =	sadd.s32 $0x70, s18;
	v3 =	vld [tilespmem:s19+$0x20]  }
0x24d: {  	v4 =	vadd.s32 s18, v0;
	_ =	sdelay $0x3  }
0x24e: {  	[tilespmem:s20+$0x60] =	vst v3  }
0x24f: {  	v3 =	vld.idx.msk [tilespmem:v4+s10+$0x0], $0xffff;
	_ =	sdelay $0x2  }
.Ltmp13:
0x250: {  	(pc) =	sbr.rel @p0 .LBB2_20-.Ltmp13, $3  }
0x251: {  	_ =	sdelay $0x1  }
0x252: {  	[tilespmem:s20+$0xFFFFFFF0] =	vst v3  }
0x253: {  	s18 =	sadd.s32 s21, s15;
	s21 =	sadd.s32 $0x80, s21;
	v3 =	vld [tilespmem:s19+$0x30]  }
0x254: {  	v4 =	vadd.s32 s18, v0;
	_ =	sdelay $0x3  }
0x255: {  	[tilespmem:s20+$0x70] =	vst v3  }
0x256: {  	v3 =	vld.idx.msk [tilespmem:v4+s10+$0x0], $0xffff;
	_ =	sdelay $0x3  }
0x257: {  	s25 =	sadd.s32 $0x100, s20  }
0x258: {  	s19 =	sadd.s32 $0x400, s19;
	[tilespmem:s25+$0xFFFFFF80] =	vst v3  }
0x259: {  	s21 =	sadd.s32 $0x10, s18;
	v3 =	vld [tilespmem:s19+$0xFFFFFFC0]  }
0x25a: {  	v47 =	vadd.s32 s21, v0;
	_ =	sdelay $0x3  }
0x25b: {  	[tilespmem:s25+$0x0] =	vst v3  }
0x25c: {  	v3 =	vld.idx.msk [tilespmem:v47+s10+$0x0], $0xffff;
	_ =	sdelay $0x4  }
0x25d: {  	[tilespmem:s25+$0xFFFFFF90] =	vst v3  }
0x25e: {  	s26 =	sadd.s32 $0x20, s18;
	v3 =	vld [tilespmem:s19+$0xFFFFFFD0]  }
0x25f: {  	v48 =	vadd.s32 s26, v0;
	_ =	sdelay $0x3  }
0x260: {  	[tilespmem:s25+$0x10] =	vst v3  }
0x261: {  	v3 =	vld.idx.msk [tilespmem:v48+s10+$0x0], $0xffff;
	_ =	sdelay $0x4  }
0x262: {  	[tilespmem:s25+$0xFFFFFFA0] =	vst v3  }
0x263: {  	s28 =	sadd.s32 $0x30, s18;
	v3 =	vld [tilespmem:s19+$0xFFFFFFE0]  }
0x264: {  	v49 =	vadd.s32 s28, v0;
	_ =	sdelay $0x3  }
0x265: {  	[tilespmem:s25+$0x20] =	vst v3  }
0x266: {  	v3 =	vld.idx.msk [tilespmem:v49+s10+$0x0], $0xffff;
	_ =	sdelay $0x4  }
0x267: {  	[tilespmem:s25+$0xFFFFFFB0] =	vst v3  }
0x268: {  	s29 =	sadd.s32 $0x40, s18;
	v3 =	vld [tilespmem:s19+$0xFFFFFFF0]  }
0x269: {  	v50 =	vadd.s32 s29, v0;
	_ =	sdelay $0x3  }
0x26a: {  	[tilespmem:s25+$0x30] =	vst v3  }
0x26b: {  	v3 =	vld.idx.msk [tilespmem:v50+s10+$0x0], $0xffff;
	_ =	sdelay $0x4  }
0x26c: {  	[tilespmem:s25+$0xFFFFFFC0] =	vst v3  }
0x26d: {  	s30 =	sadd.s32 $0x50, s18;
	v3 =	vld [tilespmem:s19+$0x0]  }
0x26e: {  	v51 =	vadd.s32 s30, v0;
	_ =	sdelay $0x3  }
0x26f: {  	[tilespmem:s25+$0x40] =	vst v3  }
0x270: {  	v3 =	vld.idx.msk [tilespmem:v51+s10+$0x0], $0xffff;
	_ =	sdelay $0x4  }
0x271: {  	[tilespmem:s25+$0xFFFFFFD0] =	vst v3  }
0x272: {  	s31 =	sadd.s32 $0x60, s18;
	v3 =	vld [tilespmem:s19+$0x10]  }
0x273: {  	v52 =	vadd.s32 s31, v0;
	_ =	sdelay $0x3  }
0x274: {  	[tilespmem:s25+$0x50] =	vst v3  }
0x275: {  	v3 =	vld.idx.msk [tilespmem:v52+s10+$0x0], $0xffff;
	_ =	sdelay $0x4  }
0x276: {  	[tilespmem:s25+$0xFFFFFFE0] =	vst v3  }
0x277: {  	s21 =	sadd.s32 $0x70, s18;
	v3 =	vld [tilespmem:s19+$0x20]  }
0x278: {  	v53 =	vadd.s32 s21, v0;
	_ =	sdelay $0x3  }
0x279: {  	[tilespmem:s25+$0x60] =	vst v3  }
0x27a: {  	v3 =	vld.idx.msk [tilespmem:v53+s10+$0x0], $0xffff;
	_ =	sdelay $0x4  }
0x27b: {  	[tilespmem:s25+$0xFFFFFFF0] =	vst v3  }
0x27c: {  	s22 =	sadd.s32 $0x500, s17;
	v3 =	vld [tilespmem:s19+$0x30]  }
0x27d: {  	v54 =	vadd.s32 s22, v0;
	_ =	sdelay $0x3  }
0x27e: {  	[tilespmem:s25+$0x70] =	vst v3  }
0x27f: {  	v3 =	vld.idx.msk [tilespmem:v54+s10+$0x0], $0xffff;
	_ =	sdelay $0x4  }
0x280: {  	[tilespmem:s16+$0x6180] =	vst v3  }
0x281: {  	s23 =	sadd.s32 $0x510, s17;
	v3 =	vld [tilespmem:s7+$0x2800]  }
0x282: {  	v55 =	vadd.s32 s23, v0;
	_ =	sdelay $0x3  }
0x283: {  	[tilespmem:s16+$0x6200] =	vst v3  }
0x284: {  	v3 =	vld.idx.msk [tilespmem:v55+s10+$0x0], $0xffff;
	_ =	sdelay $0x4  }
0x285: {  	[tilespmem:s16+$0x6190] =	vst v3  }
0x286: {  	s24 =	sadd.s32 $0x520, s17;
	v3 =	vld [tilespmem:s7+$0x2810]  }
0x287: {  	v56 =	vadd.s32 s24, v0;
	_ =	sdelay $0x3  }
0x288: {  	[tilespmem:s16+$0x6210] =	vst v3  }
0x289: {  	v3 =	vld.idx.msk [tilespmem:v56+s10+$0x0], $0xffff;
	_ =	sdelay $0x4  }
0x28a: {  	[tilespmem:s16+$0x61A0] =	vst v3  }
0x28b: {  	s25 =	sadd.s32 $0x530, s17;
	v3 =	vld [tilespmem:s7+$0x2820]  }
0x28c: {  	v57 =	vadd.s32 s25, v0;
	_ =	sdelay $0x3  }
0x28d: {  	[tilespmem:s16+$0x6220] =	vst v3  }
0x28e: {  	v3 =	vld.idx.msk [tilespmem:v57+s10+$0x0], $0xffff;
	_ =	sdelay $0x4  }
0x28f: {  	[tilespmem:s16+$0x61B0] =	vst v3  }
0x290: {  	s26 =	sadd.s32 $0x540, s17;
	v3 =	vld [tilespmem:s7+$0x2830]  }
0x291: {  	v58 =	vadd.s32 s26, v0;
	_ =	sdelay $0x3  }
0x292: {  	[tilespmem:s16+$0x6230] =	vst v3  }
0x293: {  	v3 =	vld.idx.msk [tilespmem:v58+s10+$0x0], $0xffff;
	_ =	sdelay $0x4  }
0x294: {  	[tilespmem:s16+$0x61C0] =	vst v3  }
0x295: {  	s28 =	sadd.s32 $0x550, s17;
	v3 =	vld [tilespmem:s7+$0x2840]  }
0x296: {  	v59 =	vadd.s32 s28, v0;
	_ =	sdelay $0x3  }
0x297: {  	[tilespmem:s16+$0x6240] =	vst v3  }
0x298: {  	v3 =	vld.idx.msk [tilespmem:v59+s10+$0x0], $0xffff;
	_ =	sdelay $0x4  }
0x299: {  	[tilespmem:s16+$0x61D0] =	vst v3  }
0x29a: {  	s29 =	sadd.s32 $0x560, s17;
	s30 =	sadd.s32 $0xA60, s16;
	v3 =	vld [tilespmem:s7+$0x2850]  }
0x29b: {  	v60 =	vadd.s32 s29, v0;
	v5 =	vmov s30  }
0x29c: {  	v5 =	vshrl.u32 v5, $0x7  }
0x29d: {  	v5 =	vshll.u32 v5, v1  }
0x29e: {  	v5 =	vbroadcast v5, $0x0  }
0x29f: {  	[tilespmem:s16+$0x6250] =	vst v3  }
0x2a0: {  	s31 =	sadd.s32 $0xAE0, s16;
	v61 =	vor.u32 v2, v5;
	v3 =	vld.idx.msk [tilespmem:v60+s10+$0x0], $0xffff  }
0x2a1: {  	v62 =	vmov s31  }
0x2a2: {  	v5 =	vshrl.u32 v62, $0x7  }
0x2a3: {  	v5 =	vshll.u32 v5, v1  }
0x2a4: {  	v5 =	vbroadcast v5, $0x0  }
0x2a5: {  	s6 =	sadd.s32 $0x1, s6;
	[tilespmem:v61+s11+$0x0] =	vst.idx.msk $0x7f, v3  }
0x2a6: {  	p0 =	sne.s32 s6, $0x8;
	v63 =	vor.u32 v2, v5;
	v3 =	vld [tilespmem:s7+$0x2860]  }
.Ltmp14:
0x2a7: {  	_ = 	snop;
	(pc) =	sbr.rel @p0 .LBB2_19-.Ltmp14, $2  }
0x2a8: {  	_ =	sdelay $0x2  }
0x2a9: {  	s15 =	sadd.s32 $0x568, s15;
	s0 =	sadd.s32 $0x80, s0;
	s2 =	sadd.s32 $0xB00, s2;
	[tilespmem:v63+s11+$0x0] =	vst.idx.msk $0x7f, v3  }
0x2aa: {  	s0 =	smul.u32 $0x5800, s14;
	_ =	sdelay $0x1  }
0x2ab: {  	s0 =	sshrl.u32 s0, $0x3  }
0x2ac: {  	s0 =	sadd.s32 s5, s0  }
.Ltmp15:
0x2ad: {  	s0 =	sadd.s32 $0x3BD00, s0;
	(pc) =	sbr.rel .LBB2_23-.Ltmp15, $4  }
0x2ae: {  	[hbm4b:s0+s8] =	stream.linear.scatter [tilespmem:s11], [sflag:$0x5], $0x5800, $0x38;
	[tilespmem:$0x1DB30] =	vst v63  }
0x2af: {  	_ =	swait.ge [sflag:s12], $0x5800  }
0x2b0: {  	[sflag:s12] =	ssyncset.done $0x0  }
0x2b1: {  	[sflag:s12] =	ssyncadd.s32 $0xFFFFA800  }
.LBB2_24:
0x2b2: {  	p0 =	sne.s32 s1, $0xF  }
.Ltmp16:
0x2b3: {  	_ = 	snop;
	(pc) =	sbr.rel @p0 .LBB2_30-.Ltmp16, $1  }
0x2b4: {  	_ =	sdelay $0x3  }
0x2b5: {  	s3 =	simm.s32 $0x0;
	s0 =	rddreg [dreg:$0x6];
	s31 =	simm.s32 $0x5  }
0x2b6: {  	[tilespmem:s3], [sflag:$0x5] =	stream.linear.gather [hbm4b:s0+s3], $0x2C00, $0x38;
	[tilespmem:$0x1DB30] =	vst v63  }
0x2b7: {  	_ =	swait.ge [sflag:s31], $0x2C00  }
0x2b8: {  	[sflag:s31] =	ssyncset.done $0x0  }
0x2b9: {  	s4 =	simm.s32 $0x2C00;
	s2 =	rddreg [dreg:$0x5];
	[sflag:s31] =	ssyncadd.s32 $0xFFFFD400  }
0x2ba: {  	[tilespmem:s4], [sflag:$0x5] =	stream.linear.gather [spmem:s2], $0x25D8, $0x38;
	[tilespmem:$0x1DB30] =	vst v63  }
0x2bb: {  	_ =	swait.ge [sflag:s31], $0x25D8  }
0x2bc: {  	s5 =	simm.s32 $0x40;
	v0 =	vlaneseq.u32;
	v1 =	vimm.s32 $0x0;
	s6 =	simm.s32 $0x5800;
	[sflag:s31] =	ssyncset.done $0x0  }
0x2bd: {  	v1 =	vsel vm0, $0x7, v1;
	v2 =	vor.u32 $0x60, v0;
	s0 =	simm.s32 $0x5780;
	s2 =	simm.s32 $0x0;
	[sflag:s31] =	ssyncadd.s32 $0xFFFFDA28  }
.LBB2_26:
0x2be: {  	s7 =	sadd.s32 $0x0, s3  }
0x2bf: {  	v3 =	vadd.s32 s7, v0;
	_ =	sdelay $0x4  }
0x2c0: {  	v3 =	vld.idx.msk [tilespmem:v3+s4+$0x0], $0xffff;
	_ =	sdelay $0x4  }
0x2c1: {  	[tilespmem:s6+$0xFFFFFF80] =	vst v3  }
0x2c2: {  	s8 =	sadd.s32 $0x10, s7;
	v3 =	vld [tilespmem:s5+$0xFFFFFFC0]  }
0x2c3: {  	v4 =	vadd.s32 s8, v0;
	_ =	sdelay $0x3  }
0x2c4: {  	[tilespmem:s6+$0x0] =	vst v3  }
0x2c5: {  	v3 =	vld.idx.msk [tilespmem:v4+s4+$0x0], $0xffff;
	_ =	sdelay $0x4  }
0x2c6: {  	[tilespmem:s6+$0xFFFFFF90] =	vst v3  }
0x2c7: {  	s25 =	sadd.s32 $0x20, s7;
	v3 =	vld [tilespmem:s5+$0xFFFFFFD0]  }
0x2c8: {  	v4 =	vadd.s32 s25, v0;
	_ =	sdelay $0x3  }
0x2c9: {  	[tilespmem:s6+$0x10] =	vst v3  }
0x2ca: {  	v3 =	vld.idx.msk [tilespmem:v4+s4+$0x0], $0xffff;
	_ =	sdelay $0x4  }
0x2cb: {  	[tilespmem:s6+$0xFFFFFFA0] =	vst v3  }
0x2cc: {  	s26 =	sadd.s32 $0x30, s7;
	v3 =	vld [tilespmem:s5+$0xFFFFFFE0]  }
0x2cd: {  	v4 =	vadd.s32 s26, v0;
	_ =	sdelay $0x3  }
0x2ce: {  	[tilespmem:s6+$0x20] =	vst v3  }
0x2cf: {  	v3 =	vld.idx.msk [tilespmem:v4+s4+$0x0], $0xffff;
	_ =	sdelay $0x4  }
0x2d0: {  	[tilespmem:s6+$0xFFFFFFB0] =	vst v3  }
0x2d1: {  	s28 =	sadd.s32 $0x40, s7;
	v3 =	vld [tilespmem:s5+$0xFFFFFFF0]  }
0x2d2: {  	v4 =	vadd.s32 s28, v0;
	_ =	sdelay $0x3  }
0x2d3: {  	[tilespmem:s6+$0x30] =	vst v3  }
0x2d4: {  	v3 =	vld.idx.msk [tilespmem:v4+s4+$0x0], $0xffff;
	_ =	sdelay $0x4  }
0x2d5: {  	[tilespmem:s6+$0xFFFFFFC0] =	vst v3  }
0x2d6: {  	s29 =	sadd.s32 $0x50, s7;
	v3 =	vld [tilespmem:s5+$0x0]  }
0x2d7: {  	v4 =	vadd.s32 s29, v0;
	_ =	sdelay $0x3  }
0x2d8: {  	[tilespmem:s6+$0x40] =	vst v3  }
0x2d9: {  	v3 =	vld.idx.msk [tilespmem:v4+s4+$0x0], $0xffff;
	_ =	sdelay $0x4  }
0x2da: {  	[tilespmem:s6+$0xFFFFFFD0] =	vst v3  }
0x2db: {  	s30 =	sadd.s32 $0x60, s7;
	v3 =	vld [tilespmem:s5+$0x10]  }
0x2dc: {  	v4 =	vadd.s32 s30, v0;
	_ =	sdelay $0x3  }
0x2dd: {  	[tilespmem:s6+$0x50] =	vst v3  }
0x2de: {  	v3 =	vld.idx.msk [tilespmem:v4+s4+$0x0], $0xffff;
	_ =	sdelay $0x4  }
0x2df: {  	[tilespmem:s6+$0xFFFFFFE0] =	vst v3  }
0x2e0: {  	s7 =	sadd.s32 $0x70, s7;
	v3 =	vld [tilespmem:s5+$0x20]  }
0x2e1: {  	v4 =	vadd.s32 s7, v0;
	_ =	sdelay $0x3  }
0x2e2: {  	[tilespmem:s6+$0x60] =	vst v3  }
0x2e3: {  	v3 =	vld.idx.msk [tilespmem:v4+s4+$0x0], $0xffff;
	_ =	sdelay $0x3  }
0x2e4: {  	s9 =	smul.u32 $0x568, s2;
	s31 =	sshll.u32 s2, $0x7  }
0x2e5: {  	s10 =	sadd.s32 $0x80, s3;
	s13 =	simm.s32 $0x100;
	s12 =	smov.u32 s6;
	[tilespmem:s6+$0xFFFFFFF0] =	vst v3  }
0x2e6: {  	s11 =	smov.u32 s5;
	s8 =	smul.u32 $0xB00, s2;
	s7 =	sand.u32 $0x3FFFFF80, s31;
	v3 =	vld [tilespmem:s5+$0x30]  }
.LBB2_27:
0x2e7: {  	p0 =	sne.s32 s13, $0x480;
	v4 =	vadd.s32 s10, v0;
	_ =	sdelay $0x3  }
0x2e8: {  	[tilespmem:s12+$0x70] =	vst v3  }
0x2e9: {  	v3 =	vld.idx.msk [tilespmem:v4+s4+$0x0], $0xffff;
	_ =	sdelay $0x4  }
0x2ea: {  	s12 =	sadd.s32 $0x100, s12  }
0x2eb: {  	s11 =	sadd.s32 $0x400, s11;
	[tilespmem:s12+$0xFFFFFF80] =	vst v3  }
0x2ec: {  	s14 =	sadd.s32 $0x10, s10;
	v3 =	vld [tilespmem:s11+$0xFFFFFFC0]  }
0x2ed: {  	v4 =	vadd.s32 s14, v0;
	_ =	sdelay $0x3  }
0x2ee: {  	[tilespmem:s12+$0x0] =	vst v3  }
0x2ef: {  	v3 =	vld.idx.msk [tilespmem:v4+s4+$0x0], $0xffff;
	_ =	sdelay $0x5  }
0x2f0: {  	[tilespmem:s12+$0xFFFFFF90] =	vst v3  }
0x2f1: {  	s14 =	sadd.s32 $0x20, s10;
	v3 =	vld [tilespmem:s11+$0xFFFFFFD0]  }
0x2f2: {  	v4 =	vadd.s32 s14, v0;
	_ =	sdelay $0x3  }
0x2f3: {  	[tilespmem:s12+$0x10] =	vst v3  }
0x2f4: {  	v3 =	vld.idx.msk [tilespmem:v4+s4+$0x0], $0xffff;
	_ =	sdelay $0x5  }
0x2f5: {  	[tilespmem:s12+$0xFFFFFFA0] =	vst v3  }
0x2f6: {  	s14 =	sadd.s32 $0x30, s10;
	v3 =	vld [tilespmem:s11+$0xFFFFFFE0]  }
0x2f7: {  	v4 =	vadd.s32 s14, v0;
	_ =	sdelay $0x3  }
0x2f8: {  	[tilespmem:s12+$0x20] =	vst v3  }
0x2f9: {  	v3 =	vld.idx.msk [tilespmem:v4+s4+$0x0], $0xffff;
	_ =	sdelay $0x5  }
0x2fa: {  	[tilespmem:s12+$0xFFFFFFB0] =	vst v3  }
0x2fb: {  	s14 =	sadd.s32 $0x40, s10;
	v3 =	vld [tilespmem:s11+$0xFFFFFFF0]  }
0x2fc: {  	v4 =	vadd.s32 s14, v0;
	_ =	sdelay $0x3  }
0x2fd: {  	[tilespmem:s12+$0x30] =	vst v3  }
0x2fe: {  	v3 =	vld.idx.msk [tilespmem:v4+s4+$0x0], $0xffff;
	_ =	sdelay $0x5  }
0x2ff: {  	[tilespmem:s12+$0xFFFFFFC0] =	vst v3  }
0x300: {  	s14 =	sadd.s32 $0x50, s10;
	v3 =	vld [tilespmem:s11+$0x0]  }
0x301: {  	v4 =	vadd.s32 s14, v0;
	_ =	sdelay $0x3  }
0x302: {  	[tilespmem:s12+$0x40] =	vst v3  }
0x303: {  	v3 =	vld.idx.msk [tilespmem:v4+s4+$0x0], $0xffff;
	_ =	sdelay $0x5  }
0x304: {  	[tilespmem:s12+$0xFFFFFFD0] =	vst v3  }
0x305: {  	s14 =	sadd.s32 $0x60, s10;
	v3 =	vld [tilespmem:s11+$0x10]  }
0x306: {  	v4 =	vadd.s32 s14, v0;
	_ =	sdelay $0x3  }
0x307: {  	[tilespmem:s12+$0x50] =	vst v3  }
0x308: {  	v3 =	vld.idx.msk [tilespmem:v4+s4+$0x0], $0xffff;
	_ =	sdelay $0x5  }
0x309: {  	[tilespmem:s12+$0xFFFFFFE0] =	vst v3  }
0x30a: {  	s10 =	sadd.s32 $0x70, s10;
	v3 =	vld [tilespmem:s11+$0x20]  }
0x30b: {  	v4 =	vadd.s32 s10, v0;
	_ =	sdelay $0x3  }
0x30c: {  	[tilespmem:s12+$0x60] =	vst v3  }
0x30d: {  	v3 =	vld.idx.msk [tilespmem:v4+s4+$0x0], $0xffff;
	_ =	sdelay $0x2  }
.Ltmp17:
0x30e: {  	(pc) =	sbr.rel @p0 .LBB2_27-.Ltmp17, $3  }
0x30f: {  	_ =	sdelay $0x1  }
0x310: {  	[tilespmem:s12+$0xFFFFFFF0] =	vst v3  }
0x311: {  	s10 =	sadd.s32 s13, s3;
	s13 =	sadd.s32 $0x80, s13;
	v3 =	vld [tilespmem:s11+$0x30]  }
0x312: {  	v4 =	vadd.s32 s10, v0;
	_ =	sdelay $0x3  }
0x313: {  	[tilespmem:s12+$0x70] =	vst v3  }
0x314: {  	v3 =	vld.idx.msk [tilespmem:v4+s4+$0x0], $0xffff;
	_ =	sdelay $0x3  }
0x315: {  	s15 =	sadd.s32 $0x100, s12  }
0x316: {  	s11 =	sadd.s32 $0x400, s11;
	[tilespmem:s15+$0xFFFFFF80] =	vst v3  }
0x317: {  	s13 =	sadd.s32 $0x10, s10;
	v3 =	vld [tilespmem:s11+$0xFFFFFFC0]  }
0x318: {  	v47 =	vadd.s32 s13, v0;
	_ =	sdelay $0x3  }
0x319: {  	[tilespmem:s15+$0x0] =	vst v3  }
0x31a: {  	v3 =	vld.idx.msk [tilespmem:v47+s4+$0x0], $0xffff;
	_ =	sdelay $0x4  }
0x31b: {  	[tilespmem:s15+$0xFFFFFF90] =	vst v3  }
0x31c: {  	s16 =	sadd.s32 $0x20, s10;
	v3 =	vld [tilespmem:s11+$0xFFFFFFD0]  }
0x31d: {  	v48 =	vadd.s32 s16, v0;
	_ =	sdelay $0x3  }
0x31e: {  	[tilespmem:s15+$0x10] =	vst v3  }
0x31f: {  	v3 =	vld.idx.msk [tilespmem:v48+s4+$0x0], $0xffff;
	_ =	sdelay $0x4  }
0x320: {  	[tilespmem:s15+$0xFFFFFFA0] =	vst v3  }
0x321: {  	s17 =	sadd.s32 $0x30, s10;
	v3 =	vld [tilespmem:s11+$0xFFFFFFE0]  }
0x322: {  	v49 =	vadd.s32 s17, v0;
	_ =	sdelay $0x3  }
0x323: {  	[tilespmem:s15+$0x20] =	vst v3  }
0x324: {  	v3 =	vld.idx.msk [tilespmem:v49+s4+$0x0], $0xffff;
	_ =	sdelay $0x4  }
0x325: {  	[tilespmem:s15+$0xFFFFFFB0] =	vst v3  }
0x326: {  	s18 =	sadd.s32 $0x40, s10;
	v3 =	vld [tilespmem:s11+$0xFFFFFFF0]  }
0x327: {  	v50 =	vadd.s32 s18, v0;
	_ =	sdelay $0x3  }
0x328: {  	[tilespmem:s15+$0x30] =	vst v3  }
0x329: {  	v3 =	vld.idx.msk [tilespmem:v50+s4+$0x0], $0xffff;
	_ =	sdelay $0x4  }
0x32a: {  	[tilespmem:s15+$0xFFFFFFC0] =	vst v3  }
0x32b: {  	s19 =	sadd.s32 $0x50, s10;
	v3 =	vld [tilespmem:s11+$0x0]  }
0x32c: {  	v51 =	vadd.s32 s19, v0;
	_ =	sdelay $0x3  }
0x32d: {  	[tilespmem:s15+$0x40] =	vst v3  }
0x32e: {  	v3 =	vld.idx.msk [tilespmem:v51+s4+$0x0], $0xffff;
	_ =	sdelay $0x4  }
0x32f: {  	[tilespmem:s15+$0xFFFFFFD0] =	vst v3  }
0x330: {  	s20 =	sadd.s32 $0x60, s10;
	v3 =	vld [tilespmem:s11+$0x10]  }
0x331: {  	v52 =	vadd.s32 s20, v0;
	_ =	sdelay $0x3  }
0x332: {  	[tilespmem:s15+$0x50] =	vst v3  }
0x333: {  	v3 =	vld.idx.msk [tilespmem:v52+s4+$0x0], $0xffff;
	_ =	sdelay $0x4  }
0x334: {  	[tilespmem:s15+$0xFFFFFFE0] =	vst v3  }
0x335: {  	s21 =	sadd.s32 $0x70, s10;
	v3 =	vld [tilespmem:s11+$0x20]  }
0x336: {  	v53 =	vadd.s32 s21, v0;
	_ =	sdelay $0x3  }
0x337: {  	[tilespmem:s15+$0x60] =	vst v3  }
0x338: {  	v3 =	vld.idx.msk [tilespmem:v53+s4+$0x0], $0xffff;
	_ =	sdelay $0x4  }
0x339: {  	[tilespmem:s15+$0xFFFFFFF0] =	vst v3  }
0x33a: {  	s22 =	sadd.s32 $0x500, s9;
	v3 =	vld [tilespmem:s11+$0x30]  }
0x33b: {  	v54 =	vadd.s32 s22, v0;
	_ =	sdelay $0x3  }
0x33c: {  	[tilespmem:s15+$0x70] =	vst v3  }
0x33d: {  	v3 =	vld.idx.msk [tilespmem:v54+s4+$0x0], $0xffff;
	_ =	sdelay $0x4  }
0x33e: {  	[tilespmem:s8+$0x6180] =	vst v3  }
0x33f: {  	s23 =	sadd.s32 $0x510, s9;
	v3 =	vld [tilespmem:s7+$0x2800]  }
0x340: {  	v55 =	vadd.s32 s23, v0;
	_ =	sdelay $0x3  }
0x341: {  	[tilespmem:s8+$0x6200] =	vst v3  }
0x342: {  	v3 =	vld.idx.msk [tilespmem:v55+s4+$0x0], $0xffff;
	_ =	sdelay $0x4  }
0x343: {  	[tilespmem:s8+$0x6190] =	vst v3  }
0x344: {  	s24 =	sadd.s32 $0x520, s9;
	v3 =	vld [tilespmem:s7+$0x2810]  }
0x345: {  	v56 =	vadd.s32 s24, v0;
	_ =	sdelay $0x3  }
0x346: {  	[tilespmem:s8+$0x6210] =	vst v3  }
0x347: {  	v3 =	vld.idx.msk [tilespmem:v56+s4+$0x0], $0xffff;
	_ =	sdelay $0x4  }
0x348: {  	[tilespmem:s8+$0x61A0] =	vst v3  }
0x349: {  	s25 =	sadd.s32 $0x530, s9;
	v3 =	vld [tilespmem:s7+$0x2820]  }
0x34a: {  	v57 =	vadd.s32 s25, v0;
	_ =	sdelay $0x3  }
0x34b: {  	[tilespmem:s8+$0x6220] =	vst v3  }
0x34c: {  	v3 =	vld.idx.msk [tilespmem:v57+s4+$0x0], $0xffff;
	_ =	sdelay $0x4  }
0x34d: {  	[tilespmem:s8+$0x61B0] =	vst v3  }
0x34e: {  	s26 =	sadd.s32 $0x540, s9;
	v3 =	vld [tilespmem:s7+$0x2830]  }
0x34f: {  	v58 =	vadd.s32 s26, v0;
	_ =	sdelay $0x3  }
0x350: {  	[tilespmem:s8+$0x6230] =	vst v3  }
0x351: {  	v3 =	vld.idx.msk [tilespmem:v58+s4+$0x0], $0xffff;
	_ =	sdelay $0x4  }
0x352: {  	[tilespmem:s8+$0x61C0] =	vst v3  }
0x353: {  	s28 =	sadd.s32 $0x550, s9;
	v3 =	vld [tilespmem:s7+$0x2840]  }
0x354: {  	v59 =	vadd.s32 s28, v0;
	_ =	sdelay $0x3  }
0x355: {  	[tilespmem:s8+$0x6240] =	vst v3  }
0x356: {  	v3 =	vld.idx.msk [tilespmem:v59+s4+$0x0], $0xffff;
	_ =	sdelay $0x4  }
0x357: {  	[tilespmem:s8+$0x61D0] =	vst v3  }
0x358: {  	s29 =	sadd.s32 $0x560, s9;
	s30 =	sadd.s32 $0xA60, s8;
	v3 =	vld [tilespmem:s7+$0x2850]  }
0x359: {  	v60 =	vadd.s32 s29, v0;
	v5 =	vmov s30  }
0x35a: {  	v5 =	vshrl.u32 v5, $0x7  }
0x35b: {  	v5 =	vshll.u32 v5, v1  }
0x35c: {  	v5 =	vbroadcast v5, $0x0  }
0x35d: {  	[tilespmem:s8+$0x6250] =	vst v3  }
0x35e: {  	s31 =	sadd.s32 $0xAE0, s8;
	v61 =	vor.u32 v2, v5;
	v3 =	vld.idx.msk [tilespmem:v60+s4+$0x0], $0xffff  }
0x35f: {  	v62 =	vmov s31  }
0x360: {  	v5 =	vshrl.u32 v62, $0x7  }
0x361: {  	v5 =	vshll.u32 v5, v1  }
0x362: {  	v5 =	vbroadcast v5, $0x0  }
0x363: {  	s2 =	sadd.s32 $0x1, s2;
	[tilespmem:v61+s0+$0x0] =	vst.idx.msk $0x7f, v3  }
0x364: {  	p0 =	sne.s32 s2, $0x7;
	v63 =	vor.u32 v2, v5;
	v3 =	vld [tilespmem:s7+$0x2860]  }
.Ltmp18:
0x365: {  	_ = 	snop;
	(pc) =	sbr.rel @p0 .LBB2_26-.Ltmp18, $2  }
0x366: {  	_ =	sdelay $0x2  }
0x367: {  	s3 =	sadd.s32 $0x568, s3;
	s5 =	sadd.s32 $0x80, s5;
	s6 =	sadd.s32 $0xB00, s6;
	[tilespmem:v63+s0+$0x0] =	vst.idx.msk $0x7f, v3  }
0x368: {  	s0 =	simm.s32 $0x0  }
0x369: {  	s2 =	simm.s32 $0x5780;
	s3 =	rddreg [dreg:$0x4];
	s31 =	simm.s32 $0x5  }
0x36a: {  	[hbm4b:s3+s0] =	stream.linear.scatter [tilespmem:s2], [sflag:$0x5], $0x4D00, $0x38;
	[tilespmem:$0x1DB30] =	vst v63  }
0x36b: {  	_ =	swait.ge [sflag:s31], $0x4D00  }
0x36c: {  	[sflag:s31] =	ssyncset.done $0x0  }
0x36d: {  	[sflag:s31] =	ssyncadd.s32 $0xFFFFB300  }
.LBB2_30:
0x36e: {  	_ =	sfence.sel $0x180000  }
0x36f: {  	[bflag:$0x0] =	sbarrier.arrive $0xFFFF  }
0x370: {  	_ =	strace $0x90000047  }
0x371: {  	[bflag:$0x2] =	sbarrier.arrive $0xFFFF  }
0x372: {  	p0 =	sne.s32 s1, $0x0;
	s0 =	rddreg [dreg:$0x3]  }
0x373: {  	s0 =	sadd.s32 @!p0 $0x100000, s0  }
0x374: {  	[sflag:s0] =	ssyncadd.tile.s32 @!p0 $0x1;
	_ =	shalt  }
.Lfunc_end2:
_tile_overlayer_lowered:
.L_overlay_start_2:
0x375: {  	(tag) =	ssettag $0x2  }
0x376: {  	s0 =	rddreg [dreg:$0x0];
	s2 =	stileid.u32  }
0x377: {  	s1 =	rddreg [dreg:$0x1];
	p0 =	sne.s32 s2, $0x0  }
0x378: {  	s3 =	rddreg [dreg:$0x2];
	[bflag:$0x3] =	sbarrier.arrive $0xFFFF;
	s2 =	simm.s32 @!p0 $0x1C05  }
0x379: {  	[timem:s3], [sflag:s2] =	dma.local @!p0 [hbm:s0], s1  }
0x37a: {  	s0 =	simm.s32 @!p0 $0x5  }
0x37b: {  	_ =	swait.ge @!p0 [sflag:s0], s1  }
0x37c: {  	s1 =	ssub.s32 @!p0 $0x0, s1;
	[sflag:s0] =	ssyncset.done @!p0 $0x0  }
0x37d: {  	[sflag:s0] =	ssyncadd.s32 @!p0 s1  }
0x37e: {  	[bflag:$0x3] =	sbarrier.arrive $0xFFFF  }
0x37f: {  	_ =	shalt  }

</sc_bundles>
